<compile_context>
chip_gen: v7x
topology: tpu7x:2x2x1
jax: 0.10.2.dev20260603
libtpu: 0.0.44.dev20260713+nightly
codegen_flags: <defaults>
</compile_context>

<pallas_src>
import functools

import jax
import jax.numpy as jnp
from jax import lax
from jax.experimental import pallas as pl
from jax.experimental.pallas import tpu as pltpu
from jax.experimental.pallas import tpu_sc as plsc

N = 10000
E = 320000
FIN = 128
DH = 256
C = 40
CP = 128
NP = 10240
NW = 32
EP = 344064
EPW = EP // NW
CHUNK = 128
NCH = EPW // CHUNK
RPT = NP // 16
NB = 2
NI = 3
NGRP = NCH // 6
DGRP = NCH // 2


def _mesh():
    return plsc.VectorSubcoreMesh(core_axis_name="c", subcore_axis_name="s")


def _prop_body(y_hbm, src_hbm, dst_hbm, out_hbm, wid, sid, cid,
               rows, si_v, di_v, acc_sh, gsem, ssem, isem):
    def _idx(i, b):
        pltpu.async_copy(src_hbm.at[wid, i], si_v.at[b], isem[b])
        pltpu.async_copy(dst_hbm.at[wid, i], di_v.at[b], isem[b])

    def _idx_wait(i, b):
        pltpu.make_async_copy(src_hbm.at[wid, i], si_v.at[b], isem[b]).wait()
        pltpu.make_async_copy(dst_hbm.at[wid, i], di_v.at[b], isem[b]).wait()

    def _gather(ib, rb):
        pltpu.async_copy(y_hbm.at[si_v.at[ib]], rows[rb], gsem[rb])

    def _gather_wait(ib, rb):
        pltpu.make_async_copy(y_hbm.at[si_v.at[ib]], rows[rb],
                              gsem[rb]).wait()

    def _scat(ib, rb):
        pltpu.async_copy(rows[rb], acc_sh.at[di_v.at[ib]], ssem[rb],
                         add=True)

    def _scat_wait(ib, rb):
        pltpu.make_async_copy(rows[rb], acc_sh.at[di_v.at[ib]],
                              ssem[rb]).wait()

    _idx(0, 0)
    _idx(1, 1)
    _idx_wait(0, 0)
    _gather(0, 0)

    def _grp(k, _):
        for j in range(6):
            i = k * 6 + j
            rb, ib = j % 2, j % 3
            rb1, ib1 = (j + 1) % 2, (j + 1) % 3
            ib2 = (j + 2) % 3
            _gather_wait(ib, rb)
            _scat(ib, rb)
            if j == 0:
                @pl.when(k > 0)
                def _():
                    _scat_wait(ib1, rb1)

                _idx(i + 2, ib2)
            else:
                _scat_wait(ib1, rb1)
                if j < 4:
                    _idx(i + 2, ib2)
                else:
                    @pl.when(k < NGRP - 1)
                    def _():
                        _idx(i + 2, ib2)
            if j < 5:
                _idx_wait(i + 1, ib1)
                _gather(ib1, rb1)
            else:
                @pl.when(k < NGRP - 1)
                def _():
                    _idx_wait(i + 1, ib1)
                    _gather(ib1, rb1)
        return 0

    lax.fori_loop(0, NGRP, _grp, 0)
    _scat_wait((NCH - 1) % 3, (NCH - 1) % 2)
    plsc.subcore_barrier()
    pltpu.sync_copy(acc_sh.at[pl.ds(sid * RPT, RPT)],
                    out_hbm.at[cid, pl.ds(sid * RPT, RPT)])


@functools.partial(
    pl.kernel,
    out_type=jax.ShapeDtypeStruct((2, NP), jnp.float32),
    mesh=_mesh(),
    scratch_types=[
        pltpu.VMEM((NCH, CHUNK), jnp.int32),
        pltpu.VMEM((CHUNK,), jnp.float32),
        pltpu.VMEM((RPT,), jnp.float32),
        pltpu.VMEM_SHARED((NP,), jnp.float32),
        pltpu.SemaphoreType.DMA,
        pltpu.SemaphoreType.DMA,
    ],
)
def _deg_sc(dst_hbm, out_hbm, slab_v, ones_v, z_v, acc_sh, s0, s1):
    cid = lax.axis_index("c")
    sid = lax.axis_index("s")
    wid = cid * 16 + sid
    ssem = (s0, s1)

    def _fill(i, _):
        ones_v[pl.ds(i * 16, 16)] = jnp.ones((16,), jnp.float32)
        return 0

    lax.fori_loop(0, CHUNK // 16, _fill, 0)

    def _zero(i, _):
        z_v[pl.ds(i * 16, 16)] = jnp.zeros((16,), jnp.float32)
        return 0

    lax.fori_loop(0, RPT // 16, _zero, 0)
    pltpu.sync_copy(dst_hbm.at[wid], slab_v)
    pltpu.sync_copy(z_v, acc_sh.at[pl.ds(sid * RPT, RPT)])
    plsc.subcore_barrier()

    def _grp(k, _):
        for b in range(2):
            i = k * 2 + b

            @pl.when(k > 0)
            def _():
                pltpu.make_async_copy(
                    ones_v, acc_sh.at[slab_v.at[i]], ssem[b]).wait()

            pltpu.async_copy(ones_v, acc_sh.at[slab_v.at[i]], ssem[b],
                             add=True)
        return 0

    lax.fori_loop(0, DGRP, _grp, 0)
    for b in range(2):
        pltpu.make_async_copy(ones_v, acc_sh.at[slab_v.at[0]], ssem[b]).wait()
    plsc.subcore_barrier()
    pltpu.sync_copy(acc_sh.at[pl.ds(sid * RPT, RPT)],
                    out_hbm.at[cid, pl.ds(sid * RPT, RPT)])


def _make_prop(D):
    @functools.partial(
        pl.kernel,
        out_type=jax.ShapeDtypeStruct((2, NP, D), jnp.float32),
        mesh=_mesh(),
        scratch_types=[
            pltpu.VMEM((NI, CHUNK), jnp.int32),
            pltpu.VMEM((NI, CHUNK), jnp.int32),
            pltpu.VMEM((CHUNK, D), jnp.float32),
            pltpu.VMEM((CHUNK, D), jnp.float32),
            pltpu.VMEM_SHARED((NP, D), jnp.float32),
            pltpu.SemaphoreType.DMA,
            pltpu.SemaphoreType.DMA,
            pltpu.SemaphoreType.DMA,
            pltpu.SemaphoreType.DMA,
            pltpu.SemaphoreType.DMA,
            pltpu.SemaphoreType.DMA,
            pltpu.SemaphoreType.DMA,
        ],
    )
    def _prop(y_hbm, src_hbm, dst_hbm, zero_hbm, out_hbm,
              si_v, di_v, r0, r1, acc_sh, g0, g1, s0, s1, i0, i1, i2):
        cid = lax.axis_index("c")
        sid = lax.axis_index("s")
        wid = cid * 16 + sid
        pltpu.sync_copy(zero_hbm.at[pl.ds(sid * RPT, RPT)],
                        acc_sh.at[pl.ds(sid * RPT, RPT)])
        plsc.subcore_barrier()
        _prop_body(y_hbm, src_hbm, dst_hbm, out_hbm, wid, sid, cid,
                   (r0, r1), si_v, di_v, acc_sh, (g0, g1), (s0, s1),
                   (i0, i1, i2))

    return _prop


_prop_fin = _make_prop(FIN)
_prop_cp = _prop_fin


def _scale_body(deg_ref, x_ref, dinv_ref, y_ref):
    deg = deg_ref[0] + deg_ref[1]
    dinv = jnp.where(deg > 0, lax.rsqrt(deg), 0.0)
    dinv_ref[...] = dinv[:, None]
    y_ref[...] = x_ref[...] * dinv[:, None]


def _scale(deg01, xp):
    return pl.pallas_call(
        _scale_body,
        out_shape=(jax.ShapeDtypeStruct((NP, 1), jnp.float32),
                   jax.ShapeDtypeStruct((NP, FIN), jnp.float32)),
    )(deg01, xp)


def _mm_body(acc_ref, dinv_ref, w1_ref, b1_ref, w2_ref, y2_ref):
    dinv = dinv_ref[...]
    p1 = dinv * (acc_ref[0] + acc_ref[1])
    h = jnp.maximum(
        lax.dot_general(p1, w1_ref[...], (((1,), (0,)), ((), ())),
                        precision=lax.Precision.HIGHEST,
                        preferred_element_type=jnp.float32) + b1_ref[...],
        0.0)
    g = lax.dot_general(h, w2_ref[...], (((1,), (0,)), ((), ())),
                        precision=lax.Precision.HIGHEST,
                        preferred_element_type=jnp.float32)
    y2_ref[...] = dinv * g


def _mm(acc1, dinv, W1, b1, W2p):
    blk = 1024
    grid = NP // blk
    return pl.pallas_call(
        _mm_body,
        grid=(grid,),
        in_specs=[
            pl.BlockSpec((2, blk, FIN), lambda i: (0, i, 0)),
            pl.BlockSpec((blk, 1), lambda i: (i, 0)),
            pl.BlockSpec((FIN, DH), lambda i: (0, 0)),
            pl.BlockSpec((1, DH), lambda i: (0, 0)),
            pl.BlockSpec((DH, CP), lambda i: (0, 0)),
        ],
        out_specs=pl.BlockSpec((blk, CP), lambda i: (i, 0)),
        out_shape=jax.ShapeDtypeStruct((NP, CP), jnp.float32),
    )(acc1, dinv, W1, b1, W2p)


def _smax_body(acc_ref, dinv_ref, b2_ref, out_ref):
    z = dinv_ref[...] * (acc_ref[0, :, :C] + acc_ref[1, :, :C]) + b2_ref[...]
    m = jnp.max(z, axis=1, keepdims=True)
    e = jnp.exp(z - m)
    s = jnp.sum(e, axis=1, keepdims=True)
    out_ref[...] = z - (m + jnp.log(s))


def _smax(acc2, dinv, b2p):
    blk = 1000
    grid = N // blk
    return pl.pallas_call(
        _smax_body,
        grid=(grid,),
        in_specs=[
            pl.BlockSpec((2, blk, CP), lambda i: (0, i, 0)),
            pl.BlockSpec((blk, 1), lambda i: (i, 0)),
            pl.BlockSpec((1, C), lambda i: (0, 0)),
        ],
        out_specs=pl.BlockSpec((blk, C), lambda i: (i, 0)),
        out_shape=jax.ShapeDtypeStruct((N, C), jnp.float32),
    )(acc2, dinv, b2p)


def kernel(x, edge_index, W1, b1, W2, b2):
    src = edge_index[0].astype(jnp.int32)
    dst = edge_index[1].astype(jnp.int32)
    loops = jnp.arange(N, dtype=jnp.int32)
    padr = jnp.arange(EP - E - N, dtype=jnp.int32)
    src_all = jnp.concatenate([src, loops, padr % N])
    dst_all = jnp.concatenate([dst, loops, N + padr % (NP - N)])
    srcp = src_all.reshape(EPW, NW).T.reshape(NW, NCH, CHUNK)
    dstp = dst_all.reshape(EPW, NW).T.reshape(NW, NCH, CHUNK)
    xp = jnp.pad(x, ((0, NP - N), (0, 0)))
    z_fin = jnp.zeros((NP, FIN), jnp.float32)
    W2p = jnp.pad(W2, ((0, 0), (0, CP - C)))
    b2p = b2.reshape(1, C)

    deg01 = _deg_sc(dstp)
    dinv, y1 = _scale(deg01, xp)
    acc1 = _prop_fin(y1, srcp, dstp, z_fin)
    y2 = _mm(acc1, dinv, W1, b1.reshape(1, DH), W2p)
    acc2 = _prop_cp(y2, srcp, dstp, z_fin)
    return _smax(acc2, dinv, b2p)

# --- scband reference (transcript-rebuilt; emitter-appended) ---
"""Pipeline reference for scband-gcnmodel-22857815950038 (READ-ONLY COPY).

The authoritative reference and input builder live on the scoring server;
editing this copy changes nothing except your own understanding.
"""

import jax, jax.numpy as jnp
import numpy as np

N_NODES = 10000
N_EDGES = 320000
F_IN = 128
DIM_H = 256
NUM_CLASSES = 40


def gcn_conv(x, edge_index, W, b):
    n = x.shape[0]
    self_loops = jnp.arange(n, dtype=edge_index.dtype)
    src = jnp.concatenate([edge_index[0], self_loops])
    dst = jnp.concatenate([edge_index[1], self_loops])
    xw = x @ W
    ones = jnp.ones(src.shape[0], dtype=xw.dtype)
    deg = jnp.zeros(n, dtype=xw.dtype).at[dst].add(ones)
    dinv = jnp.where(deg > 0, 1.0 / jnp.sqrt(deg), 0.0)
    norm = dinv[src] * dinv[dst]
    msgs = xw[src] * norm[:, None]
    out = jnp.zeros((n, W.shape[1]), dtype=xw.dtype).at[dst].add(msgs)
    return out + b


def setup_inputs(seed: int = 0) -> dict:
    key = jax.random.key(seed)
    k_x, k_e, k_w1, k_b1, k_w2, k_b2 = jax.random.split(key, 6)
    x = jax.random.normal(k_x, (N_NODES, F_IN), dtype=jnp.float32)
    edge_index = jax.random.randint(k_e, (2, N_EDGES), 0, N_NODES, dtype=jnp.int64)
    s1 = 1.0 / np.sqrt(F_IN)
    s2 = 1.0 / np.sqrt(DIM_H)
    W1 = jax.random.uniform(k_w1, (F_IN, DIM_H), dtype=jnp.float32, minval=-s1, maxval=s1)
    b1 = jax.random.uniform(k_b1, (DIM_H,), dtype=jnp.float32, minval=-s1, maxval=s1)
    W2 = jax.random.uniform(k_w2, (DIM_H, NUM_CLASSES), dtype=jnp.float32, minval=-s2, maxval=s2)
    b2 = jax.random.uniform(k_b2, (NUM_CLASSES,), dtype=jnp.float32, minval=-s2, maxval=s2)
    return {"x": x, "edge_index": edge_index, "W1": W1, "b1": b1, "W2": W2, "b2": b2}


def reference(x, edge_index, W1, b1, W2, b2):
    h = jax.nn.relu(gcn_conv(x, edge_index, W1, b1))
    # dropout p=0.5 is identity in eval mode (training=False)
    h = gcn_conv(h, edge_index, W2, b2)
    return jax.nn.log_softmax(h, axis=1)

if __name__ == "__main__":
    import jax
    _d = setup_inputs()
    print(jax.jit(kernel)(*tuple(_d.values())))

</pallas_src>

<mosaic_0001>
#map = affine_map<(d0, d1) -> (0, 0)>
#map1 = affine_map<(d0, d1) -> (0, 0, 0)>
module attributes {stable_mosaic.version = 14 : i64} {
  func.func @_prop(%arg0: i32, %arg1: i32, %arg2: memref<10240x128xf32, #tpu.memory_space<hbm>>, %arg3: memref<32x84x128xi32, #tpu.memory_space<hbm>>, %arg4: memref<32x84x128xi32, #tpu.memory_space<hbm>>, %arg5: memref<10240x128xf32, #tpu.memory_space<hbm>>, %arg6: memref<2x10240x128xf32, #tpu.memory_space<hbm>>, %arg7: memref<3x128xi32, #tpu.memory_space<vmem>>, %arg8: memref<3x128xi32, #tpu.memory_space<vmem>>, %arg9: memref<128x128xf32, #tpu.memory_space<vmem>>, %arg10: memref<128x128xf32, #tpu.memory_space<vmem>>, %arg11: memref<10240x128xf32, #tpu.memory_space<vmem_shared>>, %arg12: memref<!tpu.dma_semaphore, #tpu.memory_space<semaphore_mem>>, %arg13: memref<!tpu.dma_semaphore, #tpu.memory_space<semaphore_mem>>, %arg14: memref<!tpu.dma_semaphore, #tpu.memory_space<semaphore_mem>>, %arg15: memref<!tpu.dma_semaphore, #tpu.memory_space<semaphore_mem>>, %arg16: memref<!tpu.dma_semaphore, #tpu.memory_space<semaphore_mem>>, %arg17: memref<!tpu.dma_semaphore, #tpu.memory_space<semaphore_mem>>, %arg18: memref<!tpu.dma_semaphore, #tpu.memory_space<semaphore_mem>>) attributes {dimension_semantics = [#tpu.dimension_semantics<core_parallel>, #tpu.dimension_semantics<subcore_parallel>], iteration_bounds = array<i64: 2, 16>, scalar_prefetch = 0 : i64, scratch_operands = 12 : i64, tpu.core_type = #tpu.core_type<sc_vector_subcore>, window_params = [{transform_indices = #map}, {transform_indices = #map1}, {transform_indices = #map1}, {transform_indices = #map}, {transform_indices = #map1}]} {
    %mul3A = arith.constant 16 : i32
    %mul3A_0 = arith.muli %arg0, %mul3A : i32
    %add3A = arith.addi %mul3A_0, %arg1 : i32
    %mul3A_1 = arith.constant 640 : i32
    %mul3A_2 = arith.muli %arg1, %mul3A_1 : i32
    %mul3A_3 = arith.constant 640 : i32
    %mul3A_4 = arith.muli %arg1, %mul3A_3 : i32
    "tpu.region"() ({
      %run_scoped3A = tpu.sem_alloc : memref<!tpu.dma_semaphore, #tpu.memory_space<semaphore_mem>>
      %dma_start3A_112 = arith.constant 0 : i32
      %dma_start3A_113 = tpu.memref_slice %arg11[%mul3A_4, %dma_start3A_112] : memref<10240x128xf32, #tpu.memory_space<vmem_shared>> -> memref<640x128xf32, #tpu.memory_space<vmem_shared>>
      %dma_start3A_114 = arith.constant 0 : i32
      %dma_start3A_115 = tpu.memref_slice %arg5[%mul3A_2, %dma_start3A_114] : memref<10240x128xf32, #tpu.memory_space<hbm>> -> memref<640x128xf32, #tpu.memory_space<hbm>>
      tpu.enqueue_dma source(%dma_start3A_115 : memref<640x128xf32, #tpu.memory_space<hbm>>) target(%dma_start3A_113 : memref<640x128xf32, #tpu.memory_space<vmem_shared>>) target_semaphore(%run_scoped3A : memref<!tpu.dma_semaphore, #tpu.memory_space<semaphore_mem>>)
      %dma_wait3A_116 = arith.constant 0 : i32
      %dma_wait3A_117 = tpu.memref_slice %arg11[%mul3A_4, %dma_wait3A_116] : memref<10240x128xf32, #tpu.memory_space<vmem_shared>> -> memref<640x128xf32, #tpu.memory_space<vmem_shared>>
      %dma_wait3A_118 = arith.constant 0 : i32
      %dma_wait3A_119 = tpu.memref_slice %arg5[%mul3A_2, %dma_wait3A_118] : memref<10240x128xf32, #tpu.memory_space<hbm>> -> memref<640x128xf32, #tpu.memory_space<hbm>>
      tpu.wait_dma2 semaphore(%run_scoped3A : memref<!tpu.dma_semaphore, #tpu.memory_space<semaphore_mem>>) src(%dma_wait3A_119 : memref<640x128xf32, #tpu.memory_space<hbm>>) dst(%dma_wait3A_117 : memref<640x128xf32, #tpu.memory_space<vmem_shared>>)
      tpu.yield
    }) : () -> ()
    %barrier3A = arith.constant 0 : index
    tpu.barrier barrier_id(%barrier3A)
    %dma_start3A = arith.constant 0 : i32
    %dma_start3A_5 = arith.constant 0 : i32
    %dma_start3A_6 = arith.constant 0 : i32
    %dma_start3A_7 = tpu.memref_slice %arg7[%dma_start3A_5, %dma_start3A_6] : memref<3x128xi32, #tpu.memory_space<vmem>> -> memref<1x128xi32, #tpu.memory_space<vmem>>
    %dma_start3A_8 = tpu.memref_squeeze %dma_start3A_7 : memref<1x128xi32, #tpu.memory_space<vmem>> -> memref<128xi32, #tpu.memory_space<vmem>>
    %dma_start3A_9 = arith.constant 0 : i32
    %dma_start3A_10 = tpu.memref_slice %arg3[%add3A, %dma_start3A, %dma_start3A_9] : memref<32x84x128xi32, #tpu.memory_space<hbm>> -> memref<1x1x128xi32, #tpu.memory_space<hbm>>
    %dma_start3A_11 = tpu.memref_squeeze %dma_start3A_10 : memref<1x1x128xi32, #tpu.memory_space<hbm>> -> memref<128xi32, #tpu.memory_space<hbm>>
    %dma_start3A_12 = arith.constant 0 : i32
    %dma_start3A_13 = tpu.memref_slice %arg7[%dma_start3A_5, %dma_start3A_12] : memref<3x128xi32, #tpu.memory_space<vmem>> -> memref<1x128xi32, #tpu.memory_space<vmem>>
    %dma_start3A_14 = tpu.memref_squeeze %dma_start3A_13 : memref<1x128xi32, #tpu.memory_space<vmem>> -> memref<128xi32, #tpu.memory_space<vmem>>
    %dma_start3A_15 = arith.constant 0 : i32
    %dma_start3A_16 = tpu.memref_slice %arg3[%add3A, %dma_start3A, %dma_start3A_15] : memref<32x84x128xi32, #tpu.memory_space<hbm>> -> memref<1x1x128xi32, #tpu.memory_space<hbm>>
    %dma_start3A_17 = tpu.memref_squeeze %dma_start3A_16 : memref<1x1x128xi32, #tpu.memory_space<hbm>> -> memref<128xi32, #tpu.memory_space<hbm>>
    tpu.enqueue_dma source(%dma_start3A_17 : memref<128xi32, #tpu.memory_space<hbm>>) target(%dma_start3A_14 : memref<128xi32, #tpu.memory_space<vmem>>) target_semaphore(%arg16 : memref<!tpu.dma_semaphore, #tpu.memory_space<semaphore_mem>>)
    %dma_start3A_18 = arith.constant 0 : i32
    %dma_start3A_19 = arith.constant 0 : i32
    %dma_start3A_20 = arith.constant 0 : i32
    %dma_start3A_21 = tpu.memref_slice %arg8[%dma_start3A_19, %dma_start3A_20] : memref<3x128xi32, #tpu.memory_space<vmem>> -> memref<1x128xi32, #tpu.memory_space<vmem>>
    %dma_start3A_22 = tpu.memref_squeeze %dma_start3A_21 : memref<1x128xi32, #tpu.memory_space<vmem>> -> memref<128xi32, #tpu.memory_space<vmem>>
    %dma_start3A_23 = arith.constant 0 : i32
    %dma_start3A_24 = tpu.memref_slice %arg4[%add3A, %dma_start3A_18, %dma_start3A_23] : memref<32x84x128xi32, #tpu.memory_space<hbm>> -> memref<1x1x128xi32, #tpu.memory_space<hbm>>
    %dma_start3A_25 = tpu.memref_squeeze %dma_start3A_24 : memref<1x1x128xi32, #tpu.memory_space<hbm>> -> memref<128xi32, #tpu.memory_space<hbm>>
    %dma_start3A_26 = arith.constant 0 : i32
    %dma_start3A_27 = tpu.memref_slice %arg8[%dma_start3A_19, %dma_start3A_26] : memref<3x128xi32, #tpu.memory_space<vmem>> -> memref<1x128xi32, #tpu.memory_space<vmem>>
    %dma_start3A_28 = tpu.memref_squeeze %dma_start3A_27 : memref<1x128xi32, #tpu.memory_space<vmem>> -> memref<128xi32, #tpu.memory_space<vmem>>
    %dma_start3A_29 = arith.constant 0 : i32
    %dma_start3A_30 = tpu.memref_slice %arg4[%add3A, %dma_start3A_18, %dma_start3A_29] : memref<32x84x128xi32, #tpu.memory_space<hbm>> -> memref<1x1x128xi32, #tpu.memory_space<hbm>>
    %dma_start3A_31 = tpu.memref_squeeze %dma_start3A_30 : memref<1x1x128xi32, #tpu.memory_space<hbm>> -> memref<128xi32, #tpu.memory_space<hbm>>
    tpu.enqueue_dma source(%dma_start3A_31 : memref<128xi32, #tpu.memory_space<hbm>>) target(%dma_start3A_28 : memref<128xi32, #tpu.memory_space<vmem>>) target_semaphore(%arg16 : memref<!tpu.dma_semaphore, #tpu.memory_space<semaphore_mem>>)
    %dma_start3A_32 = arith.constant 1 : i32
    %dma_start3A_33 = arith.constant 1 : i32
    %dma_start3A_34 = arith.constant 0 : i32
    %dma_start3A_35 = tpu.memref_slice %arg7[%dma_start3A_33, %dma_start3A_34] : memref<3x128xi32, #tpu.memory_space<vmem>> -> memref<1x128xi32, #tpu.memory_space<vmem>>
    %dma_start3A_36 = tpu.memref_squeeze %dma_start3A_35 : memref<1x128xi32, #tpu.memory_space<vmem>> -> memref<128xi32, #tpu.memory_space<vmem>>
    %dma_start3A_37 = arith.constant 0 : i32
    %dma_start3A_38 = tpu.memref_slice %arg3[%add3A, %dma_start3A_32, %dma_start3A_37] : memref<32x84x128xi32, #tpu.memory_space<hbm>> -> memref<1x1x128xi32, #tpu.memory_space<hbm>>
    %dma_start3A_39 = tpu.memref_squeeze %dma_start3A_38 : memref<1x1x128xi32, #tpu.memory_space<hbm>> -> memref<128xi32, #tpu.memory_space<hbm>>
    %dma_start3A_40 = arith.constant 0 : i32
    %dma_start3A_41 = tpu.memref_slice %arg7[%dma_start3A_33, %dma_start3A_40] : memref<3x128xi32, #tpu.memory_space<vmem>> -> memref<1x128xi32, #tpu.memory_space<vmem>>
    %dma_start3A_42 = tpu.memref_squeeze %dma_start3A_41 : memref<1x128xi32, #tpu.memory_space<vmem>> -> memref<128xi32, #tpu.memory_space<vmem>>
    %dma_start3A_43 = arith.constant 0 : i32
    %dma_start3A_44 = tpu.memref_slice %arg3[%add3A, %dma_start3A_32, %dma_start3A_43] : memref<32x84x128xi32, #tpu.memory_space<hbm>> -> memref<1x1x128xi32, #tpu.memory_space<hbm>>
    %dma_start3A_45 = tpu.memref_squeeze %dma_start3A_44 : memref<1x1x128xi32, #tpu.memory_space<hbm>> -> memref<128xi32, #tpu.memory_space<hbm>>
    tpu.enqueue_dma source(%dma_start3A_45 : memref<128xi32, #tpu.memory_space<hbm>>) target(%dma_start3A_42 : memref<128xi32, #tpu.memory_space<vmem>>) target_semaphore(%arg17 : memref<!tpu.dma_semaphore, #tpu.memory_space<semaphore_mem>>)
    %dma_start3A_46 = arith.constant 1 : i32
    %dma_start3A_47 = arith.constant 1 : i32
    %dma_start3A_48 = arith.constant 0 : i32
    %dma_start3A_49 = tpu.memref_slice %arg8[%dma_start3A_47, %dma_start3A_48] : memref<3x128xi32, #tpu.memory_space<vmem>> -> memref<1x128xi32, #tpu.memory_space<vmem>>
    %dma_start3A_50 = tpu.memref_squeeze %dma_start3A_49 : memref<1x128xi32, #tpu.memory_space<vmem>> -> memref<128xi32, #tpu.memory_space<vmem>>
    %dma_start3A_51 = arith.constant 0 : i32
    %dma_start3A_52 = tpu.memref_slice %arg4[%add3A, %dma_start3A_46, %dma_start3A_51] : memref<32x84x128xi32, #tpu.memory_space<hbm>> -> memref<1x1x128xi32, #tpu.memory_space<hbm>>
    %dma_start3A_53 = tpu.memref_squeeze %dma_start3A_52 : memref<1x1x128xi32, #tpu.memory_space<hbm>> -> memref<128xi32, #tpu.memory_space<hbm>>
    %dma_start3A_54 = arith.constant 0 : i32
    %dma_start3A_55 = tpu.memref_slice %arg8[%dma_start3A_47, %dma_start3A_54] : memref<3x128xi32, #tpu.memory_space<vmem>> -> memref<1x128xi32, #tpu.memory_space<vmem>>
    %dma_start3A_56 = tpu.memref_squeeze %dma_start3A_55 : memref<1x128xi32, #tpu.memory_space<vmem>> -> memref<128xi32, #tpu.memory_space<vmem>>
    %dma_start3A_57 = arith.constant 0 : i32
    %dma_start3A_58 = tpu.memref_slice %arg4[%add3A, %dma_start3A_46, %dma_start3A_57] : memref<32x84x128xi32, #tpu.memory_space<hbm>> -> memref<1x1x128xi32, #tpu.memory_space<hbm>>
    %dma_start3A_59 = tpu.memref_squeeze %dma_start3A_58 : memref<1x1x128xi32, #tpu.memory_space<hbm>> -> memref<128xi32, #tpu.memory_space<hbm>>
    tpu.enqueue_dma source(%dma_start3A_59 : memref<128xi32, #tpu.memory_space<hbm>>) target(%dma_start3A_56 : memref<128xi32, #tpu.memory_space<vmem>>) target_semaphore(%arg17 : memref<!tpu.dma_semaphore, #tpu.memory_space<semaphore_mem>>)
    %dma_wait3A = arith.constant 0 : i32
    %dma_wait3A_60 = arith.constant 0 : i32
    %dma_wait3A_61 = arith.constant 0 : i32
    %dma_wait3A_62 = tpu.memref_slice %arg7[%dma_wait3A_60, %dma_wait3A_61] : memref<3x128xi32, #tpu.memory_space<vmem>> -> memref<1x128xi32, #tpu.memory_space<vmem>>
    %dma_wait3A_63 = tpu.memref_squeeze %dma_wait3A_62 : memref<1x128xi32, #tpu.memory_space<vmem>> -> memref<128xi32, #tpu.memory_space<vmem>>
    %dma_wait3A_64 = arith.constant 0 : i32
    %dma_wait3A_65 = tpu.memref_slice %arg3[%add3A, %dma_wait3A, %dma_wait3A_64] : memref<32x84x128xi32, #tpu.memory_space<hbm>> -> memref<1x1x128xi32, #tpu.memory_space<hbm>>
    %dma_wait3A_66 = tpu.memref_squeeze %dma_wait3A_65 : memref<1x1x128xi32, #tpu.memory_space<hbm>> -> memref<128xi32, #tpu.memory_space<hbm>>
    %dma_wait3A_67 = arith.constant 0 : i32
    %dma_wait3A_68 = tpu.memref_slice %arg7[%dma_wait3A_60, %dma_wait3A_67] : memref<3x128xi32, #tpu.memory_space<vmem>> -> memref<1x128xi32, #tpu.memory_space<vmem>>
    %dma_wait3A_69 = tpu.memref_squeeze %dma_wait3A_68 : memref<1x128xi32, #tpu.memory_space<vmem>> -> memref<128xi32, #tpu.memory_space<vmem>>
    %dma_wait3A_70 = arith.constant 0 : i32
    %dma_wait3A_71 = tpu.memref_slice %arg3[%add3A, %dma_wait3A, %dma_wait3A_70] : memref<32x84x128xi32, #tpu.memory_space<hbm>> -> memref<1x1x128xi32, #tpu.memory_space<hbm>>
    %dma_wait3A_72 = tpu.memref_squeeze %dma_wait3A_71 : memref<1x1x128xi32, #tpu.memory_space<hbm>> -> memref<128xi32, #tpu.memory_space<hbm>>
    tpu.wait_dma2 semaphore(%arg16 : memref<!tpu.dma_semaphore, #tpu.memory_space<semaphore_mem>>) src(%dma_wait3A_72 : memref<128xi32, #tpu.memory_space<hbm>>) dst(%dma_wait3A_69 : memref<128xi32, #tpu.memory_space<vmem>>)
    %dma_wait3A_73 = arith.constant 0 : i32
    %dma_wait3A_74 = arith.constant 0 : i32
    %dma_wait3A_75 = arith.constant 0 : i32
    %dma_wait3A_76 = tpu.memref_slice %arg8[%dma_wait3A_74, %dma_wait3A_75] : memref<3x128xi32, #tpu.memory_space<vmem>> -> memref<1x128xi32, #tpu.memory_space<vmem>>
    %dma_wait3A_77 = tpu.memref_squeeze %dma_wait3A_76 : memref<1x128xi32, #tpu.memory_space<vmem>> -> memref<128xi32, #tpu.memory_space<vmem>>
    %dma_wait3A_78 = arith.constant 0 : i32
    %dma_wait3A_79 = tpu.memref_slice %arg4[%add3A, %dma_wait3A_73, %dma_wait3A_78] : memref<32x84x128xi32, #tpu.memory_space<hbm>> -> memref<1x1x128xi32, #tpu.memory_space<hbm>>
    %dma_wait3A_80 = tpu.memref_squeeze %dma_wait3A_79 : memref<1x1x128xi32, #tpu.memory_space<hbm>> -> memref<128xi32, #tpu.memory_space<hbm>>
    %dma_wait3A_81 = arith.constant 0 : i32
    %dma_wait3A_82 = tpu.memref_slice %arg8[%dma_wait3A_74, %dma_wait3A_81] : memref<3x128xi32, #tpu.memory_space<vmem>> -> memref<1x128xi32, #tpu.memory_space<vmem>>
    %dma_wait3A_83 = tpu.memref_squeeze %dma_wait3A_82 : memref<1x128xi32, #tpu.memory_space<vmem>> -> memref<128xi32, #tpu.memory_space<vmem>>
    %dma_wait3A_84 = arith.constant 0 : i32
    %dma_wait3A_85 = tpu.memref_slice %arg4[%add3A, %dma_wait3A_73, %dma_wait3A_84] : memref<32x84x128xi32, #tpu.memory_space<hbm>> -> memref<1x1x128xi32, #tpu.memory_space<hbm>>
    %dma_wait3A_86 = tpu.memref_squeeze %dma_wait3A_85 : memref<1x1x128xi32, #tpu.memory_space<hbm>> -> memref<128xi32, #tpu.memory_space<hbm>>
    tpu.wait_dma2 semaphore(%arg16 : memref<!tpu.dma_semaphore, #tpu.memory_space<semaphore_mem>>) src(%dma_wait3A_86 : memref<128xi32, #tpu.memory_space<hbm>>) dst(%dma_wait3A_83 : memref<128xi32, #tpu.memory_space<vmem>>)
    %dma_start3A_87 = arith.constant 0 : i32
    %dma_start3A_88 = arith.constant 0 : i32
    %dma_start3A_89 = tpu.memref_slice %arg7[%dma_start3A_87, %dma_start3A_88] : memref<3x128xi32, #tpu.memory_space<vmem>> -> memref<1x128xi32, #tpu.memory_space<vmem>>
    %dma_start3A_90 = tpu.memref_squeeze %dma_start3A_89 : memref<1x128xi32, #tpu.memory_space<vmem>> -> memref<128xi32, #tpu.memory_space<vmem>>
    %dma_start3A_91 = arith.constant 0 : i32
    %dma_start3A_92 = arith.constant 0 : i32
    %dma_start3A_93 = tpu.memref_slice %arg2[%dma_start3A_91, %dma_start3A_92] : memref<10240x128xf32, #tpu.memory_space<hbm>> -> memref<10240x128xf32, #tpu.memory_space<hbm>>
    tpu.enqueue_indirect_dma source(%dma_start3A_93 : memref<10240x128xf32, #tpu.memory_space<hbm>>) target(%arg9 : memref<128x128xf32, #tpu.memory_space<vmem>>) offsets(%dma_start3A_90 : memref<128xi32, #tpu.memory_space<vmem>>) semaphore(%arg12 : memref<!tpu.dma_semaphore, #tpu.memory_space<semaphore_mem>>)
    %scan3A = arith.constant 0 : i32
    %scan3A_94 = arith.constant 0 : i32
    %scan3A_95 = arith.constant 14 : i32
    %scan3A_96 = arith.addi %scan3A_94, %scan3A_95 : i32
    %scan3A_97 = arith.constant 1 : i32
    %scan3A_98 = scf.for %scan3A_112 = %scan3A_94 to %scan3A_96 step %scan3A_97 iter_args(%scan3A_113 = %scan3A) -> (i32)  : i32 {
      %mul3A_114 = arith.constant 6 : i32
      %mul3A_115 = arith.muli %scan3A_112, %mul3A_114 : i32
      %add3A_116 = arith.constant 0 : i32
      %add3A_117 = arith.addi %mul3A_115, %add3A_116 : i32
      %dma_wait3A_118 = arith.constant 0 : i32
      %dma_wait3A_119 = arith.constant 0 : i32
      %dma_wait3A_120 = tpu.memref_slice %arg7[%dma_wait3A_118, %dma_wait3A_119] : memref<3x128xi32, #tpu.memory_space<vmem>> -> memref<1x128xi32, #tpu.memory_space<vmem>>
      %dma_wait3A_121 = tpu.memref_squeeze %dma_wait3A_120 : memref<1x128xi32, #tpu.memory_space<vmem>> -> memref<128xi32, #tpu.memory_space<vmem>>
      %dma_wait3A_122 = arith.constant 0 : i32
      %dma_wait3A_123 = arith.constant 0 : i32
      %dma_wait3A_124 = tpu.memref_slice %arg2[%dma_wait3A_122, %dma_wait3A_123] : memref<10240x128xf32, #tpu.memory_space<hbm>> -> memref<10240x128xf32, #tpu.memory_space<hbm>>
      tpu.wait_indirect_dma semaphore(%arg12 : memref<!tpu.dma_semaphore, #tpu.memory_space<semaphore_mem>>) src(%dma_wait3A_124 : memref<10240x128xf32, #tpu.memory_space<hbm>>) dst(%arg9 : memref<128x128xf32, #tpu.memory_space<vmem>>)
      %dma_start3A_125 = arith.constant 0 : i32
      %dma_start3A_126 = arith.constant 0 : i32
      %dma_start3A_127 = tpu.memref_slice %arg8[%dma_start3A_125, %dma_start3A_126] : memref<3x128xi32, #tpu.memory_space<vmem>> -> memref<1x128xi32, #tpu.memory_space<vmem>>
      %dma_start3A_128 = tpu.memref_squeeze %dma_start3A_127 : memref<1x128xi32, #tpu.memory_space<vmem>> -> memref<128xi32, #tpu.memory_space<vmem>>
      %dma_start3A_129 = arith.constant 0 : i32
      %dma_start3A_130 = arith.constant 0 : i32
      %dma_start3A_131 = tpu.memref_slice %arg11[%dma_start3A_129, %dma_start3A_130] : memref<10240x128xf32, #tpu.memory_space<vmem_shared>> -> memref<10240x128xf32, #tpu.memory_space<vmem_shared>>
      tpu.enqueue_indirect_dma source(%arg9 : memref<128x128xf32, #tpu.memory_space<vmem>>) target(%dma_start3A_131 : memref<10240x128xf32, #tpu.memory_space<vmem_shared>>) offsets(%dma_start3A_128 : memref<128xi32, #tpu.memory_space<vmem>>) semaphore(%arg14 : memref<!tpu.dma_semaphore, #tpu.memory_space<semaphore_mem>>) {add = true}
      %gt3A = arith.constant 0 : i32
      %gt3A_132 = arith.cmpi sgt, %scan3A_112, %gt3A : i32
      %convert_element_type3A = arith.extui %gt3A_132 : i1 to i32
      %cond3A = arith.constant 0 : i32
      %cond3A_133 = arith.cmpi ne, %convert_element_type3A, %cond3A : i32
      scf.if %cond3A_133 {
        %dma_wait3A_561 = arith.constant 1 : i32
        %dma_wait3A_562 = arith.constant 0 : i32
        %dma_wait3A_563 = tpu.memref_slice %arg8[%dma_wait3A_561, %dma_wait3A_562] : memref<3x128xi32, #tpu.memory_space<vmem>> -> memref<1x128xi32, #tpu.memory_space<vmem>>
        %dma_wait3A_564 = tpu.memref_squeeze %dma_wait3A_563 : memref<1x128xi32, #tpu.memory_space<vmem>> -> memref<128xi32, #tpu.memory_space<vmem>>
        %dma_wait3A_565 = arith.constant 0 : i32
        %dma_wait3A_566 = arith.constant 0 : i32
        %dma_wait3A_567 = tpu.memref_slice %arg11[%dma_wait3A_565, %dma_wait3A_566] : memref<10240x128xf32, #tpu.memory_space<vmem_shared>> -> memref<10240x128xf32, #tpu.memory_space<vmem_shared>>
        tpu.wait_indirect_dma semaphore(%arg15 : memref<!tpu.dma_semaphore, #tpu.memory_space<semaphore_mem>>) src(%arg10 : memref<128x128xf32, #tpu.memory_space<vmem>>) dst(%dma_wait3A_567 : memref<10240x128xf32, #tpu.memory_space<vmem_shared>>)
      } else {
      }
      %add3A_134 = arith.constant 2 : i32
      %add3A_135 = arith.addi %add3A_117, %add3A_134 : i32
      %dma_start3A_136 = arith.constant 2 : i32
      %dma_start3A_137 = arith.constant 0 : i32
      %dma_start3A_138 = tpu.memref_slice %arg7[%dma_start3A_136, %dma_start3A_137] : memref<3x128xi32, #tpu.memory_space<vmem>> -> memref<1x128xi32, #tpu.memory_space<vmem>>
      %dma_start3A_139 = tpu.memref_squeeze %dma_start3A_138 : memref<1x128xi32, #tpu.memory_space<vmem>> -> memref<128xi32, #tpu.memory_space<vmem>>
      %dma_start3A_140 = arith.constant 0 : i32
      %dma_start3A_141 = tpu.memref_slice %arg3[%add3A, %add3A_135, %dma_start3A_140] : memref<32x84x128xi32, #tpu.memory_space<hbm>> -> memref<1x1x128xi32, #tpu.memory_space<hbm>>
      %dma_start3A_142 = tpu.memref_squeeze %dma_start3A_141 : memref<1x1x128xi32, #tpu.memory_space<hbm>> -> memref<128xi32, #tpu.memory_space<hbm>>
      %dma_start3A_143 = arith.constant 0 : i32
      %dma_start3A_144 = tpu.memref_slice %arg7[%dma_start3A_136, %dma_start3A_143] : memref<3x128xi32, #tpu.memory_space<vmem>> -> memref<1x128xi32, #tpu.memory_space<vmem>>
      %dma_start3A_145 = tpu.memref_squeeze %dma_start3A_144 : memref<1x128xi32, #tpu.memory_space<vmem>> -> memref<128xi32, #tpu.memory_space<vmem>>
      %dma_start3A_146 = arith.constant 0 : i32
      %dma_start3A_147 = tpu.memref_slice %arg3[%add3A, %add3A_135, %dma_start3A_146] : memref<32x84x128xi32, #tpu.memory_space<hbm>> -> memref<1x1x128xi32, #tpu.memory_space<hbm>>
      %dma_start3A_148 = tpu.memref_squeeze %dma_start3A_147 : memref<1x1x128xi32, #tpu.memory_space<hbm>> -> memref<128xi32, #tpu.memory_space<hbm>>
      tpu.enqueue_dma source(%dma_start3A_148 : memref<128xi32, #tpu.memory_space<hbm>>) target(%dma_start3A_145 : memref<128xi32, #tpu.memory_space<vmem>>) target_semaphore(%arg18 : memref<!tpu.dma_semaphore, #tpu.memory_space<semaphore_mem>>)
      %dma_start3A_149 = arith.constant 2 : i32
      %dma_start3A_150 = arith.constant 0 : i32
      %dma_start3A_151 = tpu.memref_slice %arg8[%dma_start3A_149, %dma_start3A_150] : memref<3x128xi32, #tpu.memory_space<vmem>> -> memref<1x128xi32, #tpu.memory_space<vmem>>
      %dma_start3A_152 = tpu.memref_squeeze %dma_start3A_151 : memref<1x128xi32, #tpu.memory_space<vmem>> -> memref<128xi32, #tpu.memory_space<vmem>>
      %dma_start3A_153 = arith.constant 0 : i32
      %dma_start3A_154 = tpu.memref_slice %arg4[%add3A, %add3A_135, %dma_start3A_153] : memref<32x84x128xi32, #tpu.memory_space<hbm>> -> memref<1x1x128xi32, #tpu.memory_space<hbm>>
      %dma_start3A_155 = tpu.memref_squeeze %dma_start3A_154 : memref<1x1x128xi32, #tpu.memory_space<hbm>> -> memref<128xi32, #tpu.memory_space<hbm>>
      %dma_start3A_156 = arith.constant 0 : i32
      %dma_start3A_157 = tpu.memref_slice %arg8[%dma_start3A_149, %dma_start3A_156] : memref<3x128xi32, #tpu.memory_space<vmem>> -> memref<1x128xi32, #tpu.memory_space<vmem>>
      %dma_start3A_158 = tpu.memref_squeeze %dma_start3A_157 : memref<1x128xi32, #tpu.memory_space<vmem>> -> memref<128xi32, #tpu.memory_space<vmem>>
      %dma_start3A_159 = arith.constant 0 : i32
      %dma_start3A_160 = tpu.memref_slice %arg4[%add3A, %add3A_135, %dma_start3A_159] : memref<32x84x128xi32, #tpu.memory_space<hbm>> -> memref<1x1x128xi32, #tpu.memory_space<hbm>>
      %dma_start3A_161 = tpu.memref_squeeze %dma_start3A_160 : memref<1x1x128xi32, #tpu.memory_space<hbm>> -> memref<128xi32, #tpu.memory_space<hbm>>
      tpu.enqueue_dma source(%dma_start3A_161 : memref<128xi32, #tpu.memory_space<hbm>>) target(%dma_start3A_158 : memref<128xi32, #tpu.memory_space<vmem>>) target_semaphore(%arg18 : memref<!tpu.dma_semaphore, #tpu.memory_space<semaphore_mem>>)
      %add3A_162 = arith.constant 1 : i32
      %add3A_163 = arith.addi %add3A_117, %add3A_162 : i32
      %dma_wait3A_164 = arith.constant 1 : i32
      %dma_wait3A_165 = arith.constant 0 : i32
      %dma_wait3A_166 = tpu.memref_slice %arg7[%dma_wait3A_164, %dma_wait3A_165] : memref<3x128xi32, #tpu.memory_space<vmem>> -> memref<1x128xi32, #tpu.memory_space<vmem>>
      %dma_wait3A_167 = tpu.memref_squeeze %dma_wait3A_166 : memref<1x128xi32, #tpu.memory_space<vmem>> -> memref<128xi32, #tpu.memory_space<vmem>>
      %dma_wait3A_168 = arith.constant 0 : i32
      %dma_wait3A_169 = tpu.memref_slice %arg3[%add3A, %add3A_163, %dma_wait3A_168] : memref<32x84x128xi32, #tpu.memory_space<hbm>> -> memref<1x1x128xi32, #tpu.memory_space<hbm>>
      %dma_wait3A_170 = tpu.memref_squeeze %dma_wait3A_169 : memref<1x1x128xi32, #tpu.memory_space<hbm>> -> memref<128xi32, #tpu.memory_space<hbm>>
      %dma_wait3A_171 = arith.constant 0 : i32
      %dma_wait3A_172 = tpu.memref_slice %arg7[%dma_wait3A_164, %dma_wait3A_171] : memref<3x128xi32, #tpu.memory_space<vmem>> -> memref<1x128xi32, #tpu.memory_space<vmem>>
      %dma_wait3A_173 = tpu.memref_squeeze %dma_wait3A_172 : memref<1x128xi32, #tpu.memory_space<vmem>> -> memref<128xi32, #tpu.memory_space<vmem>>
      %dma_wait3A_174 = arith.constant 0 : i32
      %dma_wait3A_175 = tpu.memref_slice %arg3[%add3A, %add3A_163, %dma_wait3A_174] : memref<32x84x128xi32, #tpu.memory_space<hbm>> -> memref<1x1x128xi32, #tpu.memory_space<hbm>>
      %dma_wait3A_176 = tpu.memref_squeeze %dma_wait3A_175 : memref<1x1x128xi32, #tpu.memory_space<hbm>> -> memref<128xi32, #tpu.memory_space<hbm>>
      tpu.wait_dma2 semaphore(%arg17 : memref<!tpu.dma_semaphore, #tpu.memory_space<semaphore_mem>>) src(%dma_wait3A_176 : memref<128xi32, #tpu.memory_space<hbm>>) dst(%dma_wait3A_173 : memref<128xi32, #tpu.memory_space<vmem>>)
      %dma_wait3A_177 = arith.constant 1 : i32
      %dma_wait3A_178 = arith.constant 0 : i32
      %dma_wait3A_179 = tpu.memref_slice %arg8[%dma_wait3A_177, %dma_wait3A_178] : memref<3x128xi32, #tpu.memory_space<vmem>> -> memref<1x128xi32, #tpu.memory_space<vmem>>
      %dma_wait3A_180 = tpu.memref_squeeze %dma_wait3A_179 : memref<1x128xi32, #tpu.memory_space<vmem>> -> memref<128xi32, #tpu.memory_space<vmem>>
      %dma_wait3A_181 = arith.constant 0 : i32
      %dma_wait3A_182 = tpu.memref_slice %arg4[%add3A, %add3A_163, %dma_wait3A_181] : memref<32x84x128xi32, #tpu.memory_space<hbm>> -> memref<1x1x128xi32, #tpu.memory_space<hbm>>
      %dma_wait3A_183 = tpu.memref_squeeze %dma_wait3A_182 : memref<1x1x128xi32, #tpu.memory_space<hbm>> -> memref<128xi32, #tpu.memory_space<hbm>>
      %dma_wait3A_184 = arith.constant 0 : i32
      %dma_wait3A_185 = tpu.memref_slice %arg8[%dma_wait3A_177, %dma_wait3A_184] : memref<3x128xi32, #tpu.memory_space<vmem>> -> memref<1x128xi32, #tpu.memory_space<vmem>>
      %dma_wait3A_186 = tpu.memref_squeeze %dma_wait3A_185 : memref<1x128xi32, #tpu.memory_space<vmem>> -> memref<128xi32, #tpu.memory_space<vmem>>
      %dma_wait3A_187 = arith.constant 0 : i32
      %dma_wait3A_188 = tpu.memref_slice %arg4[%add3A, %add3A_163, %dma_wait3A_187] : memref<32x84x128xi32, #tpu.memory_space<hbm>> -> memref<1x1x128xi32, #tpu.memory_space<hbm>>
      %dma_wait3A_189 = tpu.memref_squeeze %dma_wait3A_188 : memref<1x1x128xi32, #tpu.memory_space<hbm>> -> memref<128xi32, #tpu.memory_space<hbm>>
      tpu.wait_dma2 semaphore(%arg17 : memref<!tpu.dma_semaphore, #tpu.memory_space<semaphore_mem>>) src(%dma_wait3A_189 : memref<128xi32, #tpu.memory_space<hbm>>) dst(%dma_wait3A_186 : memref<128xi32, #tpu.memory_space<vmem>>)
      %dma_start3A_190 = arith.constant 1 : i32
      %dma_start3A_191 = arith.constant 0 : i32
      %dma_start3A_192 = tpu.memref_slice %arg7[%dma_start3A_190, %dma_start3A_191] : memref<3x128xi32, #tpu.memory_space<vmem>> -> memref<1x128xi32, #tpu.memory_space<vmem>>
      %dma_start3A_193 = tpu.memref_squeeze %dma_start3A_192 : memref<1x128xi32, #tpu.memory_space<vmem>> -> memref<128xi32, #tpu.memory_space<vmem>>
      %dma_start3A_194 = arith.constant 0 : i32
      %dma_start3A_195 = arith.constant 0 : i32
      %dma_start3A_196 = tpu.memref_slice %arg2[%dma_start3A_194, %dma_start3A_195] : memref<10240x128xf32, #tpu.memory_space<hbm>> -> memref<10240x128xf32, #tpu.memory_space<hbm>>
      tpu.enqueue_indirect_dma source(%dma_start3A_196 : memref<10240x128xf32, #tpu.memory_space<hbm>>) target(%arg10 : memref<128x128xf32, #tpu.memory_space<vmem>>) offsets(%dma_start3A_193 : memref<128xi32, #tpu.memory_space<vmem>>) semaphore(%arg13 : memref<!tpu.dma_semaphore, #tpu.memory_space<semaphore_mem>>)
      %mul3A_197 = arith.constant 6 : i32
      %mul3A_198 = arith.muli %scan3A_112, %mul3A_197 : i32
      %add3A_199 = arith.constant 1 : i32
      %add3A_200 = arith.addi %mul3A_198, %add3A_199 : i32
      %dma_wait3A_201 = arith.constant 1 : i32
      %dma_wait3A_202 = arith.constant 0 : i32
      %dma_wait3A_203 = tpu.memref_slice %arg7[%dma_wait3A_201, %dma_wait3A_202] : memref<3x128xi32, #tpu.memory_space<vmem>> -> memref<1x128xi32, #tpu.memory_space<vmem>>
      %dma_wait3A_204 = tpu.memref_squeeze %dma_wait3A_203 : memref<1x128xi32, #tpu.memory_space<vmem>> -> memref<128xi32, #tpu.memory_space<vmem>>
      %dma_wait3A_205 = arith.constant 0 : i32
      %dma_wait3A_206 = arith.constant 0 : i32
      %dma_wait3A_207 = tpu.memref_slice %arg2[%dma_wait3A_205, %dma_wait3A_206] : memref<10240x128xf32, #tpu.memory_space<hbm>> -> memref<10240x128xf32, #tpu.memory_space<hbm>>
      tpu.wait_indirect_dma semaphore(%arg13 : memref<!tpu.dma_semaphore, #tpu.memory_space<semaphore_mem>>) src(%dma_wait3A_207 : memref<10240x128xf32, #tpu.memory_space<hbm>>) dst(%arg10 : memref<128x128xf32, #tpu.memory_space<vmem>>)
      %dma_start3A_208 = arith.constant 1 : i32
      %dma_start3A_209 = arith.constant 0 : i32
      %dma_start3A_210 = tpu.memref_slice %arg8[%dma_start3A_208, %dma_start3A_209] : memref<3x128xi32, #tpu.memory_space<vmem>> -> memref<1x128xi32, #tpu.memory_space<vmem>>
      %dma_start3A_211 = tpu.memref_squeeze %dma_start3A_210 : memref<1x128xi32, #tpu.memory_space<vmem>> -> memref<128xi32, #tpu.memory_space<vmem>>
      %dma_start3A_212 = arith.constant 0 : i32
      %dma_start3A_213 = arith.constant 0 : i32
      %dma_start3A_214 = tpu.memref_slice %arg11[%dma_start3A_212, %dma_start3A_213] : memref<10240x128xf32, #tpu.memory_space<vmem_shared>> -> memref<10240x128xf32, #tpu.memory_space<vmem_shared>>
      tpu.enqueue_indirect_dma source(%arg10 : memref<128x128xf32, #tpu.memory_space<vmem>>) target(%dma_start3A_214 : memref<10240x128xf32, #tpu.memory_space<vmem_shared>>) offsets(%dma_start3A_211 : memref<128xi32, #tpu.memory_space<vmem>>) semaphore(%arg15 : memref<!tpu.dma_semaphore, #tpu.memory_space<semaphore_mem>>) {add = true}
      %dma_wait3A_215 = arith.constant 2 : i32
      %dma_wait3A_216 = arith.constant 0 : i32
      %dma_wait3A_217 = tpu.memref_slice %arg8[%dma_wait3A_215, %dma_wait3A_216] : memref<3x128xi32, #tpu.memory_space<vmem>> -> memref<1x128xi32, #tpu.memory_space<vmem>>
      %dma_wait3A_218 = tpu.memref_squeeze %dma_wait3A_217 : memref<1x128xi32, #tpu.memory_space<vmem>> -> memref<128xi32, #tpu.memory_space<vmem>>
      %dma_wait3A_219 = arith.constant 0 : i32
      %dma_wait3A_220 = arith.constant 0 : i32
      %dma_wait3A_221 = tpu.memref_slice %arg11[%dma_wait3A_219, %dma_wait3A_220] : memref<10240x128xf32, #tpu.memory_space<vmem_shared>> -> memref<10240x128xf32, #tpu.memory_space<vmem_shared>>
      tpu.wait_indirect_dma semaphore(%arg14 : memref<!tpu.dma_semaphore, #tpu.memory_space<semaphore_mem>>) src(%arg9 : memref<128x128xf32, #tpu.memory_space<vmem>>) dst(%dma_wait3A_221 : memref<10240x128xf32, #tpu.memory_space<vmem_shared>>)
      %add3A_222 = arith.constant 2 : i32
      %add3A_223 = arith.addi %add3A_200, %add3A_222 : i32
      %dma_start3A_224 = arith.constant 0 : i32
      %dma_start3A_225 = arith.constant 0 : i32
      %dma_start3A_226 = tpu.memref_slice %arg7[%dma_start3A_224, %dma_start3A_225] : memref<3x128xi32, #tpu.memory_space<vmem>> -> memref<1x128xi32, #tpu.memory_space<vmem>>
      %dma_start3A_227 = tpu.memref_squeeze %dma_start3A_226 : memref<1x128xi32, #tpu.memory_space<vmem>> -> memref<128xi32, #tpu.memory_space<vmem>>
      %dma_start3A_228 = arith.constant 0 : i32
      %dma_start3A_229 = tpu.memref_slice %arg3[%add3A, %add3A_223, %dma_start3A_228] : memref<32x84x128xi32, #tpu.memory_space<hbm>> -> memref<1x1x128xi32, #tpu.memory_space<hbm>>
      %dma_start3A_230 = tpu.memref_squeeze %dma_start3A_229 : memref<1x1x128xi32, #tpu.memory_space<hbm>> -> memref<128xi32, #tpu.memory_space<hbm>>
      %dma_start3A_231 = arith.constant 0 : i32
      %dma_start3A_232 = tpu.memref_slice %arg7[%dma_start3A_224, %dma_start3A_231] : memref<3x128xi32, #tpu.memory_space<vmem>> -> memref<1x128xi32, #tpu.memory_space<vmem>>
      %dma_start3A_233 = tpu.memref_squeeze %dma_start3A_232 : memref<1x128xi32, #tpu.memory_space<vmem>> -> memref<128xi32, #tpu.memory_space<vmem>>
      %dma_start3A_234 = arith.constant 0 : i32
      %dma_start3A_235 = tpu.memref_slice %arg3[%add3A, %add3A_223, %dma_start3A_234] : memref<32x84x128xi32, #tpu.memory_space<hbm>> -> memref<1x1x128xi32, #tpu.memory_space<hbm>>
      %dma_start3A_236 = tpu.memref_squeeze %dma_start3A_235 : memref<1x1x128xi32, #tpu.memory_space<hbm>> -> memref<128xi32, #tpu.memory_space<hbm>>
      tpu.enqueue_dma source(%dma_start3A_236 : memref<128xi32, #tpu.memory_space<hbm>>) target(%dma_start3A_233 : memref<128xi32, #tpu.memory_space<vmem>>) target_semaphore(%arg16 : memref<!tpu.dma_semaphore, #tpu.memory_space<semaphore_mem>>)
      %dma_start3A_237 = arith.constant 0 : i32
      %dma_start3A_238 = arith.constant 0 : i32
      %dma_start3A_239 = tpu.memref_slice %arg8[%dma_start3A_237, %dma_start3A_238] : memref<3x128xi32, #tpu.memory_space<vmem>> -> memref<1x128xi32, #tpu.memory_space<vmem>>
      %dma_start3A_240 = tpu.memref_squeeze %dma_start3A_239 : memref<1x128xi32, #tpu.memory_space<vmem>> -> memref<128xi32, #tpu.memory_space<vmem>>
      %dma_start3A_241 = arith.constant 0 : i32
      %dma_start3A_242 = tpu.memref_slice %arg4[%add3A, %add3A_223, %dma_start3A_241] : memref<32x84x128xi32, #tpu.memory_space<hbm>> -> memref<1x1x128xi32, #tpu.memory_space<hbm>>
      %dma_start3A_243 = tpu.memref_squeeze %dma_start3A_242 : memref<1x1x128xi32, #tpu.memory_space<hbm>> -> memref<128xi32, #tpu.memory_space<hbm>>
      %dma_start3A_244 = arith.constant 0 : i32
      %dma_start3A_245 = tpu.memref_slice %arg8[%dma_start3A_237, %dma_start3A_244] : memref<3x128xi32, #tpu.memory_space<vmem>> -> memref<1x128xi32, #tpu.memory_space<vmem>>
      %dma_start3A_246 = tpu.memref_squeeze %dma_start3A_245 : memref<1x128xi32, #tpu.memory_space<vmem>> -> memref<128xi32, #tpu.memory_space<vmem>>
      %dma_start3A_247 = arith.constant 0 : i32
      %dma_start3A_248 = tpu.memref_slice %arg4[%add3A, %add3A_223, %dma_start3A_247] : memref<32x84x128xi32, #tpu.memory_space<hbm>> -> memref<1x1x128xi32, #tpu.memory_space<hbm>>
      %dma_start3A_249 = tpu.memref_squeeze %dma_start3A_248 : memref<1x1x128xi32, #tpu.memory_space<hbm>> -> memref<128xi32, #tpu.memory_space<hbm>>
      tpu.enqueue_dma source(%dma_start3A_249 : memref<128xi32, #tpu.memory_space<hbm>>) target(%dma_start3A_246 : memref<128xi32, #tpu.memory_space<vmem>>) target_semaphore(%arg16 : memref<!tpu.dma_semaphore, #tpu.memory_space<semaphore_mem>>)
      %add3A_250 = arith.constant 1 : i32
      %add3A_251 = arith.addi %add3A_200, %add3A_250 : i32
      %dma_wait3A_252 = arith.constant 2 : i32
      %dma_wait3A_253 = arith.constant 0 : i32
      %dma_wait3A_254 = tpu.memref_slice %arg7[%dma_wait3A_252, %dma_wait3A_253] : memref<3x128xi32, #tpu.memory_space<vmem>> -> memref<1x128xi32, #tpu.memory_space<vmem>>
      %dma_wait3A_255 = tpu.memref_squeeze %dma_wait3A_254 : memref<1x128xi32, #tpu.memory_space<vmem>> -> memref<128xi32, #tpu.memory_space<vmem>>
      %dma_wait3A_256 = arith.constant 0 : i32
      %dma_wait3A_257 = tpu.memref_slice %arg3[%add3A, %add3A_251, %dma_wait3A_256] : memref<32x84x128xi32, #tpu.memory_space<hbm>> -> memref<1x1x128xi32, #tpu.memory_space<hbm>>
      %dma_wait3A_258 = tpu.memref_squeeze %dma_wait3A_257 : memref<1x1x128xi32, #tpu.memory_space<hbm>> -> memref<128xi32, #tpu.memory_space<hbm>>
      %dma_wait3A_259 = arith.constant 0 : i32
      %dma_wait3A_260 = tpu.memref_slice %arg7[%dma_wait3A_252, %dma_wait3A_259] : memref<3x128xi32, #tpu.memory_space<vmem>> -> memref<1x128xi32, #tpu.memory_space<vmem>>
      %dma_wait3A_261 = tpu.memref_squeeze %dma_wait3A_260 : memref<1x128xi32, #tpu.memory_space<vmem>> -> memref<128xi32, #tpu.memory_space<vmem>>
      %dma_wait3A_262 = arith.constant 0 : i32
      %dma_wait3A_263 = tpu.memref_slice %arg3[%add3A, %add3A_251, %dma_wait3A_262] : memref<32x84x128xi32, #tpu.memory_space<hbm>> -> memref<1x1x128xi32, #tpu.memory_space<hbm>>
      %dma_wait3A_264 = tpu.memref_squeeze %dma_wait3A_263 : memref<1x1x128xi32, #tpu.memory_space<hbm>> -> memref<128xi32, #tpu.memory_space<hbm>>
      tpu.wait_dma2 semaphore(%arg18 : memref<!tpu.dma_semaphore, #tpu.memory_space<semaphore_mem>>) src(%dma_wait3A_264 : memref<128xi32, #tpu.memory_space<hbm>>) dst(%dma_wait3A_261 : memref<128xi32, #tpu.memory_space<vmem>>)
      %dma_wait3A_265 = arith.constant 2 : i32
      %dma_wait3A_266 = arith.constant 0 : i32
      %dma_wait3A_267 = tpu.memref_slice %arg8[%dma_wait3A_265, %dma_wait3A_266] : memref<3x128xi32, #tpu.memory_space<vmem>> -> memref<1x128xi32, #tpu.memory_space<vmem>>
      %dma_wait3A_268 = tpu.memref_squeeze %dma_wait3A_267 : memref<1x128xi32, #tpu.memory_space<vmem>> -> memref<128xi32, #tpu.memory_space<vmem>>
      %dma_wait3A_269 = arith.constant 0 : i32
      %dma_wait3A_270 = tpu.memref_slice %arg4[%add3A, %add3A_251, %dma_wait3A_269] : memref<32x84x128xi32, #tpu.memory_space<hbm>> -> memref<1x1x128xi32, #tpu.memory_space<hbm>>
      %dma_wait3A_271 = tpu.memref_squeeze %dma_wait3A_270 : memref<1x1x128xi32, #tpu.memory_space<hbm>> -> memref<128xi32, #tpu.memory_space<hbm>>
      %dma_wait3A_272 = arith.constant 0 : i32
      %dma_wait3A_273 = tpu.memref_slice %arg8[%dma_wait3A_265, %dma_wait3A_272] : memref<3x128xi32, #tpu.memory_space<vmem>> -> memref<1x128xi32, #tpu.memory_space<vmem>>
      %dma_wait3A_274 = tpu.memref_squeeze %dma_wait3A_273 : memref<1x128xi32, #tpu.memory_space<vmem>> -> memref<128xi32, #tpu.memory_space<vmem>>
      %dma_wait3A_275 = arith.constant 0 : i32
      %dma_wait3A_276 = tpu.memref_slice %arg4[%add3A, %add3A_251, %dma_wait3A_275] : memref<32x84x128xi32, #tpu.memory_space<hbm>> -> memref<1x1x128xi32, #tpu.memory_space<hbm>>
      %dma_wait3A_277 = tpu.memref_squeeze %dma_wait3A_276 : memref<1x1x128xi32, #tpu.memory_space<hbm>> -> memref<128xi32, #tpu.memory_space<hbm>>
      tpu.wait_dma2 semaphore(%arg18 : memref<!tpu.dma_semaphore, #tpu.memory_space<semaphore_mem>>) src(%dma_wait3A_277 : memref<128xi32, #tpu.memory_space<hbm>>) dst(%dma_wait3A_274 : memref<128xi32, #tpu.memory_space<vmem>>)
      %dma_start3A_278 = arith.constant 2 : i32
      %dma_start3A_279 = arith.constant 0 : i32
      %dma_start3A_280 = tpu.memref_slice %arg7[%dma_start3A_278, %dma_start3A_279] : memref<3x128xi32, #tpu.memory_space<vmem>> -> memref<1x128xi32, #tpu.memory_space<vmem>>
      %dma_start3A_281 = tpu.memref_squeeze %dma_start3A_280 : memref<1x128xi32, #tpu.memory_space<vmem>> -> memref<128xi32, #tpu.memory_space<vmem>>
      %dma_start3A_282 = arith.constant 0 : i32
      %dma_start3A_283 = arith.constant 0 : i32
      %dma_start3A_284 = tpu.memref_slice %arg2[%dma_start3A_282, %dma_start3A_283] : memref<10240x128xf32, #tpu.memory_space<hbm>> -> memref<10240x128xf32, #tpu.memory_space<hbm>>
      tpu.enqueue_indirect_dma source(%dma_start3A_284 : memref<10240x128xf32, #tpu.memory_space<hbm>>) target(%arg9 : memref<128x128xf32, #tpu.memory_space<vmem>>) offsets(%dma_start3A_281 : memref<128xi32, #tpu.memory_space<vmem>>) semaphore(%arg12 : memref<!tpu.dma_semaphore, #tpu.memory_space<semaphore_mem>>)
      %mul3A_285 = arith.constant 6 : i32
      %mul3A_286 = arith.muli %scan3A_112, %mul3A_285 : i32
      %add3A_287 = arith.constant 2 : i32
      %add3A_288 = arith.addi %mul3A_286, %add3A_287 : i32
      %dma_wait3A_289 = arith.constant 2 : i32
      %dma_wait3A_290 = arith.constant 0 : i32
      %dma_wait3A_291 = tpu.memref_slice %arg7[%dma_wait3A_289, %dma_wait3A_290] : memref<3x128xi32, #tpu.memory_space<vmem>> -> memref<1x128xi32, #tpu.memory_space<vmem>>
      %dma_wait3A_292 = tpu.memref_squeeze %dma_wait3A_291 : memref<1x128xi32, #tpu.memory_space<vmem>> -> memref<128xi32, #tpu.memory_space<vmem>>
      %dma_wait3A_293 = arith.constant 0 : i32
      %dma_wait3A_294 = arith.constant 0 : i32
      %dma_wait3A_295 = tpu.memref_slice %arg2[%dma_wait3A_293, %dma_wait3A_294] : memref<10240x128xf32, #tpu.memory_space<hbm>> -> memref<10240x128xf32, #tpu.memory_space<hbm>>
      tpu.wait_indirect_dma semaphore(%arg12 : memref<!tpu.dma_semaphore, #tpu.memory_space<semaphore_mem>>) src(%dma_wait3A_295 : memref<10240x128xf32, #tpu.memory_space<hbm>>) dst(%arg9 : memref<128x128xf32, #tpu.memory_space<vmem>>)
      %dma_start3A_296 = arith.constant 2 : i32
      %dma_start3A_297 = arith.constant 0 : i32
      %dma_start3A_298 = tpu.memref_slice %arg8[%dma_start3A_296, %dma_start3A_297] : memref<3x128xi32, #tpu.memory_space<vmem>> -> memref<1x128xi32, #tpu.memory_space<vmem>>
      %dma_start3A_299 = tpu.memref_squeeze %dma_start3A_298 : memref<1x128xi32, #tpu.memory_space<vmem>> -> memref<128xi32, #tpu.memory_space<vmem>>
      %dma_start3A_300 = arith.constant 0 : i32
      %dma_start3A_301 = arith.constant 0 : i32
      %dma_start3A_302 = tpu.memref_slice %arg11[%dma_start3A_300, %dma_start3A_301] : memref<10240x128xf32, #tpu.memory_space<vmem_shared>> -> memref<10240x128xf32, #tpu.memory_space<vmem_shared>>
      tpu.enqueue_indirect_dma source(%arg9 : memref<128x128xf32, #tpu.memory_space<vmem>>) target(%dma_start3A_302 : memref<10240x128xf32, #tpu.memory_space<vmem_shared>>) offsets(%dma_start3A_299 : memref<128xi32, #tpu.memory_space<vmem>>) semaphore(%arg14 : memref<!tpu.dma_semaphore, #tpu.memory_space<semaphore_mem>>) {add = true}
      %dma_wait3A_303 = arith.constant 0 : i32
      %dma_wait3A_304 = arith.constant 0 : i32
      %dma_wait3A_305 = tpu.memref_slice %arg8[%dma_wait3A_303, %dma_wait3A_304] : memref<3x128xi32, #tpu.memory_space<vmem>> -> memref<1x128xi32, #tpu.memory_space<vmem>>
      %dma_wait3A_306 = tpu.memref_squeeze %dma_wait3A_305 : memref<1x128xi32, #tpu.memory_space<vmem>> -> memref<128xi32, #tpu.memory_space<vmem>>
      %dma_wait3A_307 = arith.constant 0 : i32
      %dma_wait3A_308 = arith.constant 0 : i32
      %dma_wait3A_309 = tpu.memref_slice %arg11[%dma_wait3A_307, %dma_wait3A_308] : memref<10240x128xf32, #tpu.memory_space<vmem_shared>> -> memref<10240x128xf32, #tpu.memory_space<vmem_shared>>
      tpu.wait_indirect_dma semaphore(%arg15 : memref<!tpu.dma_semaphore, #tpu.memory_space<semaphore_mem>>) src(%arg10 : memref<128x128xf32, #tpu.memory_space<vmem>>) dst(%dma_wait3A_309 : memref<10240x128xf32, #tpu.memory_space<vmem_shared>>)
      %add3A_310 = arith.constant 2 : i32
      %add3A_311 = arith.addi %add3A_288, %add3A_310 : i32
      %dma_start3A_312 = arith.constant 1 : i32
      %dma_start3A_313 = arith.constant 0 : i32
      %dma_start3A_314 = tpu.memref_slice %arg7[%dma_start3A_312, %dma_start3A_313] : memref<3x128xi32, #tpu.memory_space<vmem>> -> memref<1x128xi32, #tpu.memory_space<vmem>>
      %dma_start3A_315 = tpu.memref_squeeze %dma_start3A_314 : memref<1x128xi32, #tpu.memory_space<vmem>> -> memref<128xi32, #tpu.memory_space<vmem>>
      %dma_start3A_316 = arith.constant 0 : i32
      %dma_start3A_317 = tpu.memref_slice %arg3[%add3A, %add3A_311, %dma_start3A_316] : memref<32x84x128xi32, #tpu.memory_space<hbm>> -> memref<1x1x128xi32, #tpu.memory_space<hbm>>
      %dma_start3A_318 = tpu.memref_squeeze %dma_start3A_317 : memref<1x1x128xi32, #tpu.memory_space<hbm>> -> memref<128xi32, #tpu.memory_space<hbm>>
      %dma_start3A_319 = arith.constant 0 : i32
      %dma_start3A_320 = tpu.memref_slice %arg7[%dma_start3A_312, %dma_start3A_319] : memref<3x128xi32, #tpu.memory_space<vmem>> -> memref<1x128xi32, #tpu.memory_space<vmem>>
      %dma_start3A_321 = tpu.memref_squeeze %dma_start3A_320 : memref<1x128xi32, #tpu.memory_space<vmem>> -> memref<128xi32, #tpu.memory_space<vmem>>
      %dma_start3A_322 = arith.constant 0 : i32
      %dma_start3A_323 = tpu.memref_slice %arg3[%add3A, %add3A_311, %dma_start3A_322] : memref<32x84x128xi32, #tpu.memory_space<hbm>> -> memref<1x1x128xi32, #tpu.memory_space<hbm>>
      %dma_start3A_324 = tpu.memref_squeeze %dma_start3A_323 : memref<1x1x128xi32, #tpu.memory_space<hbm>> -> memref<128xi32, #tpu.memory_space<hbm>>
      tpu.enqueue_dma source(%dma_start3A_324 : memref<128xi32, #tpu.memory_space<hbm>>) target(%dma_start3A_321 : memref<128xi32, #tpu.memory_space<vmem>>) target_semaphore(%arg17 : memref<!tpu.dma_semaphore, #tpu.memory_space<semaphore_mem>>)
      %dma_start3A_325 = arith.constant 1 : i32
      %dma_start3A_326 = arith.constant 0 : i32
      %dma_start3A_327 = tpu.memref_slice %arg8[%dma_start3A_325, %dma_start3A_326] : memref<3x128xi32, #tpu.memory_space<vmem>> -> memref<1x128xi32, #tpu.memory_space<vmem>>
      %dma_start3A_328 = tpu.memref_squeeze %dma_start3A_327 : memref<1x128xi32, #tpu.memory_space<vmem>> -> memref<128xi32, #tpu.memory_space<vmem>>
      %dma_start3A_329 = arith.constant 0 : i32
      %dma_start3A_330 = tpu.memref_slice %arg4[%add3A, %add3A_311, %dma_start3A_329] : memref<32x84x128xi32, #tpu.memory_space<hbm>> -> memref<1x1x128xi32, #tpu.memory_space<hbm>>
      %dma_start3A_331 = tpu.memref_squeeze %dma_start3A_330 : memref<1x1x128xi32, #tpu.memory_space<hbm>> -> memref<128xi32, #tpu.memory_space<hbm>>
      %dma_start3A_332 = arith.constant 0 : i32
      %dma_start3A_333 = tpu.memref_slice %arg8[%dma_start3A_325, %dma_start3A_332] : memref<3x128xi32, #tpu.memory_space<vmem>> -> memref<1x128xi32, #tpu.memory_space<vmem>>
      %dma_start3A_334 = tpu.memref_squeeze %dma_start3A_333 : memref<1x128xi32, #tpu.memory_space<vmem>> -> memref<128xi32, #tpu.memory_space<vmem>>
      %dma_start3A_335 = arith.constant 0 : i32
      %dma_start3A_336 = tpu.memref_slice %arg4[%add3A, %add3A_311, %dma_start3A_335] : memref<32x84x128xi32, #tpu.memory_space<hbm>> -> memref<1x1x128xi32, #tpu.memory_space<hbm>>
      %dma_start3A_337 = tpu.memref_squeeze %dma_start3A_336 : memref<1x1x128xi32, #tpu.memory_space<hbm>> -> memref<128xi32, #tpu.memory_space<hbm>>
      tpu.enqueue_dma source(%dma_start3A_337 : memref<128xi32, #tpu.memory_space<hbm>>) target(%dma_start3A_334 : memref<128xi32, #tpu.memory_space<vmem>>) target_semaphore(%arg17 : memref<!tpu.dma_semaphore, #tpu.memory_space<semaphore_mem>>)
      %add3A_338 = arith.constant 1 : i32
      %add3A_339 = arith.addi %add3A_288, %add3A_338 : i32
      %dma_wait3A_340 = arith.constant 0 : i32
      %dma_wait3A_341 = arith.constant 0 : i32
      %dma_wait3A_342 = tpu.memref_slice %arg7[%dma_wait3A_340, %dma_wait3A_341] : memref<3x128xi32, #tpu.memory_space<vmem>> -> memref<1x128xi32, #tpu.memory_space<vmem>>
      %dma_wait3A_343 = tpu.memref_squeeze %dma_wait3A_342 : memref<1x128xi32, #tpu.memory_space<vmem>> -> memref<128xi32, #tpu.memory_space<vmem>>
      %dma_wait3A_344 = arith.constant 0 : i32
      %dma_wait3A_345 = tpu.memref_slice %arg3[%add3A, %add3A_339, %dma_wait3A_344] : memref<32x84x128xi32, #tpu.memory_space<hbm>> -> memref<1x1x128xi32, #tpu.memory_space<hbm>>
      %dma_wait3A_346 = tpu.memref_squeeze %dma_wait3A_345 : memref<1x1x128xi32, #tpu.memory_space<hbm>> -> memref<128xi32, #tpu.memory_space<hbm>>
      %dma_wait3A_347 = arith.constant 0 : i32
      %dma_wait3A_348 = tpu.memref_slice %arg7[%dma_wait3A_340, %dma_wait3A_347] : memref<3x128xi32, #tpu.memory_space<vmem>> -> memref<1x128xi32, #tpu.memory_space<vmem>>
      %dma_wait3A_349 = tpu.memref_squeeze %dma_wait3A_348 : memref<1x128xi32, #tpu.memory_space<vmem>> -> memref<128xi32, #tpu.memory_space<vmem>>
      %dma_wait3A_350 = arith.constant 0 : i32
      %dma_wait3A_351 = tpu.memref_slice %arg3[%add3A, %add3A_339, %dma_wait3A_350] : memref<32x84x128xi32, #tpu.memory_space<hbm>> -> memref<1x1x128xi32, #tpu.memory_space<hbm>>
      %dma_wait3A_352 = tpu.memref_squeeze %dma_wait3A_351 : memref<1x1x128xi32, #tpu.memory_space<hbm>> -> memref<128xi32, #tpu.memory_space<hbm>>
      tpu.wait_dma2 semaphore(%arg16 : memref<!tpu.dma_semaphore, #tpu.memory_space<semaphore_mem>>) src(%dma_wait3A_352 : memref<128xi32, #tpu.memory_space<hbm>>) dst(%dma_wait3A_349 : memref<128xi32, #tpu.memory_space<vmem>>)
      %dma_wait3A_353 = arith.constant 0 : i32
      %dma_wait3A_354 = arith.constant 0 : i32
      %dma_wait3A_355 = tpu.memref_slice %arg8[%dma_wait3A_353, %dma_wait3A_354] : memref<3x128xi32, #tpu.memory_space<vmem>> -> memref<1x128xi32, #tpu.memory_space<vmem>>
      %dma_wait3A_356 = tpu.memref_squeeze %dma_wait3A_355 : memref<1x128xi32, #tpu.memory_space<vmem>> -> memref<128xi32, #tpu.memory_space<vmem>>
      %dma_wait3A_357 = arith.constant 0 : i32
      %dma_wait3A_358 = tpu.memref_slice %arg4[%add3A, %add3A_339, %dma_wait3A_357] : memref<32x84x128xi32, #tpu.memory_space<hbm>> -> memref<1x1x128xi32, #tpu.memory_space<hbm>>
      %dma_wait3A_359 = tpu.memref_squeeze %dma_wait3A_358 : memref<1x1x128xi32, #tpu.memory_space<hbm>> -> memref<128xi32, #tpu.memory_space<hbm>>
      %dma_wait3A_360 = arith.constant 0 : i32
      %dma_wait3A_361 = tpu.memref_slice %arg8[%dma_wait3A_353, %dma_wait3A_360] : memref<3x128xi32, #tpu.memory_space<vmem>> -> memref<1x128xi32, #tpu.memory_space<vmem>>
      %dma_wait3A_362 = tpu.memref_squeeze %dma_wait3A_361 : memref<1x128xi32, #tpu.memory_space<vmem>> -> memref<128xi32, #tpu.memory_space<vmem>>
      %dma_wait3A_363 = arith.constant 0 : i32
      %dma_wait3A_364 = tpu.memref_slice %arg4[%add3A, %add3A_339, %dma_wait3A_363] : memref<32x84x128xi32, #tpu.memory_space<hbm>> -> memref<1x1x128xi32, #tpu.memory_space<hbm>>
      %dma_wait3A_365 = tpu.memref_squeeze %dma_wait3A_364 : memref<1x1x128xi32, #tpu.memory_space<hbm>> -> memref<128xi32, #tpu.memory_space<hbm>>
      tpu.wait_dma2 semaphore(%arg16 : memref<!tpu.dma_semaphore, #tpu.memory_space<semaphore_mem>>) src(%dma_wait3A_365 : memref<128xi32, #tpu.memory_space<hbm>>) dst(%dma_wait3A_362 : memref<128xi32, #tpu.memory_space<vmem>>)
      %dma_start3A_366 = arith.constant 0 : i32
      %dma_start3A_367 = arith.constant 0 : i32
      %dma_start3A_368 = tpu.memref_slice %arg7[%dma_start3A_366, %dma_start3A_367] : memref<3x128xi32, #tpu.memory_space<vmem>> -> memref<1x128xi32, #tpu.memory_space<vmem>>
      %dma_start3A_369 = tpu.memref_squeeze %dma_start3A_368 : memref<1x128xi32, #tpu.memory_space<vmem>> -> memref<128xi32, #tpu.memory_space<vmem>>
      %dma_start3A_370 = arith.constant 0 : i32
      %dma_start3A_371 = arith.constant 0 : i32
      %dma_start3A_372 = tpu.memref_slice %arg2[%dma_start3A_370, %dma_start3A_371] : memref<10240x128xf32, #tpu.memory_space<hbm>> -> memref<10240x128xf32, #tpu.memory_space<hbm>>
      tpu.enqueue_indirect_dma source(%dma_start3A_372 : memref<10240x128xf32, #tpu.memory_space<hbm>>) target(%arg10 : memref<128x128xf32, #tpu.memory_space<vmem>>) offsets(%dma_start3A_369 : memref<128xi32, #tpu.memory_space<vmem>>) semaphore(%arg13 : memref<!tpu.dma_semaphore, #tpu.memory_space<semaphore_mem>>)
      %mul3A_373 = arith.constant 6 : i32
      %mul3A_374 = arith.muli %scan3A_112, %mul3A_373 : i32
      %add3A_375 = arith.constant 3 : i32
      %add3A_376 = arith.addi %mul3A_374, %add3A_375 : i32
      %dma_wait3A_377 = arith.constant 0 : i32
      %dma_wait3A_378 = arith.constant 0 : i32
      %dma_wait3A_379 = tpu.memref_slice %arg7[%dma_wait3A_377, %dma_wait3A_378] : memref<3x128xi32, #tpu.memory_space<vmem>> -> memref<1x128xi32, #tpu.memory_space<vmem>>
      %dma_wait3A_380 = tpu.memref_squeeze %dma_wait3A_379 : memref<1x128xi32, #tpu.memory_space<vmem>> -> memref<128xi32, #tpu.memory_space<vmem>>
      %dma_wait3A_381 = arith.constant 0 : i32
      %dma_wait3A_382 = arith.constant 0 : i32
      %dma_wait3A_383 = tpu.memref_slice %arg2[%dma_wait3A_381, %dma_wait3A_382] : memref<10240x128xf32, #tpu.memory_space<hbm>> -> memref<10240x128xf32, #tpu.memory_space<hbm>>
      tpu.wait_indirect_dma semaphore(%arg13 : memref<!tpu.dma_semaphore, #tpu.memory_space<semaphore_mem>>) src(%dma_wait3A_383 : memref<10240x128xf32, #tpu.memory_space<hbm>>) dst(%arg10 : memref<128x128xf32, #tpu.memory_space<vmem>>)
      %dma_start3A_384 = arith.constant 0 : i32
      %dma_start3A_385 = arith.constant 0 : i32
      %dma_start3A_386 = tpu.memref_slice %arg8[%dma_start3A_384, %dma_start3A_385] : memref<3x128xi32, #tpu.memory_space<vmem>> -> memref<1x128xi32, #tpu.memory_space<vmem>>
      %dma_start3A_387 = tpu.memref_squeeze %dma_start3A_386 : memref<1x128xi32, #tpu.memory_space<vmem>> -> memref<128xi32, #tpu.memory_space<vmem>>
      %dma_start3A_388 = arith.constant 0 : i32
      %dma_start3A_389 = arith.constant 0 : i32
      %dma_start3A_390 = tpu.memref_slice %arg11[%dma_start3A_388, %dma_start3A_389] : memref<10240x128xf32, #tpu.memory_space<vmem_shared>> -> memref<10240x128xf32, #tpu.memory_space<vmem_shared>>
      tpu.enqueue_indirect_dma source(%arg10 : memref<128x128xf32, #tpu.memory_space<vmem>>) target(%dma_start3A_390 : memref<10240x128xf32, #tpu.memory_space<vmem_shared>>) offsets(%dma_start3A_387 : memref<128xi32, #tpu.memory_space<vmem>>) semaphore(%arg15 : memref<!tpu.dma_semaphore, #tpu.memory_space<semaphore_mem>>) {add = true}
      %dma_wait3A_391 = arith.constant 1 : i32
      %dma_wait3A_392 = arith.constant 0 : i32
      %dma_wait3A_393 = tpu.memref_slice %arg8[%dma_wait3A_391, %dma_wait3A_392] : memref<3x128xi32, #tpu.memory_space<vmem>> -> memref<1x128xi32, #tpu.memory_space<vmem>>
      %dma_wait3A_394 = tpu.memref_squeeze %dma_wait3A_393 : memref<1x128xi32, #tpu.memory_space<vmem>> -> memref<128xi32, #tpu.memory_space<vmem>>
      %dma_wait3A_395 = arith.constant 0 : i32
      %dma_wait3A_396 = arith.constant 0 : i32
      %dma_wait3A_397 = tpu.memref_slice %arg11[%dma_wait3A_395, %dma_wait3A_396] : memref<10240x128xf32, #tpu.memory_space<vmem_shared>> -> memref<10240x128xf32, #tpu.memory_space<vmem_shared>>
      tpu.wait_indirect_dma semaphore(%arg14 : memref<!tpu.dma_semaphore, #tpu.memory_space<semaphore_mem>>) src(%arg9 : memref<128x128xf32, #tpu.memory_space<vmem>>) dst(%dma_wait3A_397 : memref<10240x128xf32, #tpu.memory_space<vmem_shared>>)
      %add3A_398 = arith.constant 2 : i32
      %add3A_399 = arith.addi %add3A_376, %add3A_398 : i32
      %dma_start3A_400 = arith.constant 2 : i32
      %dma_start3A_401 = arith.constant 0 : i32
      %dma_start3A_402 = tpu.memref_slice %arg7[%dma_start3A_400, %dma_start3A_401] : memref<3x128xi32, #tpu.memory_space<vmem>> -> memref<1x128xi32, #tpu.memory_space<vmem>>
      %dma_start3A_403 = tpu.memref_squeeze %dma_start3A_402 : memref<1x128xi32, #tpu.memory_space<vmem>> -> memref<128xi32, #tpu.memory_space<vmem>>
      %dma_start3A_404 = arith.constant 0 : i32
      %dma_start3A_405 = tpu.memref_slice %arg3[%add3A, %add3A_399, %dma_start3A_404] : memref<32x84x128xi32, #tpu.memory_space<hbm>> -> memref<1x1x128xi32, #tpu.memory_space<hbm>>
      %dma_start3A_406 = tpu.memref_squeeze %dma_start3A_405 : memref<1x1x128xi32, #tpu.memory_space<hbm>> -> memref<128xi32, #tpu.memory_space<hbm>>
      %dma_start3A_407 = arith.constant 0 : i32
      %dma_start3A_408 = tpu.memref_slice %arg7[%dma_start3A_400, %dma_start3A_407] : memref<3x128xi32, #tpu.memory_space<vmem>> -> memref<1x128xi32, #tpu.memory_space<vmem>>
      %dma_start3A_409 = tpu.memref_squeeze %dma_start3A_408 : memref<1x128xi32, #tpu.memory_space<vmem>> -> memref<128xi32, #tpu.memory_space<vmem>>
      %dma_start3A_410 = arith.constant 0 : i32
      %dma_start3A_411 = tpu.memref_slice %arg3[%add3A, %add3A_399, %dma_start3A_410] : memref<32x84x128xi32, #tpu.memory_space<hbm>> -> memref<1x1x128xi32, #tpu.memory_space<hbm>>
      %dma_start3A_412 = tpu.memref_squeeze %dma_start3A_411 : memref<1x1x128xi32, #tpu.memory_space<hbm>> -> memref<128xi32, #tpu.memory_space<hbm>>
      tpu.enqueue_dma source(%dma_start3A_412 : memref<128xi32, #tpu.memory_space<hbm>>) target(%dma_start3A_409 : memref<128xi32, #tpu.memory_space<vmem>>) target_semaphore(%arg18 : memref<!tpu.dma_semaphore, #tpu.memory_space<semaphore_mem>>)
      %dma_start3A_413 = arith.constant 2 : i32
      %dma_start3A_414 = arith.constant 0 : i32
      %dma_start3A_415 = tpu.memref_slice %arg8[%dma_start3A_413, %dma_start3A_414] : memref<3x128xi32, #tpu.memory_space<vmem>> -> memref<1x128xi32, #tpu.memory_space<vmem>>
      %dma_start3A_416 = tpu.memref_squeeze %dma_start3A_415 : memref<1x128xi32, #tpu.memory_space<vmem>> -> memref<128xi32, #tpu.memory_space<vmem>>
      %dma_start3A_417 = arith.constant 0 : i32
      %dma_start3A_418 = tpu.memref_slice %arg4[%add3A, %add3A_399, %dma_start3A_417] : memref<32x84x128xi32, #tpu.memory_space<hbm>> -> memref<1x1x128xi32, #tpu.memory_space<hbm>>
      %dma_start3A_419 = tpu.memref_squeeze %dma_start3A_418 : memref<1x1x128xi32, #tpu.memory_space<hbm>> -> memref<128xi32, #tpu.memory_space<hbm>>
      %dma_start3A_420 = arith.constant 0 : i32
      %dma_start3A_421 = tpu.memref_slice %arg8[%dma_start3A_413, %dma_start3A_420] : memref<3x128xi32, #tpu.memory_space<vmem>> -> memref<1x128xi32, #tpu.memory_space<vmem>>
      %dma_start3A_422 = tpu.memref_squeeze %dma_start3A_421 : memref<1x128xi32, #tpu.memory_space<vmem>> -> memref<128xi32, #tpu.memory_space<vmem>>
      %dma_start3A_423 = arith.constant 0 : i32
      %dma_start3A_424 = tpu.memref_slice %arg4[%add3A, %add3A_399, %dma_start3A_423] : memref<32x84x128xi32, #tpu.memory_space<hbm>> -> memref<1x1x128xi32, #tpu.memory_space<hbm>>
      %dma_start3A_425 = tpu.memref_squeeze %dma_start3A_424 : memref<1x1x128xi32, #tpu.memory_space<hbm>> -> memref<128xi32, #tpu.memory_space<hbm>>
      tpu.enqueue_dma source(%dma_start3A_425 : memref<128xi32, #tpu.memory_space<hbm>>) target(%dma_start3A_422 : memref<128xi32, #tpu.memory_space<vmem>>) target_semaphore(%arg18 : memref<!tpu.dma_semaphore, #tpu.memory_space<semaphore_mem>>)
      %add3A_426 = arith.constant 1 : i32
      %add3A_427 = arith.addi %add3A_376, %add3A_426 : i32
      %dma_wait3A_428 = arith.constant 1 : i32
      %dma_wait3A_429 = arith.constant 0 : i32
      %dma_wait3A_430 = tpu.memref_slice %arg7[%dma_wait3A_428, %dma_wait3A_429] : memref<3x128xi32, #tpu.memory_space<vmem>> -> memref<1x128xi32, #tpu.memory_space<vmem>>
      %dma_wait3A_431 = tpu.memref_squeeze %dma_wait3A_430 : memref<1x128xi32, #tpu.memory_space<vmem>> -> memref<128xi32, #tpu.memory_space<vmem>>
      %dma_wait3A_432 = arith.constant 0 : i32
      %dma_wait3A_433 = tpu.memref_slice %arg3[%add3A, %add3A_427, %dma_wait3A_432] : memref<32x84x128xi32, #tpu.memory_space<hbm>> -> memref<1x1x128xi32, #tpu.memory_space<hbm>>
      %dma_wait3A_434 = tpu.memref_squeeze %dma_wait3A_433 : memref<1x1x128xi32, #tpu.memory_space<hbm>> -> memref<128xi32, #tpu.memory_space<hbm>>
      %dma_wait3A_435 = arith.constant 0 : i32
      %dma_wait3A_436 = tpu.memref_slice %arg7[%dma_wait3A_428, %dma_wait3A_435] : memref<3x128xi32, #tpu.memory_space<vmem>> -> memref<1x128xi32, #tpu.memory_space<vmem>>
      %dma_wait3A_437 = tpu.memref_squeeze %dma_wait3A_436 : memref<1x128xi32, #tpu.memory_space<vmem>> -> memref<128xi32, #tpu.memory_space<vmem>>
      %dma_wait3A_438 = arith.constant 0 : i32
      %dma_wait3A_439 = tpu.memref_slice %arg3[%add3A, %add3A_427, %dma_wait3A_438] : memref<32x84x128xi32, #tpu.memory_space<hbm>> -> memref<1x1x128xi32, #tpu.memory_space<hbm>>
      %dma_wait3A_440 = tpu.memref_squeeze %dma_wait3A_439 : memref<1x1x128xi32, #tpu.memory_space<hbm>> -> memref<128xi32, #tpu.memory_space<hbm>>
      tpu.wait_dma2 semaphore(%arg17 : memref<!tpu.dma_semaphore, #tpu.memory_space<semaphore_mem>>) src(%dma_wait3A_440 : memref<128xi32, #tpu.memory_space<hbm>>) dst(%dma_wait3A_437 : memref<128xi32, #tpu.memory_space<vmem>>)
      %dma_wait3A_441 = arith.constant 1 : i32
      %dma_wait3A_442 = arith.constant 0 : i32
      %dma_wait3A_443 = tpu.memref_slice %arg8[%dma_wait3A_441, %dma_wait3A_442] : memref<3x128xi32, #tpu.memory_space<vmem>> -> memref<1x128xi32, #tpu.memory_space<vmem>>
      %dma_wait3A_444 = tpu.memref_squeeze %dma_wait3A_443 : memref<1x128xi32, #tpu.memory_space<vmem>> -> memref<128xi32, #tpu.memory_space<vmem>>
      %dma_wait3A_445 = arith.constant 0 : i32
      %dma_wait3A_446 = tpu.memref_slice %arg4[%add3A, %add3A_427, %dma_wait3A_445] : memref<32x84x128xi32, #tpu.memory_space<hbm>> -> memref<1x1x128xi32, #tpu.memory_space<hbm>>
      %dma_wait3A_447 = tpu.memref_squeeze %dma_wait3A_446 : memref<1x1x128xi32, #tpu.memory_space<hbm>> -> memref<128xi32, #tpu.memory_space<hbm>>
      %dma_wait3A_448 = arith.constant 0 : i32
      %dma_wait3A_449 = tpu.memref_slice %arg8[%dma_wait3A_441, %dma_wait3A_448] : memref<3x128xi32, #tpu.memory_space<vmem>> -> memref<1x128xi32, #tpu.memory_space<vmem>>
      %dma_wait3A_450 = tpu.memref_squeeze %dma_wait3A_449 : memref<1x128xi32, #tpu.memory_space<vmem>> -> memref<128xi32, #tpu.memory_space<vmem>>
      %dma_wait3A_451 = arith.constant 0 : i32
      %dma_wait3A_452 = tpu.memref_slice %arg4[%add3A, %add3A_427, %dma_wait3A_451] : memref<32x84x128xi32, #tpu.memory_space<hbm>> -> memref<1x1x128xi32, #tpu.memory_space<hbm>>
      %dma_wait3A_453 = tpu.memref_squeeze %dma_wait3A_452 : memref<1x1x128xi32, #tpu.memory_space<hbm>> -> memref<128xi32, #tpu.memory_space<hbm>>
      tpu.wait_dma2 semaphore(%arg17 : memref<!tpu.dma_semaphore, #tpu.memory_space<semaphore_mem>>) src(%dma_wait3A_453 : memref<128xi32, #tpu.memory_space<hbm>>) dst(%dma_wait3A_450 : memref<128xi32, #tpu.memory_space<vmem>>)
      %dma_start3A_454 = arith.constant 1 : i32
      %dma_start3A_455 = arith.constant 0 : i32
      %dma_start3A_456 = tpu.memref_slice %arg7[%dma_start3A_454, %dma_start3A_455] : memref<3x128xi32, #tpu.memory_space<vmem>> -> memref<1x128xi32, #tpu.memory_space<vmem>>
      %dma_start3A_457 = tpu.memref_squeeze %dma_start3A_456 : memref<1x128xi32, #tpu.memory_space<vmem>> -> memref<128xi32, #tpu.memory_space<vmem>>
      %dma_start3A_458 = arith.constant 0 : i32
      %dma_start3A_459 = arith.constant 0 : i32
      %dma_start3A_460 = tpu.memref_slice %arg2[%dma_start3A_458, %dma_start3A_459] : memref<10240x128xf32, #tpu.memory_space<hbm>> -> memref<10240x128xf32, #tpu.memory_space<hbm>>
      tpu.enqueue_indirect_dma source(%dma_start3A_460 : memref<10240x128xf32, #tpu.memory_space<hbm>>) target(%arg9 : memref<128x128xf32, #tpu.memory_space<vmem>>) offsets(%dma_start3A_457 : memref<128xi32, #tpu.memory_space<vmem>>) semaphore(%arg12 : memref<!tpu.dma_semaphore, #tpu.memory_space<semaphore_mem>>)
      %mul3A_461 = arith.constant 6 : i32
      %mul3A_462 = arith.muli %scan3A_112, %mul3A_461 : i32
      %add3A_463 = arith.constant 4 : i32
      %add3A_464 = arith.addi %mul3A_462, %add3A_463 : i32
      %dma_wait3A_465 = arith.constant 1 : i32
      %dma_wait3A_466 = arith.constant 0 : i32
      %dma_wait3A_467 = tpu.memref_slice %arg7[%dma_wait3A_465, %dma_wait3A_466] : memref<3x128xi32, #tpu.memory_space<vmem>> -> memref<1x128xi32, #tpu.memory_space<vmem>>
      %dma_wait3A_468 = tpu.memref_squeeze %dma_wait3A_467 : memref<1x128xi32, #tpu.memory_space<vmem>> -> memref<128xi32, #tpu.memory_space<vmem>>
      %dma_wait3A_469 = arith.constant 0 : i32
      %dma_wait3A_470 = arith.constant 0 : i32
      %dma_wait3A_471 = tpu.memref_slice %arg2[%dma_wait3A_469, %dma_wait3A_470] : memref<10240x128xf32, #tpu.memory_space<hbm>> -> memref<10240x128xf32, #tpu.memory_space<hbm>>
      tpu.wait_indirect_dma semaphore(%arg12 : memref<!tpu.dma_semaphore, #tpu.memory_space<semaphore_mem>>) src(%dma_wait3A_471 : memref<10240x128xf32, #tpu.memory_space<hbm>>) dst(%arg9 : memref<128x128xf32, #tpu.memory_space<vmem>>)
      %dma_start3A_472 = arith.constant 1 : i32
      %dma_start3A_473 = arith.constant 0 : i32
      %dma_start3A_474 = tpu.memref_slice %arg8[%dma_start3A_472, %dma_start3A_473] : memref<3x128xi32, #tpu.memory_space<vmem>> -> memref<1x128xi32, #tpu.memory_space<vmem>>
      %dma_start3A_475 = tpu.memref_squeeze %dma_start3A_474 : memref<1x128xi32, #tpu.memory_space<vmem>> -> memref<128xi32, #tpu.memory_space<vmem>>
      %dma_start3A_476 = arith.constant 0 : i32
      %dma_start3A_477 = arith.constant 0 : i32
      %dma_start3A_478 = tpu.memref_slice %arg11[%dma_start3A_476, %dma_start3A_477] : memref<10240x128xf32, #tpu.memory_space<vmem_shared>> -> memref<10240x128xf32, #tpu.memory_space<vmem_shared>>
      tpu.enqueue_indirect_dma source(%arg9 : memref<128x128xf32, #tpu.memory_space<vmem>>) target(%dma_start3A_478 : memref<10240x128xf32, #tpu.memory_space<vmem_shared>>) offsets(%dma_start3A_475 : memref<128xi32, #tpu.memory_space<vmem>>) semaphore(%arg14 : memref<!tpu.dma_semaphore, #tpu.memory_space<semaphore_mem>>) {add = true}
      %dma_wait3A_479 = arith.constant 2 : i32
      %dma_wait3A_480 = arith.constant 0 : i32
      %dma_wait3A_481 = tpu.memref_slice %arg8[%dma_wait3A_479, %dma_wait3A_480] : memref<3x128xi32, #tpu.memory_space<vmem>> -> memref<1x128xi32, #tpu.memory_space<vmem>>
      %dma_wait3A_482 = tpu.memref_squeeze %dma_wait3A_481 : memref<1x128xi32, #tpu.memory_space<vmem>> -> memref<128xi32, #tpu.memory_space<vmem>>
      %dma_wait3A_483 = arith.constant 0 : i32
      %dma_wait3A_484 = arith.constant 0 : i32
      %dma_wait3A_485 = tpu.memref_slice %arg11[%dma_wait3A_483, %dma_wait3A_484] : memref<10240x128xf32, #tpu.memory_space<vmem_shared>> -> memref<10240x128xf32, #tpu.memory_space<vmem_shared>>
      tpu.wait_indirect_dma semaphore(%arg15 : memref<!tpu.dma_semaphore, #tpu.memory_space<semaphore_mem>>) src(%arg10 : memref<128x128xf32, #tpu.memory_space<vmem>>) dst(%dma_wait3A_485 : memref<10240x128xf32, #tpu.memory_space<vmem_shared>>)
      %lt3A = arith.constant 13 : i32
      %lt3A_486 = arith.cmpi slt, %scan3A_112, %lt3A : i32
      %convert_element_type3A_487 = arith.extui %lt3A_486 : i1 to i32
      %cond3A_488 = arith.constant 0 : i32
      %cond3A_489 = arith.cmpi ne, %convert_element_type3A_487, %cond3A_488 : i32
      scf.if %cond3A_489 {
        %add3A_561 = arith.constant 2 : i32
        %add3A_562 = arith.addi %add3A_464, %add3A_561 : i32
        %dma_start3A_563 = arith.constant 0 : i32
        %dma_start3A_564 = arith.constant 0 : i32
        %dma_start3A_565 = tpu.memref_slice %arg7[%dma_start3A_563, %dma_start3A_564] : memref<3x128xi32, #tpu.memory_space<vmem>> -> memref<1x128xi32, #tpu.memory_space<vmem>>
        %dma_start3A_566 = tpu.memref_squeeze %dma_start3A_565 : memref<1x128xi32, #tpu.memory_space<vmem>> -> memref<128xi32, #tpu.memory_space<vmem>>
        %dma_start3A_567 = arith.constant 0 : i32
        %dma_start3A_568 = tpu.memref_slice %arg3[%add3A, %add3A_562, %dma_start3A_567] : memref<32x84x128xi32, #tpu.memory_space<hbm>> -> memref<1x1x128xi32, #tpu.memory_space<hbm>>
        %dma_start3A_569 = tpu.memref_squeeze %dma_start3A_568 : memref<1x1x128xi32, #tpu.memory_space<hbm>> -> memref<128xi32, #tpu.memory_space<hbm>>
        %dma_start3A_570 = arith.constant 0 : i32
        %dma_start3A_571 = tpu.memref_slice %arg7[%dma_start3A_563, %dma_start3A_570] : memref<3x128xi32, #tpu.memory_space<vmem>> -> memref<1x128xi32, #tpu.memory_space<vmem>>
        %dma_start3A_572 = tpu.memref_squeeze %dma_start3A_571 : memref<1x128xi32, #tpu.memory_space<vmem>> -> memref<128xi32, #tpu.memory_space<vmem>>
        %dma_start3A_573 = arith.constant 0 : i32
        %dma_start3A_574 = tpu.memref_slice %arg3[%add3A, %add3A_562, %dma_start3A_573] : memref<32x84x128xi32, #tpu.memory_space<hbm>> -> memref<1x1x128xi32, #tpu.memory_space<hbm>>
        %dma_start3A_575 = tpu.memref_squeeze %dma_start3A_574 : memref<1x1x128xi32, #tpu.memory_space<hbm>> -> memref<128xi32, #tpu.memory_space<hbm>>
        tpu.enqueue_dma source(%dma_start3A_575 : memref<128xi32, #tpu.memory_space<hbm>>) target(%dma_start3A_572 : memref<128xi32, #tpu.memory_space<vmem>>) target_semaphore(%arg16 : memref<!tpu.dma_semaphore, #tpu.memory_space<semaphore_mem>>)
        %dma_start3A_576 = arith.constant 0 : i32
        %dma_start3A_577 = arith.constant 0 : i32
        %dma_start3A_578 = tpu.memref_slice %arg8[%dma_start3A_576, %dma_start3A_577] : memref<3x128xi32, #tpu.memory_space<vmem>> -> memref<1x128xi32, #tpu.memory_space<vmem>>
        %dma_start3A_579 = tpu.memref_squeeze %dma_start3A_578 : memref<1x128xi32, #tpu.memory_space<vmem>> -> memref<128xi32, #tpu.memory_space<vmem>>
        %dma_start3A_580 = arith.constant 0 : i32
        %dma_start3A_581 = tpu.memref_slice %arg4[%add3A, %add3A_562, %dma_start3A_580] : memref<32x84x128xi32, #tpu.memory_space<hbm>> -> memref<1x1x128xi32, #tpu.memory_space<hbm>>
        %dma_start3A_582 = tpu.memref_squeeze %dma_start3A_581 : memref<1x1x128xi32, #tpu.memory_space<hbm>> -> memref<128xi32, #tpu.memory_space<hbm>>
        %dma_start3A_583 = arith.constant 0 : i32
        %dma_start3A_584 = tpu.memref_slice %arg8[%dma_start3A_576, %dma_start3A_583] : memref<3x128xi32, #tpu.memory_space<vmem>> -> memref<1x128xi32, #tpu.memory_space<vmem>>
        %dma_start3A_585 = tpu.memref_squeeze %dma_start3A_584 : memref<1x128xi32, #tpu.memory_space<vmem>> -> memref<128xi32, #tpu.memory_space<vmem>>
        %dma_start3A_586 = arith.constant 0 : i32
        %dma_start3A_587 = tpu.memref_slice %arg4[%add3A, %add3A_562, %dma_start3A_586] : memref<32x84x128xi32, #tpu.memory_space<hbm>> -> memref<1x1x128xi32, #tpu.memory_space<hbm>>
        %dma_start3A_588 = tpu.memref_squeeze %dma_start3A_587 : memref<1x1x128xi32, #tpu.memory_space<hbm>> -> memref<128xi32, #tpu.memory_space<hbm>>
        tpu.enqueue_dma source(%dma_start3A_588 : memref<128xi32, #tpu.memory_space<hbm>>) target(%dma_start3A_585 : memref<128xi32, #tpu.memory_space<vmem>>) target_semaphore(%arg16 : memref<!tpu.dma_semaphore, #tpu.memory_space<semaphore_mem>>)
      } else {
      }
      %add3A_490 = arith.constant 1 : i32
      %add3A_491 = arith.addi %add3A_464, %add3A_490 : i32
      %dma_wait3A_492 = arith.constant 2 : i32
      %dma_wait3A_493 = arith.constant 0 : i32
      %dma_wait3A_494 = tpu.memref_slice %arg7[%dma_wait3A_492, %dma_wait3A_493] : memref<3x128xi32, #tpu.memory_space<vmem>> -> memref<1x128xi32, #tpu.memory_space<vmem>>
      %dma_wait3A_495 = tpu.memref_squeeze %dma_wait3A_494 : memref<1x128xi32, #tpu.memory_space<vmem>> -> memref<128xi32, #tpu.memory_space<vmem>>
      %dma_wait3A_496 = arith.constant 0 : i32
      %dma_wait3A_497 = tpu.memref_slice %arg3[%add3A, %add3A_491, %dma_wait3A_496] : memref<32x84x128xi32, #tpu.memory_space<hbm>> -> memref<1x1x128xi32, #tpu.memory_space<hbm>>
      %dma_wait3A_498 = tpu.memref_squeeze %dma_wait3A_497 : memref<1x1x128xi32, #tpu.memory_space<hbm>> -> memref<128xi32, #tpu.memory_space<hbm>>
      %dma_wait3A_499 = arith.constant 0 : i32
      %dma_wait3A_500 = tpu.memref_slice %arg7[%dma_wait3A_492, %dma_wait3A_499] : memref<3x128xi32, #tpu.memory_space<vmem>> -> memref<1x128xi32, #tpu.memory_space<vmem>>
      %dma_wait3A_501 = tpu.memref_squeeze %dma_wait3A_500 : memref<1x128xi32, #tpu.memory_space<vmem>> -> memref<128xi32, #tpu.memory_space<vmem>>
      %dma_wait3A_502 = arith.constant 0 : i32
      %dma_wait3A_503 = tpu.memref_slice %arg3[%add3A, %add3A_491, %dma_wait3A_502] : memref<32x84x128xi32, #tpu.memory_space<hbm>> -> memref<1x1x128xi32, #tpu.memory_space<hbm>>
      %dma_wait3A_504 = tpu.memref_squeeze %dma_wait3A_503 : memref<1x1x128xi32, #tpu.memory_space<hbm>> -> memref<128xi32, #tpu.memory_space<hbm>>
      tpu.wait_dma2 semaphore(%arg18 : memref<!tpu.dma_semaphore, #tpu.memory_space<semaphore_mem>>) src(%dma_wait3A_504 : memref<128xi32, #tpu.memory_space<hbm>>) dst(%dma_wait3A_501 : memref<128xi32, #tpu.memory_space<vmem>>)
      %dma_wait3A_505 = arith.constant 2 : i32
      %dma_wait3A_506 = arith.constant 0 : i32
      %dma_wait3A_507 = tpu.memref_slice %arg8[%dma_wait3A_505, %dma_wait3A_506] : memref<3x128xi32, #tpu.memory_space<vmem>> -> memref<1x128xi32, #tpu.memory_space<vmem>>
      %dma_wait3A_508 = tpu.memref_squeeze %dma_wait3A_507 : memref<1x128xi32, #tpu.memory_space<vmem>> -> memref<128xi32, #tpu.memory_space<vmem>>
      %dma_wait3A_509 = arith.constant 0 : i32
      %dma_wait3A_510 = tpu.memref_slice %arg4[%add3A, %add3A_491, %dma_wait3A_509] : memref<32x84x128xi32, #tpu.memory_space<hbm>> -> memref<1x1x128xi32, #tpu.memory_space<hbm>>
      %dma_wait3A_511 = tpu.memref_squeeze %dma_wait3A_510 : memref<1x1x128xi32, #tpu.memory_space<hbm>> -> memref<128xi32, #tpu.memory_space<hbm>>
      %dma_wait3A_512 = arith.constant 0 : i32
      %dma_wait3A_513 = tpu.memref_slice %arg8[%dma_wait3A_505, %dma_wait3A_512] : memref<3x128xi32, #tpu.memory_space<vmem>> -> memref<1x128xi32, #tpu.memory_space<vmem>>
      %dma_wait3A_514 = tpu.memref_squeeze %dma_wait3A_513 : memref<1x128xi32, #tpu.memory_space<vmem>> -> memref<128xi32, #tpu.memory_space<vmem>>
      %dma_wait3A_515 = arith.constant 0 : i32
      %dma_wait3A_516 = tpu.memref_slice %arg4[%add3A, %add3A_491, %dma_wait3A_515] : memref<32x84x128xi32, #tpu.memory_space<hbm>> -> memref<1x1x128xi32, #tpu.memory_space<hbm>>
      %dma_wait3A_517 = tpu.memref_squeeze %dma_wait3A_516 : memref<1x1x128xi32, #tpu.memory_space<hbm>> -> memref<128xi32, #tpu.memory_space<hbm>>
      tpu.wait_dma2 semaphore(%arg18 : memref<!tpu.dma_semaphore, #tpu.memory_space<semaphore_mem>>) src(%dma_wait3A_517 : memref<128xi32, #tpu.memory_space<hbm>>) dst(%dma_wait3A_514 : memref<128xi32, #tpu.memory_space<vmem>>)
      %dma_start3A_518 = arith.constant 2 : i32
      %dma_start3A_519 = arith.constant 0 : i32
      %dma_start3A_520 = tpu.memref_slice %arg7[%dma_start3A_518, %dma_start3A_519] : memref<3x128xi32, #tpu.memory_space<vmem>> -> memref<1x128xi32, #tpu.memory_space<vmem>>
      %dma_start3A_521 = tpu.memref_squeeze %dma_start3A_520 : memref<1x128xi32, #tpu.memory_space<vmem>> -> memref<128xi32, #tpu.memory_space<vmem>>
      %dma_start3A_522 = arith.constant 0 : i32
      %dma_start3A_523 = arith.constant 0 : i32
      %dma_start3A_524 = tpu.memref_slice %arg2[%dma_start3A_522, %dma_start3A_523] : memref<10240x128xf32, #tpu.memory_space<hbm>> -> memref<10240x128xf32, #tpu.memory_space<hbm>>
      tpu.enqueue_indirect_dma source(%dma_start3A_524 : memref<10240x128xf32, #tpu.memory_space<hbm>>) target(%arg10 : memref<128x128xf32, #tpu.memory_space<vmem>>) offsets(%dma_start3A_521 : memref<128xi32, #tpu.memory_space<vmem>>) semaphore(%arg13 : memref<!tpu.dma_semaphore, #tpu.memory_space<semaphore_mem>>)
      %mul3A_525 = arith.constant 6 : i32
      %mul3A_526 = arith.muli %scan3A_112, %mul3A_525 : i32
      %add3A_527 = arith.constant 5 : i32
      %add3A_528 = arith.addi %mul3A_526, %add3A_527 : i32
      %dma_wait3A_529 = arith.constant 2 : i32
      %dma_wait3A_530 = arith.constant 0 : i32
      %dma_wait3A_531 = tpu.memref_slice %arg7[%dma_wait3A_529, %dma_wait3A_530] : memref<3x128xi32, #tpu.memory_space<vmem>> -> memref<1x128xi32, #tpu.memory_space<vmem>>
      %dma_wait3A_532 = tpu.memref_squeeze %dma_wait3A_531 : memref<1x128xi32, #tpu.memory_space<vmem>> -> memref<128xi32, #tpu.memory_space<vmem>>
      %dma_wait3A_533 = arith.constant 0 : i32
      %dma_wait3A_534 = arith.constant 0 : i32
      %dma_wait3A_535 = tpu.memref_slice %arg2[%dma_wait3A_533, %dma_wait3A_534] : memref<10240x128xf32, #tpu.memory_space<hbm>> -> memref<10240x128xf32, #tpu.memory_space<hbm>>
      tpu.wait_indirect_dma semaphore(%arg13 : memref<!tpu.dma_semaphore, #tpu.memory_space<semaphore_mem>>) src(%dma_wait3A_535 : memref<10240x128xf32, #tpu.memory_space<hbm>>) dst(%arg10 : memref<128x128xf32, #tpu.memory_space<vmem>>)
      %dma_start3A_536 = arith.constant 2 : i32
      %dma_start3A_537 = arith.constant 0 : i32
      %dma_start3A_538 = tpu.memref_slice %arg8[%dma_start3A_536, %dma_start3A_537] : memref<3x128xi32, #tpu.memory_space<vmem>> -> memref<1x128xi32, #tpu.memory_space<vmem>>
      %dma_start3A_539 = tpu.memref_squeeze %dma_start3A_538 : memref<1x128xi32, #tpu.memory_space<vmem>> -> memref<128xi32, #tpu.memory_space<vmem>>
      %dma_start3A_540 = arith.constant 0 : i32
      %dma_start3A_541 = arith.constant 0 : i32
      %dma_start3A_542 = tpu.memref_slice %arg11[%dma_start3A_540, %dma_start3A_541] : memref<10240x128xf32, #tpu.memory_space<vmem_shared>> -> memref<10240x128xf32, #tpu.memory_space<vmem_shared>>
      tpu.enqueue_indirect_dma source(%arg10 : memref<128x128xf32, #tpu.memory_space<vmem>>) target(%dma_start3A_542 : memref<10240x128xf32, #tpu.memory_space<vmem_shared>>) offsets(%dma_start3A_539 : memref<128xi32, #tpu.memory_space<vmem>>) semaphore(%arg15 : memref<!tpu.dma_semaphore, #tpu.memory_space<semaphore_mem>>) {add = true}
      %dma_wait3A_543 = arith.constant 0 : i32
      %dma_wait3A_544 = arith.constant 0 : i32
      %dma_wait3A_545 = tpu.memref_slice %arg8[%dma_wait3A_543, %dma_wait3A_544] : memref<3x128xi32, #tpu.memory_space<vmem>> -> memref<1x128xi32, #tpu.memory_space<vmem>>
      %dma_wait3A_546 = tpu.memref_squeeze %dma_wait3A_545 : memref<1x128xi32, #tpu.memory_space<vmem>> -> memref<128xi32, #tpu.memory_space<vmem>>
      %dma_wait3A_547 = arith.constant 0 : i32
      %dma_wait3A_548 = arith.constant 0 : i32
      %dma_wait3A_549 = tpu.memref_slice %arg11[%dma_wait3A_547, %dma_wait3A_548] : memref<10240x128xf32, #tpu.memory_space<vmem_shared>> -> memref<10240x128xf32, #tpu.memory_space<vmem_shared>>
      tpu.wait_indirect_dma semaphore(%arg14 : memref<!tpu.dma_semaphore, #tpu.memory_space<semaphore_mem>>) src(%arg9 : memref<128x128xf32, #tpu.memory_space<vmem>>) dst(%dma_wait3A_549 : memref<10240x128xf32, #tpu.memory_space<vmem_shared>>)
      %lt3A_550 = arith.constant 13 : i32
      %lt3A_551 = arith.cmpi slt, %scan3A_112, %lt3A_550 : i32
      %convert_element_type3A_552 = arith.extui %lt3A_551 : i1 to i32
      %cond3A_553 = arith.constant 0 : i32
      %cond3A_554 = arith.cmpi ne, %convert_element_type3A_552, %cond3A_553 : i32
      scf.if %cond3A_554 {
        %add3A_561 = arith.constant 2 : i32
        %add3A_562 = arith.addi %add3A_528, %add3A_561 : i32
        %dma_start3A_563 = arith.constant 1 : i32
        %dma_start3A_564 = arith.constant 0 : i32
        %dma_start3A_565 = tpu.memref_slice %arg7[%dma_start3A_563, %dma_start3A_564] : memref<3x128xi32, #tpu.memory_space<vmem>> -> memref<1x128xi32, #tpu.memory_space<vmem>>
        %dma_start3A_566 = tpu.memref_squeeze %dma_start3A_565 : memref<1x128xi32, #tpu.memory_space<vmem>> -> memref<128xi32, #tpu.memory_space<vmem>>
        %dma_start3A_567 = arith.constant 0 : i32
        %dma_start3A_568 = tpu.memref_slice %arg3[%add3A, %add3A_562, %dma_start3A_567] : memref<32x84x128xi32, #tpu.memory_space<hbm>> -> memref<1x1x128xi32, #tpu.memory_space<hbm>>
        %dma_start3A_569 = tpu.memref_squeeze %dma_start3A_568 : memref<1x1x128xi32, #tpu.memory_space<hbm>> -> memref<128xi32, #tpu.memory_space<hbm>>
        %dma_start3A_570 = arith.constant 0 : i32
        %dma_start3A_571 = tpu.memref_slice %arg7[%dma_start3A_563, %dma_start3A_570] : memref<3x128xi32, #tpu.memory_space<vmem>> -> memref<1x128xi32, #tpu.memory_space<vmem>>
        %dma_start3A_572 = tpu.memref_squeeze %dma_start3A_571 : memref<1x128xi32, #tpu.memory_space<vmem>> -> memref<128xi32, #tpu.memory_space<vmem>>
        %dma_start3A_573 = arith.constant 0 : i32
        %dma_start3A_574 = tpu.memref_slice %arg3[%add3A, %add3A_562, %dma_start3A_573] : memref<32x84x128xi32, #tpu.memory_space<hbm>> -> memref<1x1x128xi32, #tpu.memory_space<hbm>>
        %dma_start3A_575 = tpu.memref_squeeze %dma_start3A_574 : memref<1x1x128xi32, #tpu.memory_space<hbm>> -> memref<128xi32, #tpu.memory_space<hbm>>
        tpu.enqueue_dma source(%dma_start3A_575 : memref<128xi32, #tpu.memory_space<hbm>>) target(%dma_start3A_572 : memref<128xi32, #tpu.memory_space<vmem>>) target_semaphore(%arg17 : memref<!tpu.dma_semaphore, #tpu.memory_space<semaphore_mem>>)
        %dma_start3A_576 = arith.constant 1 : i32
        %dma_start3A_577 = arith.constant 0 : i32
        %dma_start3A_578 = tpu.memref_slice %arg8[%dma_start3A_576, %dma_start3A_577] : memref<3x128xi32, #tpu.memory_space<vmem>> -> memref<1x128xi32, #tpu.memory_space<vmem>>
        %dma_start3A_579 = tpu.memref_squeeze %dma_start3A_578 : memref<1x128xi32, #tpu.memory_space<vmem>> -> memref<128xi32, #tpu.memory_space<vmem>>
        %dma_start3A_580 = arith.constant 0 : i32
        %dma_start3A_581 = tpu.memref_slice %arg4[%add3A, %add3A_562, %dma_start3A_580] : memref<32x84x128xi32, #tpu.memory_space<hbm>> -> memref<1x1x128xi32, #tpu.memory_space<hbm>>
        %dma_start3A_582 = tpu.memref_squeeze %dma_start3A_581 : memref<1x1x128xi32, #tpu.memory_space<hbm>> -> memref<128xi32, #tpu.memory_space<hbm>>
        %dma_start3A_583 = arith.constant 0 : i32
        %dma_start3A_584 = tpu.memref_slice %arg8[%dma_start3A_576, %dma_start3A_583] : memref<3x128xi32, #tpu.memory_space<vmem>> -> memref<1x128xi32, #tpu.memory_space<vmem>>
        %dma_start3A_585 = tpu.memref_squeeze %dma_start3A_584 : memref<1x128xi32, #tpu.memory_space<vmem>> -> memref<128xi32, #tpu.memory_space<vmem>>
        %dma_start3A_586 = arith.constant 0 : i32
        %dma_start3A_587 = tpu.memref_slice %arg4[%add3A, %add3A_562, %dma_start3A_586] : memref<32x84x128xi32, #tpu.memory_space<hbm>> -> memref<1x1x128xi32, #tpu.memory_space<hbm>>
        %dma_start3A_588 = tpu.memref_squeeze %dma_start3A_587 : memref<1x1x128xi32, #tpu.memory_space<hbm>> -> memref<128xi32, #tpu.memory_space<hbm>>
        tpu.enqueue_dma source(%dma_start3A_588 : memref<128xi32, #tpu.memory_space<hbm>>) target(%dma_start3A_585 : memref<128xi32, #tpu.memory_space<vmem>>) target_semaphore(%arg17 : memref<!tpu.dma_semaphore, #tpu.memory_space<semaphore_mem>>)
      } else {
      }
      %lt3A_555 = arith.constant 13 : i32
      %lt3A_556 = arith.cmpi slt, %scan3A_112, %lt3A_555 : i32
      %convert_element_type3A_557 = arith.extui %lt3A_556 : i1 to i32
      %cond3A_558 = arith.constant 0 : i32
      %cond3A_559 = arith.cmpi ne, %convert_element_type3A_557, %cond3A_558 : i32
      scf.if %cond3A_559 {
        %add3A_561 = arith.constant 1 : i32
        %add3A_562 = arith.addi %add3A_528, %add3A_561 : i32
        %dma_wait3A_563 = arith.constant 0 : i32
        %dma_wait3A_564 = arith.constant 0 : i32
        %dma_wait3A_565 = tpu.memref_slice %arg7[%dma_wait3A_563, %dma_wait3A_564] : memref<3x128xi32, #tpu.memory_space<vmem>> -> memref<1x128xi32, #tpu.memory_space<vmem>>
        %dma_wait3A_566 = tpu.memref_squeeze %dma_wait3A_565 : memref<1x128xi32, #tpu.memory_space<vmem>> -> memref<128xi32, #tpu.memory_space<vmem>>
        %dma_wait3A_567 = arith.constant 0 : i32
        %dma_wait3A_568 = tpu.memref_slice %arg3[%add3A, %add3A_562, %dma_wait3A_567] : memref<32x84x128xi32, #tpu.memory_space<hbm>> -> memref<1x1x128xi32, #tpu.memory_space<hbm>>
        %dma_wait3A_569 = tpu.memref_squeeze %dma_wait3A_568 : memref<1x1x128xi32, #tpu.memory_space<hbm>> -> memref<128xi32, #tpu.memory_space<hbm>>
        %dma_wait3A_570 = arith.constant 0 : i32
        %dma_wait3A_571 = tpu.memref_slice %arg7[%dma_wait3A_563, %dma_wait3A_570] : memref<3x128xi32, #tpu.memory_space<vmem>> -> memref<1x128xi32, #tpu.memory_space<vmem>>
        %dma_wait3A_572 = tpu.memref_squeeze %dma_wait3A_571 : memref<1x128xi32, #tpu.memory_space<vmem>> -> memref<128xi32, #tpu.memory_space<vmem>>
        %dma_wait3A_573 = arith.constant 0 : i32
        %dma_wait3A_574 = tpu.memref_slice %arg3[%add3A, %add3A_562, %dma_wait3A_573] : memref<32x84x128xi32, #tpu.memory_space<hbm>> -> memref<1x1x128xi32, #tpu.memory_space<hbm>>
        %dma_wait3A_575 = tpu.memref_squeeze %dma_wait3A_574 : memref<1x1x128xi32, #tpu.memory_space<hbm>> -> memref<128xi32, #tpu.memory_space<hbm>>
        tpu.wait_dma2 semaphore(%arg16 : memref<!tpu.dma_semaphore, #tpu.memory_space<semaphore_mem>>) src(%dma_wait3A_575 : memref<128xi32, #tpu.memory_space<hbm>>) dst(%dma_wait3A_572 : memref<128xi32, #tpu.memory_space<vmem>>)
        %dma_wait3A_576 = arith.constant 0 : i32
        %dma_wait3A_577 = arith.constant 0 : i32
        %dma_wait3A_578 = tpu.memref_slice %arg8[%dma_wait3A_576, %dma_wait3A_577] : memref<3x128xi32, #tpu.memory_space<vmem>> -> memref<1x128xi32, #tpu.memory_space<vmem>>
        %dma_wait3A_579 = tpu.memref_squeeze %dma_wait3A_578 : memref<1x128xi32, #tpu.memory_space<vmem>> -> memref<128xi32, #tpu.memory_space<vmem>>
        %dma_wait3A_580 = arith.constant 0 : i32
        %dma_wait3A_581 = tpu.memref_slice %arg4[%add3A, %add3A_562, %dma_wait3A_580] : memref<32x84x128xi32, #tpu.memory_space<hbm>> -> memref<1x1x128xi32, #tpu.memory_space<hbm>>
        %dma_wait3A_582 = tpu.memref_squeeze %dma_wait3A_581 : memref<1x1x128xi32, #tpu.memory_space<hbm>> -> memref<128xi32, #tpu.memory_space<hbm>>
        %dma_wait3A_583 = arith.constant 0 : i32
        %dma_wait3A_584 = tpu.memref_slice %arg8[%dma_wait3A_576, %dma_wait3A_583] : memref<3x128xi32, #tpu.memory_space<vmem>> -> memref<1x128xi32, #tpu.memory_space<vmem>>
        %dma_wait3A_585 = tpu.memref_squeeze %dma_wait3A_584 : memref<1x128xi32, #tpu.memory_space<vmem>> -> memref<128xi32, #tpu.memory_space<vmem>>
        %dma_wait3A_586 = arith.constant 0 : i32
        %dma_wait3A_587 = tpu.memref_slice %arg4[%add3A, %add3A_562, %dma_wait3A_586] : memref<32x84x128xi32, #tpu.memory_space<hbm>> -> memref<1x1x128xi32, #tpu.memory_space<hbm>>
        %dma_wait3A_588 = tpu.memref_squeeze %dma_wait3A_587 : memref<1x1x128xi32, #tpu.memory_space<hbm>> -> memref<128xi32, #tpu.memory_space<hbm>>
        tpu.wait_dma2 semaphore(%arg16 : memref<!tpu.dma_semaphore, #tpu.memory_space<semaphore_mem>>) src(%dma_wait3A_588 : memref<128xi32, #tpu.memory_space<hbm>>) dst(%dma_wait3A_585 : memref<128xi32, #tpu.memory_space<vmem>>)
        %dma_start3A_589 = arith.constant 0 : i32
        %dma_start3A_590 = arith.constant 0 : i32
        %dma_start3A_591 = tpu.memref_slice %arg7[%dma_start3A_589, %dma_start3A_590] : memref<3x128xi32, #tpu.memory_space<vmem>> -> memref<1x128xi32, #tpu.memory_space<vmem>>
        %dma_start3A_592 = tpu.memref_squeeze %dma_start3A_591 : memref<1x128xi32, #tpu.memory_space<vmem>> -> memref<128xi32, #tpu.memory_space<vmem>>
        %dma_start3A_593 = arith.constant 0 : i32
        %dma_start3A_594 = arith.constant 0 : i32
        %dma_start3A_595 = tpu.memref_slice %arg2[%dma_start3A_593, %dma_start3A_594] : memref<10240x128xf32, #tpu.memory_space<hbm>> -> memref<10240x128xf32, #tpu.memory_space<hbm>>
        tpu.enqueue_indirect_dma source(%dma_start3A_595 : memref<10240x128xf32, #tpu.memory_space<hbm>>) target(%arg9 : memref<128x128xf32, #tpu.memory_space<vmem>>) offsets(%dma_start3A_592 : memref<128xi32, #tpu.memory_space<vmem>>) semaphore(%arg12 : memref<!tpu.dma_semaphore, #tpu.memory_space<semaphore_mem>>)
      } else {
      }
      %scan3A_560 = arith.constant 0 : i32
      scf.yield %scan3A_560 : i32
    }
    %scan3A_99 = arith.constant 14 : i32
    %dma_wait3A_100 = arith.constant 2 : i32
    %dma_wait3A_101 = arith.constant 0 : i32
    %dma_wait3A_102 = tpu.memref_slice %arg8[%dma_wait3A_100, %dma_wait3A_101] : memref<3x128xi32, #tpu.memory_space<vmem>> -> memref<1x128xi32, #tpu.memory_space<vmem>>
    %dma_wait3A_103 = tpu.memref_squeeze %dma_wait3A_102 : memref<1x128xi32, #tpu.memory_space<vmem>> -> memref<128xi32, #tpu.memory_space<vmem>>
    %dma_wait3A_104 = arith.constant 0 : i32
    %dma_wait3A_105 = arith.constant 0 : i32
    %dma_wait3A_106 = tpu.memref_slice %arg11[%dma_wait3A_104, %dma_wait3A_105] : memref<10240x128xf32, #tpu.memory_space<vmem_shared>> -> memref<10240x128xf32, #tpu.memory_space<vmem_shared>>
    tpu.wait_indirect_dma semaphore(%arg15 : memref<!tpu.dma_semaphore, #tpu.memory_space<semaphore_mem>>) src(%arg10 : memref<128x128xf32, #tpu.memory_space<vmem>>) dst(%dma_wait3A_106 : memref<10240x128xf32, #tpu.memory_space<vmem_shared>>)
    %barrier3A_107 = arith.constant 0 : index
    tpu.barrier barrier_id(%barrier3A_107)
    %mul3A_108 = arith.constant 640 : i32
    %mul3A_109 = arith.muli %arg1, %mul3A_108 : i32
    %mul3A_110 = arith.constant 640 : i32
    %mul3A_111 = arith.muli %arg1, %mul3A_110 : i32
    "tpu.region"() ({
      %run_scoped3A = tpu.sem_alloc : memref<!tpu.dma_semaphore, #tpu.memory_space<semaphore_mem>>
      %dma_start3A_112 = arith.constant 0 : i32
      %dma_start3A_113 = tpu.memref_slice %arg6[%arg0, %mul3A_111, %dma_start3A_112] : memref<2x10240x128xf32, #tpu.memory_space<hbm>> -> memref<1x640x128xf32, #tpu.memory_space<hbm>>
      %dma_start3A_114 = tpu.memref_squeeze %dma_start3A_113 : memref<1x640x128xf32, #tpu.memory_space<hbm>> -> memref<640x128xf32, #tpu.memory_space<hbm>>
      %dma_start3A_115 = arith.constant 0 : i32
      %dma_start3A_116 = tpu.memref_slice %arg11[%mul3A_109, %dma_start3A_115] : memref<10240x128xf32, #tpu.memory_space<vmem_shared>> -> memref<640x128xf32, #tpu.memory_space<vmem_shared>>
      tpu.enqueue_dma source(%dma_start3A_116 : memref<640x128xf32, #tpu.memory_space<vmem_shared>>) target(%dma_start3A_114 : memref<640x128xf32, #tpu.memory_space<hbm>>) target_semaphore(%run_scoped3A : memref<!tpu.dma_semaphore, #tpu.memory_space<semaphore_mem>>)
      %dma_wait3A_117 = arith.constant 0 : i32
      %dma_wait3A_118 = tpu.memref_slice %arg6[%arg0, %mul3A_111, %dma_wait3A_117] : memref<2x10240x128xf32, #tpu.memory_space<hbm>> -> memref<1x640x128xf32, #tpu.memory_space<hbm>>
      %dma_wait3A_119 = tpu.memref_squeeze %dma_wait3A_118 : memref<1x640x128xf32, #tpu.memory_space<hbm>> -> memref<640x128xf32, #tpu.memory_space<hbm>>
      %dma_wait3A_120 = arith.constant 0 : i32
      %dma_wait3A_121 = tpu.memref_slice %arg11[%mul3A_109, %dma_wait3A_120] : memref<10240x128xf32, #tpu.memory_space<vmem_shared>> -> memref<640x128xf32, #tpu.memory_space<vmem_shared>>
      tpu.wait_dma2 semaphore(%run_scoped3A : memref<!tpu.dma_semaphore, #tpu.memory_space<semaphore_mem>>) src(%dma_wait3A_121 : memref<640x128xf32, #tpu.memory_space<vmem_shared>>) dst(%dma_wait3A_119 : memref<640x128xf32, #tpu.memory_space<hbm>>)
      tpu.yield
    }) : () -> ()
    return
  }
}

#map = affine_map<(d0, d1) -> (0, 0, 0)>
#map1 = affine_map<(d0, d1) -> (0, 0)>
module attributes {stable_mosaic.version = 14 : i64} {
  func.func @_deg_sc(%arg0: i32, %arg1: i32, %arg2: memref<32x84x128xi32, #tpu.memory_space<hbm>>, %arg3: memref<2x10240xf32, #tpu.memory_space<hbm>>, %arg4: memref<84x128xi32, #tpu.memory_space<vmem>>, %arg5: memref<128xf32, #tpu.memory_space<vmem>>, %arg6: memref<640xf32, #tpu.memory_space<vmem>>, %arg7: memref<10240xf32, #tpu.memory_space<vmem_shared>>, %arg8: memref<!tpu.dma_semaphore, #tpu.memory_space<semaphore_mem>>, %arg9: memref<!tpu.dma_semaphore, #tpu.memory_space<semaphore_mem>>) attributes {dimension_semantics = [#tpu.dimension_semantics<core_parallel>, #tpu.dimension_semantics<subcore_parallel>], iteration_bounds = array<i64: 2, 16>, scalar_prefetch = 0 : i64, scratch_operands = 6 : i64, tpu.core_type = #tpu.core_type<sc_vector_subcore>, window_params = [{transform_indices = #map}, {transform_indices = #map1}]} {
    %mul3A = arith.constant 16 : i32
    %mul3A_0 = arith.muli %arg0, %mul3A : i32
    %add3A = arith.addi %mul3A_0, %arg1 : i32
    %scan3A = arith.constant 0 : i32
    %scan3A_1 = arith.constant 0 : i32
    %scan3A_2 = arith.constant 8 : i32
    %scan3A_3 = arith.addi %scan3A_1, %scan3A_2 : i32
    %scan3A_4 = arith.constant 1 : i32
    %scan3A_5 = scf.for %scan3A_39 = %scan3A_1 to %scan3A_3 step %scan3A_4 iter_args(%scan3A_40 = %scan3A) -> (i32)  : i32 {
      %broadcast_in_dim3A = arith.constant 1.000000e+00 : f32
      %broadcast_in_dim3A_41 = vector.broadcast %broadcast_in_dim3A : f32 to vector<16xf32>
      %mul3A_42 = arith.constant 16 : i32
      %mul3A_43 = arith.muli %scan3A_39, %mul3A_42 : i32
      %swap3A = arith.index_cast %mul3A_43 : i32 to index
      %swap3A_44 = tpu.vector_load %arg5[%swap3A] {strides = array<i32>} : memref<128xf32, #tpu.memory_space<vmem>>, vector<16xf32>,
      %swap3A_45 = vector.shape_cast %swap3A_44 : vector<16xf32> to vector<16xf32>
      %swap3A_46 = vector.shape_cast %broadcast_in_dim3A_41 : vector<16xf32> to vector<16xf32>
      tpu.vector_store %arg5[%swap3A], %swap3A_46 {strides = array<i32>} : memref<128xf32, #tpu.memory_space<vmem>>, vector<16xf32>,
      %scan3A_47 = arith.constant 0 : i32
      scf.yield %scan3A_47 : i32
    }
    %scan3A_6 = arith.constant 8 : i32
    %scan3A_7 = arith.constant 0 : i32
    %scan3A_8 = arith.constant 0 : i32
    %scan3A_9 = arith.constant 40 : i32
    %scan3A_10 = arith.addi %scan3A_8, %scan3A_9 : i32
    %scan3A_11 = arith.constant 1 : i32
    %scan3A_12 = scf.for %scan3A_39 = %scan3A_8 to %scan3A_10 step %scan3A_11 iter_args(%scan3A_40 = %scan3A_7) -> (i32)  : i32 {
      %broadcast_in_dim3A = arith.constant 0.000000e+00 : f32
      %broadcast_in_dim3A_41 = vector.broadcast %broadcast_in_dim3A : f32 to vector<16xf32>
      %mul3A_42 = arith.constant 16 : i32
      %mul3A_43 = arith.muli %scan3A_39, %mul3A_42 : i32
      %swap3A = arith.index_cast %mul3A_43 : i32 to index
      %swap3A_44 = tpu.vector_load %arg6[%swap3A] {strides = array<i32>} : memref<640xf32, #tpu.memory_space<vmem>>, vector<16xf32>,
      %swap3A_45 = vector.shape_cast %swap3A_44 : vector<16xf32> to vector<16xf32>
      %swap3A_46 = vector.shape_cast %broadcast_in_dim3A_41 : vector<16xf32> to vector<16xf32>
      tpu.vector_store %arg6[%swap3A], %swap3A_46 {strides = array<i32>} : memref<640xf32, #tpu.memory_space<vmem>>, vector<16xf32>,
      %scan3A_47 = arith.constant 0 : i32
      scf.yield %scan3A_47 : i32
    }
    %scan3A_13 = arith.constant 40 : i32
    "tpu.region"() ({
      %run_scoped3A = tpu.sem_alloc : memref<!tpu.dma_semaphore, #tpu.memory_space<semaphore_mem>>
      %dma_start3A = arith.constant 0 : i32
      %dma_start3A_39 = arith.constant 0 : i32
      %dma_start3A_40 = tpu.memref_slice %arg2[%add3A, %dma_start3A, %dma_start3A_39] : memref<32x84x128xi32, #tpu.memory_space<hbm>> -> memref<1x84x128xi32, #tpu.memory_space<hbm>>
      %dma_start3A_41 = tpu.memref_squeeze %dma_start3A_40 : memref<1x84x128xi32, #tpu.memory_space<hbm>> -> memref<84x128xi32, #tpu.memory_space<hbm>>
      %dma_start3A_42 = arith.constant 0 : i32
      %dma_start3A_43 = arith.constant 0 : i32
      %dma_start3A_44 = tpu.memref_slice %arg2[%add3A, %dma_start3A_42, %dma_start3A_43] : memref<32x84x128xi32, #tpu.memory_space<hbm>> -> memref<1x84x128xi32, #tpu.memory_space<hbm>>
      %dma_start3A_45 = tpu.memref_squeeze %dma_start3A_44 : memref<1x84x128xi32, #tpu.memory_space<hbm>> -> memref<84x128xi32, #tpu.memory_space<hbm>>
      tpu.enqueue_dma source(%dma_start3A_45 : memref<84x128xi32, #tpu.memory_space<hbm>>) target(%arg4 : memref<84x128xi32, #tpu.memory_space<vmem>>) target_semaphore(%run_scoped3A : memref<!tpu.dma_semaphore, #tpu.memory_space<semaphore_mem>>)
      %dma_wait3A_46 = arith.constant 0 : i32
      %dma_wait3A_47 = arith.constant 0 : i32
      %dma_wait3A_48 = tpu.memref_slice %arg2[%add3A, %dma_wait3A_46, %dma_wait3A_47] : memref<32x84x128xi32, #tpu.memory_space<hbm>> -> memref<1x84x128xi32, #tpu.memory_space<hbm>>
      %dma_wait3A_49 = tpu.memref_squeeze %dma_wait3A_48 : memref<1x84x128xi32, #tpu.memory_space<hbm>> -> memref<84x128xi32, #tpu.memory_space<hbm>>
      %dma_wait3A_50 = arith.constant 0 : i32
      %dma_wait3A_51 = arith.constant 0 : i32
      %dma_wait3A_52 = tpu.memref_slice %arg2[%add3A, %dma_wait3A_50, %dma_wait3A_51] : memref<32x84x128xi32, #tpu.memory_space<hbm>> -> memref<1x84x128xi32, #tpu.memory_space<hbm>>
      %dma_wait3A_53 = tpu.memref_squeeze %dma_wait3A_52 : memref<1x84x128xi32, #tpu.memory_space<hbm>> -> memref<84x128xi32, #tpu.memory_space<hbm>>
      tpu.wait_dma2 semaphore(%run_scoped3A : memref<!tpu.dma_semaphore, #tpu.memory_space<semaphore_mem>>) src(%dma_wait3A_53 : memref<84x128xi32, #tpu.memory_space<hbm>>) dst(%arg4 : memref<84x128xi32, #tpu.memory_space<vmem>>)
      tpu.yield
    }) : () -> ()
    %mul3A_14 = arith.constant 640 : i32
    %mul3A_15 = arith.muli %arg1, %mul3A_14 : i32
    "tpu.region"() ({
      %run_scoped3A = tpu.sem_alloc : memref<!tpu.dma_semaphore, #tpu.memory_space<semaphore_mem>>
      %dma_start3A = tpu.memref_slice %arg7[%mul3A_15] : memref<10240xf32, #tpu.memory_space<vmem_shared>> -> memref<640xf32, #tpu.memory_space<vmem_shared>>
      %dma_start3A_39 = tpu.memref_slice %arg7[%mul3A_15] : memref<10240xf32, #tpu.memory_space<vmem_shared>> -> memref<640xf32, #tpu.memory_space<vmem_shared>>
      tpu.enqueue_dma source(%arg6 : memref<640xf32, #tpu.memory_space<vmem>>) target(%dma_start3A_39 : memref<640xf32, #tpu.memory_space<vmem_shared>>) target_semaphore(%run_scoped3A : memref<!tpu.dma_semaphore, #tpu.memory_space<semaphore_mem>>)
      %dma_wait3A_40 = tpu.memref_slice %arg7[%mul3A_15] : memref<10240xf32, #tpu.memory_space<vmem_shared>> -> memref<640xf32, #tpu.memory_space<vmem_shared>>
      %dma_wait3A_41 = tpu.memref_slice %arg7[%mul3A_15] : memref<10240xf32, #tpu.memory_space<vmem_shared>> -> memref<640xf32, #tpu.memory_space<vmem_shared>>
      tpu.wait_dma2 semaphore(%run_scoped3A : memref<!tpu.dma_semaphore, #tpu.memory_space<semaphore_mem>>) src(%arg6 : memref<640xf32, #tpu.memory_space<vmem>>) dst(%dma_wait3A_41 : memref<640xf32, #tpu.memory_space<vmem_shared>>)
      tpu.yield
    }) : () -> ()
    %barrier3A = arith.constant 0 : index
    tpu.barrier barrier_id(%barrier3A)
    %scan3A_16 = arith.constant 0 : i32
    %scan3A_17 = arith.constant 0 : i32
    %scan3A_18 = arith.constant 42 : i32
    %scan3A_19 = arith.addi %scan3A_17, %scan3A_18 : i32
    %scan3A_20 = arith.constant 1 : i32
    %scan3A_21 = scf.for %scan3A_39 = %scan3A_17 to %scan3A_19 step %scan3A_20 iter_args(%scan3A_40 = %scan3A_16) -> (i32)  : i32 {
      %mul3A_41 = arith.constant 2 : i32
      %mul3A_42 = arith.muli %scan3A_39, %mul3A_41 : i32
      %add3A_43 = arith.constant 0 : i32
      %add3A_44 = arith.addi %mul3A_42, %add3A_43 : i32
      %gt3A = arith.constant 0 : i32
      %gt3A_45 = arith.cmpi sgt, %scan3A_39, %gt3A : i32
      %convert_element_type3A = arith.extui %gt3A_45 : i1 to i32
      %cond3A = arith.constant 0 : i32
      %cond3A_46 = arith.cmpi ne, %convert_element_type3A, %cond3A : i32
      scf.if %cond3A_46 {
        %dma_wait3A_66 = arith.constant 0 : i32
        %dma_wait3A_67 = tpu.memref_slice %arg4[%add3A_44, %dma_wait3A_66] : memref<84x128xi32, #tpu.memory_space<vmem>> -> memref<1x128xi32, #tpu.memory_space<vmem>>
        %dma_wait3A_68 = tpu.memref_squeeze %dma_wait3A_67 : memref<1x128xi32, #tpu.memory_space<vmem>> -> memref<128xi32, #tpu.memory_space<vmem>>
        %dma_wait3A_69 = arith.constant 0 : i32
        %dma_wait3A_70 = tpu.memref_slice %arg7[%dma_wait3A_69] : memref<10240xf32, #tpu.memory_space<vmem_shared>> -> memref<10240xf32, #tpu.memory_space<vmem_shared>>
        tpu.wait_indirect_dma semaphore(%arg8 : memref<!tpu.dma_semaphore, #tpu.memory_space<semaphore_mem>>) src(%arg5 : memref<128xf32, #tpu.memory_space<vmem>>) dst(%dma_wait3A_70 : memref<10240xf32, #tpu.memory_space<vmem_shared>>)
      } else {
      }
      %dma_start3A = arith.constant 0 : i32
      %dma_start3A_47 = tpu.memref_slice %arg4[%add3A_44, %dma_start3A] : memref<84x128xi32, #tpu.memory_space<vmem>> -> memref<1x128xi32, #tpu.memory_space<vmem>>
      %dma_start3A_48 = tpu.memref_squeeze %dma_start3A_47 : memref<1x128xi32, #tpu.memory_space<vmem>> -> memref<128xi32, #tpu.memory_space<vmem>>
      %dma_start3A_49 = arith.constant 0 : i32
      %dma_start3A_50 = tpu.memref_slice %arg7[%dma_start3A_49] : memref<10240xf32, #tpu.memory_space<vmem_shared>> -> memref<10240xf32, #tpu.memory_space<vmem_shared>>
      tpu.enqueue_indirect_dma source(%arg5 : memref<128xf32, #tpu.memory_space<vmem>>) target(%dma_start3A_50 : memref<10240xf32, #tpu.memory_space<vmem_shared>>) offsets(%dma_start3A_48 : memref<128xi32, #tpu.memory_space<vmem>>) semaphore(%arg8 : memref<!tpu.dma_semaphore, #tpu.memory_space<semaphore_mem>>) {add = true}
      %mul3A_51 = arith.constant 2 : i32
      %mul3A_52 = arith.muli %scan3A_39, %mul3A_51 : i32
      %add3A_53 = arith.constant 1 : i32
      %add3A_54 = arith.addi %mul3A_52, %add3A_53 : i32
      %gt3A_55 = arith.constant 0 : i32
      %gt3A_56 = arith.cmpi sgt, %scan3A_39, %gt3A_55 : i32
      %convert_element_type3A_57 = arith.extui %gt3A_56 : i1 to i32
      %cond3A_58 = arith.constant 0 : i32
      %cond3A_59 = arith.cmpi ne, %convert_element_type3A_57, %cond3A_58 : i32
      scf.if %cond3A_59 {
        %dma_wait3A_66 = arith.constant 0 : i32
        %dma_wait3A_67 = tpu.memref_slice %arg4[%add3A_54, %dma_wait3A_66] : memref<84x128xi32, #tpu.memory_space<vmem>> -> memref<1x128xi32, #tpu.memory_space<vmem>>
        %dma_wait3A_68 = tpu.memref_squeeze %dma_wait3A_67 : memref<1x128xi32, #tpu.memory_space<vmem>> -> memref<128xi32, #tpu.memory_space<vmem>>
        %dma_wait3A_69 = arith.constant 0 : i32
        %dma_wait3A_70 = tpu.memref_slice %arg7[%dma_wait3A_69] : memref<10240xf32, #tpu.memory_space<vmem_shared>> -> memref<10240xf32, #tpu.memory_space<vmem_shared>>
        tpu.wait_indirect_dma semaphore(%arg9 : memref<!tpu.dma_semaphore, #tpu.memory_space<semaphore_mem>>) src(%arg5 : memref<128xf32, #tpu.memory_space<vmem>>) dst(%dma_wait3A_70 : memref<10240xf32, #tpu.memory_space<vmem_shared>>)
      } else {
      }
      %dma_start3A_60 = arith.constant 0 : i32
      %dma_start3A_61 = tpu.memref_slice %arg4[%add3A_54, %dma_start3A_60] : memref<84x128xi32, #tpu.memory_space<vmem>> -> memref<1x128xi32, #tpu.memory_space<vmem>>
      %dma_start3A_62 = tpu.memref_squeeze %dma_start3A_61 : memref<1x128xi32, #tpu.memory_space<vmem>> -> memref<128xi32, #tpu.memory_space<vmem>>
      %dma_start3A_63 = arith.constant 0 : i32
      %dma_start3A_64 = tpu.memref_slice %arg7[%dma_start3A_63] : memref<10240xf32, #tpu.memory_space<vmem_shared>> -> memref<10240xf32, #tpu.memory_space<vmem_shared>>
      tpu.enqueue_indirect_dma source(%arg5 : memref<128xf32, #tpu.memory_space<vmem>>) target(%dma_start3A_64 : memref<10240xf32, #tpu.memory_space<vmem_shared>>) offsets(%dma_start3A_62 : memref<128xi32, #tpu.memory_space<vmem>>) semaphore(%arg9 : memref<!tpu.dma_semaphore, #tpu.memory_space<semaphore_mem>>) {add = true}
      %scan3A_65 = arith.constant 0 : i32
      scf.yield %scan3A_65 : i32
    }
    %scan3A_22 = arith.constant 42 : i32
    %dma_wait3A = arith.constant 0 : i32
    %dma_wait3A_23 = arith.constant 0 : i32
    %dma_wait3A_24 = tpu.memref_slice %arg4[%dma_wait3A, %dma_wait3A_23] : memref<84x128xi32, #tpu.memory_space<vmem>> -> memref<1x128xi32, #tpu.memory_space<vmem>>
    %dma_wait3A_25 = tpu.memref_squeeze %dma_wait3A_24 : memref<1x128xi32, #tpu.memory_space<vmem>> -> memref<128xi32, #tpu.memory_space<vmem>>
    %dma_wait3A_26 = arith.constant 0 : i32
    %dma_wait3A_27 = tpu.memref_slice %arg7[%dma_wait3A_26] : memref<10240xf32, #tpu.memory_space<vmem_shared>> -> memref<10240xf32, #tpu.memory_space<vmem_shared>>
    tpu.wait_indirect_dma semaphore(%arg8 : memref<!tpu.dma_semaphore, #tpu.memory_space<semaphore_mem>>) src(%arg5 : memref<128xf32, #tpu.memory_space<vmem>>) dst(%dma_wait3A_27 : memref<10240xf32, #tpu.memory_space<vmem_shared>>)
    %dma_wait3A_28 = arith.constant 0 : i32
    %dma_wait3A_29 = arith.constant 0 : i32
    %dma_wait3A_30 = tpu.memref_slice %arg4[%dma_wait3A_28, %dma_wait3A_29] : memref<84x128xi32, #tpu.memory_space<vmem>> -> memref<1x128xi32, #tpu.memory_space<vmem>>
    %dma_wait3A_31 = tpu.memref_squeeze %dma_wait3A_30 : memref<1x128xi32, #tpu.memory_space<vmem>> -> memref<128xi32, #tpu.memory_space<vmem>>
    %dma_wait3A_32 = arith.constant 0 : i32
    %dma_wait3A_33 = tpu.memref_slice %arg7[%dma_wait3A_32] : memref<10240xf32, #tpu.memory_space<vmem_shared>> -> memref<10240xf32, #tpu.memory_space<vmem_shared>>
    tpu.wait_indirect_dma semaphore(%arg9 : memref<!tpu.dma_semaphore, #tpu.memory_space<semaphore_mem>>) src(%arg5 : memref<128xf32, #tpu.memory_space<vmem>>) dst(%dma_wait3A_33 : memref<10240xf32, #tpu.memory_space<vmem_shared>>)
    %barrier3A_34 = arith.constant 0 : index
    tpu.barrier barrier_id(%barrier3A_34)
    %mul3A_35 = arith.constant 640 : i32
    %mul3A_36 = arith.muli %arg1, %mul3A_35 : i32
    %mul3A_37 = arith.constant 640 : i32
    %mul3A_38 = arith.muli %arg1, %mul3A_37 : i32
    "tpu.region"() ({
      %run_scoped3A = tpu.sem_alloc : memref<!tpu.dma_semaphore, #tpu.memory_space<semaphore_mem>>
      %dma_start3A = tpu.memref_slice %arg3[%arg0, %mul3A_38] : memref<2x10240xf32, #tpu.memory_space<hbm>> -> memref<1x640xf32, #tpu.memory_space<hbm>>
      %dma_start3A_39 = tpu.memref_squeeze %dma_start3A : memref<1x640xf32, #tpu.memory_space<hbm>> -> memref<640xf32, #tpu.memory_space<hbm>>
      %dma_start3A_40 = tpu.memref_slice %arg7[%mul3A_36] : memref<10240xf32, #tpu.memory_space<vmem_shared>> -> memref<640xf32, #tpu.memory_space<vmem_shared>>
      tpu.enqueue_dma source(%dma_start3A_40 : memref<640xf32, #tpu.memory_space<vmem_shared>>) target(%dma_start3A_39 : memref<640xf32, #tpu.memory_space<hbm>>) target_semaphore(%run_scoped3A : memref<!tpu.dma_semaphore, #tpu.memory_space<semaphore_mem>>)
      %dma_wait3A_41 = tpu.memref_slice %arg3[%arg0, %mul3A_38] : memref<2x10240xf32, #tpu.memory_space<hbm>> -> memref<1x640xf32, #tpu.memory_space<hbm>>
      %dma_wait3A_42 = tpu.memref_squeeze %dma_wait3A_41 : memref<1x640xf32, #tpu.memory_space<hbm>> -> memref<640xf32, #tpu.memory_space<hbm>>
      %dma_wait3A_43 = tpu.memref_slice %arg7[%mul3A_36] : memref<10240xf32, #tpu.memory_space<vmem_shared>> -> memref<640xf32, #tpu.memory_space<vmem_shared>>
      tpu.wait_dma2 semaphore(%run_scoped3A : memref<!tpu.dma_semaphore, #tpu.memory_space<semaphore_mem>>) src(%dma_wait3A_43 : memref<640xf32, #tpu.memory_space<vmem_shared>>) dst(%dma_wait3A_42 : memref<640xf32, #tpu.memory_space<hbm>>)
      tpu.yield
    }) : () -> ()
    return
  }
}

#map = affine_map<(d0, d1) -> (0, 0)>
#map1 = affine_map<(d0, d1) -> (0, 0, 0)>
module attributes {stable_mosaic.version = 14 : i64} {
  func.func @_prop(%arg0: i32, %arg1: i32, %arg2: memref<10240x128xf32, #tpu.memory_space<hbm>>, %arg3: memref<32x84x128xi32, #tpu.memory_space<hbm>>, %arg4: memref<32x84x128xi32, #tpu.memory_space<hbm>>, %arg5: memref<10240x128xf32, #tpu.memory_space<hbm>>, %arg6: memref<2x10240x128xf32, #tpu.memory_space<hbm>>, %arg7: memref<3x128xi32, #tpu.memory_space<vmem>>, %arg8: memref<3x128xi32, #tpu.memory_space<vmem>>, %arg9: memref<128x128xf32, #tpu.memory_space<vmem>>, %arg10: memref<128x128xf32, #tpu.memory_space<vmem>>, %arg11: memref<10240x128xf32, #tpu.memory_space<vmem_shared>>, %arg12: memref<!tpu.dma_semaphore, #tpu.memory_space<semaphore_mem>>, %arg13: memref<!tpu.dma_semaphore, #tpu.memory_space<semaphore_mem>>, %arg14: memref<!tpu.dma_semaphore, #tpu.memory_space<semaphore_mem>>, %arg15: memref<!tpu.dma_semaphore, #tpu.memory_space<semaphore_mem>>, %arg16: memref<!tpu.dma_semaphore, #tpu.memory_space<semaphore_mem>>, %arg17: memref<!tpu.dma_semaphore, #tpu.memory_space<semaphore_mem>>, %arg18: memref<!tpu.dma_semaphore, #tpu.memory_space<semaphore_mem>>) attributes {dimension_semantics = [#tpu.dimension_semantics<core_parallel>, #tpu.dimension_semantics<subcore_parallel>], iteration_bounds = array<i64: 2, 16>, scalar_prefetch = 0 : i64, scratch_operands = 12 : i64, tpu.core_type = #tpu.core_type<sc_vector_subcore>, window_params = [{transform_indices = #map}, {transform_indices = #map1}, {transform_indices = #map1}, {transform_indices = #map}, {transform_indices = #map1}]} {
    %mul3A = arith.constant 16 : i32
    %mul3A_0 = arith.muli %arg0, %mul3A : i32
    %add3A = arith.addi %mul3A_0, %arg1 : i32
    %mul3A_1 = arith.constant 640 : i32
    %mul3A_2 = arith.muli %arg1, %mul3A_1 : i32
    %mul3A_3 = arith.constant 640 : i32
    %mul3A_4 = arith.muli %arg1, %mul3A_3 : i32
    "tpu.region"() ({
      %run_scoped3A = tpu.sem_alloc : memref<!tpu.dma_semaphore, #tpu.memory_space<semaphore_mem>>
      %dma_start3A_112 = arith.constant 0 : i32
      %dma_start3A_113 = tpu.memref_slice %arg11[%mul3A_4, %dma_start3A_112] : memref<10240x128xf32, #tpu.memory_space<vmem_shared>> -> memref<640x128xf32, #tpu.memory_space<vmem_shared>>
      %dma_start3A_114 = arith.constant 0 : i32
      %dma_start3A_115 = tpu.memref_slice %arg5[%mul3A_2, %dma_start3A_114] : memref<10240x128xf32, #tpu.memory_space<hbm>> -> memref<640x128xf32, #tpu.memory_space<hbm>>
      tpu.enqueue_dma source(%dma_start3A_115 : memref<640x128xf32, #tpu.memory_space<hbm>>) target(%dma_start3A_113 : memref<640x128xf32, #tpu.memory_space<vmem_shared>>) target_semaphore(%run_scoped3A : memref<!tpu.dma_semaphore, #tpu.memory_space<semaphore_mem>>)
      %dma_wait3A_116 = arith.constant 0 : i32
      %dma_wait3A_117 = tpu.memref_slice %arg11[%mul3A_4, %dma_wait3A_116] : memref<10240x128xf32, #tpu.memory_space<vmem_shared>> -> memref<640x128xf32, #tpu.memory_space<vmem_shared>>
      %dma_wait3A_118 = arith.constant 0 : i32
      %dma_wait3A_119 = tpu.memref_slice %arg5[%mul3A_2, %dma_wait3A_118] : memref<10240x128xf32, #tpu.memory_space<hbm>> -> memref<640x128xf32, #tpu.memory_space<hbm>>
      tpu.wait_dma2 semaphore(%run_scoped3A : memref<!tpu.dma_semaphore, #tpu.memory_space<semaphore_mem>>) src(%dma_wait3A_119 : memref<640x128xf32, #tpu.memory_space<hbm>>) dst(%dma_wait3A_117 : memref<640x128xf32, #tpu.memory_space<vmem_shared>>)
      tpu.yield
    }) : () -> ()
    %barrier3A = arith.constant 0 : index
    tpu.barrier barrier_id(%barrier3A)
    %dma_start3A = arith.constant 0 : i32
    %dma_start3A_5 = arith.constant 0 : i32
    %dma_start3A_6 = arith.constant 0 : i32
    %dma_start3A_7 = tpu.memref_slice %arg7[%dma_start3A_5, %dma_start3A_6] : memref<3x128xi32, #tpu.memory_space<vmem>> -> memref<1x128xi32, #tpu.memory_space<vmem>>
    %dma_start3A_8 = tpu.memref_squeeze %dma_start3A_7 : memref<1x128xi32, #tpu.memory_space<vmem>> -> memref<128xi32, #tpu.memory_space<vmem>>
    %dma_start3A_9 = arith.constant 0 : i32
    %dma_start3A_10 = tpu.memref_slice %arg3[%add3A, %dma_start3A, %dma_start3A_9] : memref<32x84x128xi32, #tpu.memory_space<hbm>> -> memref<1x1x128xi32, #tpu.memory_space<hbm>>
    %dma_start3A_11 = tpu.memref_squeeze %dma_start3A_10 : memref<1x1x128xi32, #tpu.memory_space<hbm>> -> memref<128xi32, #tpu.memory_space<hbm>>
    %dma_start3A_12 = arith.constant 0 : i32
    %dma_start3A_13 = tpu.memref_slice %arg7[%dma_start3A_5, %dma_start3A_12] : memref<3x128xi32, #tpu.memory_space<vmem>> -> memref<1x128xi32, #tpu.memory_space<vmem>>
    %dma_start3A_14 = tpu.memref_squeeze %dma_start3A_13 : memref<1x128xi32, #tpu.memory_space<vmem>> -> memref<128xi32, #tpu.memory_space<vmem>>
    %dma_start3A_15 = arith.constant 0 : i32
    %dma_start3A_16 = tpu.memref_slice %arg3[%add3A, %dma_start3A, %dma_start3A_15] : memref<32x84x128xi32, #tpu.memory_space<hbm>> -> memref<1x1x128xi32, #tpu.memory_space<hbm>>
    %dma_start3A_17 = tpu.memref_squeeze %dma_start3A_16 : memref<1x1x128xi32, #tpu.memory_space<hbm>> -> memref<128xi32, #tpu.memory_space<hbm>>
    tpu.enqueue_dma source(%dma_start3A_17 : memref<128xi32, #tpu.memory_space<hbm>>) target(%dma_start3A_14 : memref<128xi32, #tpu.memory_space<vmem>>) target_semaphore(%arg16 : memref<!tpu.dma_semaphore, #tpu.memory_space<semaphore_mem>>)
    %dma_start3A_18 = arith.constant 0 : i32
    %dma_start3A_19 = arith.constant 0 : i32
    %dma_start3A_20 = arith.constant 0 : i32
    %dma_start3A_21 = tpu.memref_slice %arg8[%dma_start3A_19, %dma_start3A_20] : memref<3x128xi32, #tpu.memory_space<vmem>> -> memref<1x128xi32, #tpu.memory_space<vmem>>
    %dma_start3A_22 = tpu.memref_squeeze %dma_start3A_21 : memref<1x128xi32, #tpu.memory_space<vmem>> -> memref<128xi32, #tpu.memory_space<vmem>>
    %dma_start3A_23 = arith.constant 0 : i32
    %dma_start3A_24 = tpu.memref_slice %arg4[%add3A, %dma_start3A_18, %dma_start3A_23] : memref<32x84x128xi32, #tpu.memory_space<hbm>> -> memref<1x1x128xi32, #tpu.memory_space<hbm>>
    %dma_start3A_25 = tpu.memref_squeeze %dma_start3A_24 : memref<1x1x128xi32, #tpu.memory_space<hbm>> -> memref<128xi32, #tpu.memory_space<hbm>>
    %dma_start3A_26 = arith.constant 0 : i32
    %dma_start3A_27 = tpu.memref_slice %arg8[%dma_start3A_19, %dma_start3A_26] : memref<3x128xi32, #tpu.memory_space<vmem>> -> memref<1x128xi32, #tpu.memory_space<vmem>>
    %dma_start3A_28 = tpu.memref_squeeze %dma_start3A_27 : memref<1x128xi32, #tpu.memory_space<vmem>> -> memref<128xi32, #tpu.memory_space<vmem>>
    %dma_start3A_29 = arith.constant 0 : i32
    %dma_start3A_30 = tpu.memref_slice %arg4[%add3A, %dma_start3A_18, %dma_start3A_29] : memref<32x84x128xi32, #tpu.memory_space<hbm>> -> memref<1x1x128xi32, #tpu.memory_space<hbm>>
    %dma_start3A_31 = tpu.memref_squeeze %dma_start3A_30 : memref<1x1x128xi32, #tpu.memory_space<hbm>> -> memref<128xi32, #tpu.memory_space<hbm>>
    tpu.enqueue_dma source(%dma_start3A_31 : memref<128xi32, #tpu.memory_space<hbm>>) target(%dma_start3A_28 : memref<128xi32, #tpu.memory_space<vmem>>) target_semaphore(%arg16 : memref<!tpu.dma_semaphore, #tpu.memory_space<semaphore_mem>>)
    %dma_start3A_32 = arith.constant 1 : i32
    %dma_start3A_33 = arith.constant 1 : i32
    %dma_start3A_34 = arith.constant 0 : i32
    %dma_start3A_35 = tpu.memref_slice %arg7[%dma_start3A_33, %dma_start3A_34] : memref<3x128xi32, #tpu.memory_space<vmem>> -> memref<1x128xi32, #tpu.memory_space<vmem>>
    %dma_start3A_36 = tpu.memref_squeeze %dma_start3A_35 : memref<1x128xi32, #tpu.memory_space<vmem>> -> memref<128xi32, #tpu.memory_space<vmem>>
    %dma_start3A_37 = arith.constant 0 : i32
    %dma_start3A_38 = tpu.memref_slice %arg3[%add3A, %dma_start3A_32, %dma_start3A_37] : memref<32x84x128xi32, #tpu.memory_space<hbm>> -> memref<1x1x128xi32, #tpu.memory_space<hbm>>
    %dma_start3A_39 = tpu.memref_squeeze %dma_start3A_38 : memref<1x1x128xi32, #tpu.memory_space<hbm>> -> memref<128xi32, #tpu.memory_space<hbm>>
    %dma_start3A_40 = arith.constant 0 : i32
    %dma_start3A_41 = tpu.memref_slice %arg7[%dma_start3A_33, %dma_start3A_40] : memref<3x128xi32, #tpu.memory_space<vmem>> -> memref<1x128xi32, #tpu.memory_space<vmem>>
    %dma_start3A_42 = tpu.memref_squeeze %dma_start3A_41 : memref<1x128xi32, #tpu.memory_space<vmem>> -> memref<128xi32, #tpu.memory_space<vmem>>
    %dma_start3A_43 = arith.constant 0 : i32
    %dma_start3A_44 = tpu.memref_slice %arg3[%add3A, %dma_start3A_32, %dma_start3A_43] : memref<32x84x128xi32, #tpu.memory_space<hbm>> -> memref<1x1x128xi32, #tpu.memory_space<hbm>>
    %dma_start3A_45 = tpu.memref_squeeze %dma_start3A_44 : memref<1x1x128xi32, #tpu.memory_space<hbm>> -> memref<128xi32, #tpu.memory_space<hbm>>
    tpu.enqueue_dma source(%dma_start3A_45 : memref<128xi32, #tpu.memory_space<hbm>>) target(%dma_start3A_42 : memref<128xi32, #tpu.memory_space<vmem>>) target_semaphore(%arg17 : memref<!tpu.dma_semaphore, #tpu.memory_space<semaphore_mem>>)
    %dma_start3A_46 = arith.constant 1 : i32
    %dma_start3A_47 = arith.constant 1 : i32
    %dma_start3A_48 = arith.constant 0 : i32
    %dma_start3A_49 = tpu.memref_slice %arg8[%dma_start3A_47, %dma_start3A_48] : memref<3x128xi32, #tpu.memory_space<vmem>> -> memref<1x128xi32, #tpu.memory_space<vmem>>
    %dma_start3A_50 = tpu.memref_squeeze %dma_start3A_49 : memref<1x128xi32, #tpu.memory_space<vmem>> -> memref<128xi32, #tpu.memory_space<vmem>>
    %dma_start3A_51 = arith.constant 0 : i32
    %dma_start3A_52 = tpu.memref_slice %arg4[%add3A, %dma_start3A_46, %dma_start3A_51] : memref<32x84x128xi32, #tpu.memory_space<hbm>> -> memref<1x1x128xi32, #tpu.memory_space<hbm>>
    %dma_start3A_53 = tpu.memref_squeeze %dma_start3A_52 : memref<1x1x128xi32, #tpu.memory_space<hbm>> -> memref<128xi32, #tpu.memory_space<hbm>>
    %dma_start3A_54 = arith.constant 0 : i32
    %dma_start3A_55 = tpu.memref_slice %arg8[%dma_start3A_47, %dma_start3A_54] : memref<3x128xi32, #tpu.memory_space<vmem>> -> memref<1x128xi32, #tpu.memory_space<vmem>>
    %dma_start3A_56 = tpu.memref_squeeze %dma_start3A_55 : memref<1x128xi32, #tpu.memory_space<vmem>> -> memref<128xi32, #tpu.memory_space<vmem>>
    %dma_start3A_57 = arith.constant 0 : i32
    %dma_start3A_58 = tpu.memref_slice %arg4[%add3A, %dma_start3A_46, %dma_start3A_57] : memref<32x84x128xi32, #tpu.memory_space<hbm>> -> memref<1x1x128xi32, #tpu.memory_space<hbm>>
    %dma_start3A_59 = tpu.memref_squeeze %dma_start3A_58 : memref<1x1x128xi32, #tpu.memory_space<hbm>> -> memref<128xi32, #tpu.memory_space<hbm>>
    tpu.enqueue_dma source(%dma_start3A_59 : memref<128xi32, #tpu.memory_space<hbm>>) target(%dma_start3A_56 : memref<128xi32, #tpu.memory_space<vmem>>) target_semaphore(%arg17 : memref<!tpu.dma_semaphore, #tpu.memory_space<semaphore_mem>>)
    %dma_wait3A = arith.constant 0 : i32
    %dma_wait3A_60 = arith.constant 0 : i32
    %dma_wait3A_61 = arith.constant 0 : i32
    %dma_wait3A_62 = tpu.memref_slice %arg7[%dma_wait3A_60, %dma_wait3A_61] : memref<3x128xi32, #tpu.memory_space<vmem>> -> memref<1x128xi32, #tpu.memory_space<vmem>>
    %dma_wait3A_63 = tpu.memref_squeeze %dma_wait3A_62 : memref<1x128xi32, #tpu.memory_space<vmem>> -> memref<128xi32, #tpu.memory_space<vmem>>
    %dma_wait3A_64 = arith.constant 0 : i32
    %dma_wait3A_65 = tpu.memref_slice %arg3[%add3A, %dma_wait3A, %dma_wait3A_64] : memref<32x84x128xi32, #tpu.memory_space<hbm>> -> memref<1x1x128xi32, #tpu.memory_space<hbm>>
    %dma_wait3A_66 = tpu.memref_squeeze %dma_wait3A_65 : memref<1x1x128xi32, #tpu.memory_space<hbm>> -> memref<128xi32, #tpu.memory_space<hbm>>
    %dma_wait3A_67 = arith.constant 0 : i32
    %dma_wait3A_68 = tpu.memref_slice %arg7[%dma_wait3A_60, %dma_wait3A_67] : memref<3x128xi32, #tpu.memory_space<vmem>> -> memref<1x128xi32, #tpu.memory_space<vmem>>
    %dma_wait3A_69 = tpu.memref_squeeze %dma_wait3A_68 : memref<1x128xi32, #tpu.memory_space<vmem>> -> memref<128xi32, #tpu.memory_space<vmem>>
    %dma_wait3A_70 = arith.constant 0 : i32
    %dma_wait3A_71 = tpu.memref_slice %arg3[%add3A, %dma_wait3A, %dma_wait3A_70] : memref<32x84x128xi32, #tpu.memory_space<hbm>> -> memref<1x1x128xi32, #tpu.memory_space<hbm>>
    %dma_wait3A_72 = tpu.memref_squeeze %dma_wait3A_71 : memref<1x1x128xi32, #tpu.memory_space<hbm>> -> memref<128xi32, #tpu.memory_space<hbm>>
    tpu.wait_dma2 semaphore(%arg16 : memref<!tpu.dma_semaphore, #tpu.memory_space<semaphore_mem>>) src(%dma_wait3A_72 : memref<128xi32, #tpu.memory_space<hbm>>) dst(%dma_wait3A_69 : memref<128xi32, #tpu.memory_space<vmem>>)
    %dma_wait3A_73 = arith.constant 0 : i32
    %dma_wait3A_74 = arith.constant 0 : i32
    %dma_wait3A_75 = arith.constant 0 : i32
    %dma_wait3A_76 = tpu.memref_slice %arg8[%dma_wait3A_74, %dma_wait3A_75] : memref<3x128xi32, #tpu.memory_space<vmem>> -> memref<1x128xi32, #tpu.memory_space<vmem>>
    %dma_wait3A_77 = tpu.memref_squeeze %dma_wait3A_76 : memref<1x128xi32, #tpu.memory_space<vmem>> -> memref<128xi32, #tpu.memory_space<vmem>>
    %dma_wait3A_78 = arith.constant 0 : i32
    %dma_wait3A_79 = tpu.memref_slice %arg4[%add3A, %dma_wait3A_73, %dma_wait3A_78] : memref<32x84x128xi32, #tpu.memory_space<hbm>> -> memref<1x1x128xi32, #tpu.memory_space<hbm>>
    %dma_wait3A_80 = tpu.memref_squeeze %dma_wait3A_79 : memref<1x1x128xi32, #tpu.memory_space<hbm>> -> memref<128xi32, #tpu.memory_space<hbm>>
    %dma_wait3A_81 = arith.constant 0 : i32
    %dma_wait3A_82 = tpu.memref_slice %arg8[%dma_wait3A_74, %dma_wait3A_81] : memref<3x128xi32, #tpu.memory_space<vmem>> -> memref<1x128xi32, #tpu.memory_space<vmem>>
    %dma_wait3A_83 = tpu.memref_squeeze %dma_wait3A_82 : memref<1x128xi32, #tpu.memory_space<vmem>> -> memref<128xi32, #tpu.memory_space<vmem>>
    %dma_wait3A_84 = arith.constant 0 : i32
    %dma_wait3A_85 = tpu.memref_slice %arg4[%add3A, %dma_wait3A_73, %dma_wait3A_84] : memref<32x84x128xi32, #tpu.memory_space<hbm>> -> memref<1x1x128xi32, #tpu.memory_space<hbm>>
    %dma_wait3A_86 = tpu.memref_squeeze %dma_wait3A_85 : memref<1x1x128xi32, #tpu.memory_space<hbm>> -> memref<128xi32, #tpu.memory_space<hbm>>
    tpu.wait_dma2 semaphore(%arg16 : memref<!tpu.dma_semaphore, #tpu.memory_space<semaphore_mem>>) src(%dma_wait3A_86 : memref<128xi32, #tpu.memory_space<hbm>>) dst(%dma_wait3A_83 : memref<128xi32, #tpu.memory_space<vmem>>)
    %dma_start3A_87 = arith.constant 0 : i32
    %dma_start3A_88 = arith.constant 0 : i32
    %dma_start3A_89 = tpu.memref_slice %arg7[%dma_start3A_87, %dma_start3A_88] : memref<3x128xi32, #tpu.memory_space<vmem>> -> memref<1x128xi32, #tpu.memory_space<vmem>>
    %dma_start3A_90 = tpu.memref_squeeze %dma_start3A_89 : memref<1x128xi32, #tpu.memory_space<vmem>> -> memref<128xi32, #tpu.memory_space<vmem>>
    %dma_start3A_91 = arith.constant 0 : i32
    %dma_start3A_92 = arith.constant 0 : i32
    %dma_start3A_93 = tpu.memref_slice %arg2[%dma_start3A_91, %dma_start3A_92] : memref<10240x128xf32, #tpu.memory_space<hbm>> -> memref<10240x128xf32, #tpu.memory_space<hbm>>
    tpu.enqueue_indirect_dma source(%dma_start3A_93 : memref<10240x128xf32, #tpu.memory_space<hbm>>) target(%arg9 : memref<128x128xf32, #tpu.memory_space<vmem>>) offsets(%dma_start3A_90 : memref<128xi32, #tpu.memory_space<vmem>>) semaphore(%arg12 : memref<!tpu.dma_semaphore, #tpu.memory_space<semaphore_mem>>)
    %scan3A = arith.constant 0 : i32
    %scan3A_94 = arith.constant 0 : i32
    %scan3A_95 = arith.constant 14 : i32
    %scan3A_96 = arith.addi %scan3A_94, %scan3A_95 : i32
    %scan3A_97 = arith.constant 1 : i32
    %scan3A_98 = scf.for %scan3A_112 = %scan3A_94 to %scan3A_96 step %scan3A_97 iter_args(%scan3A_113 = %scan3A) -> (i32)  : i32 {
      %mul3A_114 = arith.constant 6 : i32
      %mul3A_115 = arith.muli %scan3A_112, %mul3A_114 : i32
      %add3A_116 = arith.constant 0 : i32
      %add3A_117 = arith.addi %mul3A_115, %add3A_116 : i32
      %dma_wait3A_118 = arith.constant 0 : i32
      %dma_wait3A_119 = arith.constant 0 : i32
      %dma_wait3A_120 = tpu.memref_slice %arg7[%dma_wait3A_118, %dma_wait3A_119] : memref<3x128xi32, #tpu.memory_space<vmem>> -> memref<1x128xi32, #tpu.memory_space<vmem>>
      %dma_wait3A_121 = tpu.memref_squeeze %dma_wait3A_120 : memref<1x128xi32, #tpu.memory_space<vmem>> -> memref<128xi32, #tpu.memory_space<vmem>>
      %dma_wait3A_122 = arith.constant 0 : i32
      %dma_wait3A_123 = arith.constant 0 : i32
      %dma_wait3A_124 = tpu.memref_slice %arg2[%dma_wait3A_122, %dma_wait3A_123] : memref<10240x128xf32, #tpu.memory_space<hbm>> -> memref<10240x128xf32, #tpu.memory_space<hbm>>
      tpu.wait_indirect_dma semaphore(%arg12 : memref<!tpu.dma_semaphore, #tpu.memory_space<semaphore_mem>>) src(%dma_wait3A_124 : memref<10240x128xf32, #tpu.memory_space<hbm>>) dst(%arg9 : memref<128x128xf32, #tpu.memory_space<vmem>>)
      %dma_start3A_125 = arith.constant 0 : i32
      %dma_start3A_126 = arith.constant 0 : i32
      %dma_start3A_127 = tpu.memref_slice %arg8[%dma_start3A_125, %dma_start3A_126] : memref<3x128xi32, #tpu.memory_space<vmem>> -> memref<1x128xi32, #tpu.memory_space<vmem>>
      %dma_start3A_128 = tpu.memref_squeeze %dma_start3A_127 : memref<1x128xi32, #tpu.memory_space<vmem>> -> memref<128xi32, #tpu.memory_space<vmem>>
      %dma_start3A_129 = arith.constant 0 : i32
      %dma_start3A_130 = arith.constant 0 : i32
      %dma_start3A_131 = tpu.memref_slice %arg11[%dma_start3A_129, %dma_start3A_130] : memref<10240x128xf32, #tpu.memory_space<vmem_shared>> -> memref<10240x128xf32, #tpu.memory_space<vmem_shared>>
      tpu.enqueue_indirect_dma source(%arg9 : memref<128x128xf32, #tpu.memory_space<vmem>>) target(%dma_start3A_131 : memref<10240x128xf32, #tpu.memory_space<vmem_shared>>) offsets(%dma_start3A_128 : memref<128xi32, #tpu.memory_space<vmem>>) semaphore(%arg14 : memref<!tpu.dma_semaphore, #tpu.memory_space<semaphore_mem>>) {add = true}
      %gt3A = arith.constant 0 : i32
      %gt3A_132 = arith.cmpi sgt, %scan3A_112, %gt3A : i32
      %convert_element_type3A = arith.extui %gt3A_132 : i1 to i32
      %cond3A = arith.constant 0 : i32
      %cond3A_133 = arith.cmpi ne, %convert_element_type3A, %cond3A : i32
      scf.if %cond3A_133 {
        %dma_wait3A_561 = arith.constant 1 : i32
        %dma_wait3A_562 = arith.constant 0 : i32
        %dma_wait3A_563 = tpu.memref_slice %arg8[%dma_wait3A_561, %dma_wait3A_562] : memref<3x128xi32, #tpu.memory_space<vmem>> -> memref<1x128xi32, #tpu.memory_space<vmem>>
        %dma_wait3A_564 = tpu.memref_squeeze %dma_wait3A_563 : memref<1x128xi32, #tpu.memory_space<vmem>> -> memref<128xi32, #tpu.memory_space<vmem>>
        %dma_wait3A_565 = arith.constant 0 : i32
        %dma_wait3A_566 = arith.constant 0 : i32
        %dma_wait3A_567 = tpu.memref_slice %arg11[%dma_wait3A_565, %dma_wait3A_566] : memref<10240x128xf32, #tpu.memory_space<vmem_shared>> -> memref<10240x128xf32, #tpu.memory_space<vmem_shared>>
        tpu.wait_indirect_dma semaphore(%arg15 : memref<!tpu.dma_semaphore, #tpu.memory_space<semaphore_mem>>) src(%arg10 : memref<128x128xf32, #tpu.memory_space<vmem>>) dst(%dma_wait3A_567 : memref<10240x128xf32, #tpu.memory_space<vmem_shared>>)
      } else {
      }
      %add3A_134 = arith.constant 2 : i32
      %add3A_135 = arith.addi %add3A_117, %add3A_134 : i32
      %dma_start3A_136 = arith.constant 2 : i32
      %dma_start3A_137 = arith.constant 0 : i32
      %dma_start3A_138 = tpu.memref_slice %arg7[%dma_start3A_136, %dma_start3A_137] : memref<3x128xi32, #tpu.memory_space<vmem>> -> memref<1x128xi32, #tpu.memory_space<vmem>>
      %dma_start3A_139 = tpu.memref_squeeze %dma_start3A_138 : memref<1x128xi32, #tpu.memory_space<vmem>> -> memref<128xi32, #tpu.memory_space<vmem>>
      %dma_start3A_140 = arith.constant 0 : i32
      %dma_start3A_141 = tpu.memref_slice %arg3[%add3A, %add3A_135, %dma_start3A_140] : memref<32x84x128xi32, #tpu.memory_space<hbm>> -> memref<1x1x128xi32, #tpu.memory_space<hbm>>
      %dma_start3A_142 = tpu.memref_squeeze %dma_start3A_141 : memref<1x1x128xi32, #tpu.memory_space<hbm>> -> memref<128xi32, #tpu.memory_space<hbm>>
      %dma_start3A_143 = arith.constant 0 : i32
      %dma_start3A_144 = tpu.memref_slice %arg7[%dma_start3A_136, %dma_start3A_143] : memref<3x128xi32, #tpu.memory_space<vmem>> -> memref<1x128xi32, #tpu.memory_space<vmem>>
      %dma_start3A_145 = tpu.memref_squeeze %dma_start3A_144 : memref<1x128xi32, #tpu.memory_space<vmem>> -> memref<128xi32, #tpu.memory_space<vmem>>
      %dma_start3A_146 = arith.constant 0 : i32
      %dma_start3A_147 = tpu.memref_slice %arg3[%add3A, %add3A_135, %dma_start3A_146] : memref<32x84x128xi32, #tpu.memory_space<hbm>> -> memref<1x1x128xi32, #tpu.memory_space<hbm>>
      %dma_start3A_148 = tpu.memref_squeeze %dma_start3A_147 : memref<1x1x128xi32, #tpu.memory_space<hbm>> -> memref<128xi32, #tpu.memory_space<hbm>>
      tpu.enqueue_dma source(%dma_start3A_148 : memref<128xi32, #tpu.memory_space<hbm>>) target(%dma_start3A_145 : memref<128xi32, #tpu.memory_space<vmem>>) target_semaphore(%arg18 : memref<!tpu.dma_semaphore, #tpu.memory_space<semaphore_mem>>)
      %dma_start3A_149 = arith.constant 2 : i32
      %dma_start3A_150 = arith.constant 0 : i32
      %dma_start3A_151 = tpu.memref_slice %arg8[%dma_start3A_149, %dma_start3A_150] : memref<3x128xi32, #tpu.memory_space<vmem>> -> memref<1x128xi32, #tpu.memory_space<vmem>>
      %dma_start3A_152 = tpu.memref_squeeze %dma_start3A_151 : memref<1x128xi32, #tpu.memory_space<vmem>> -> memref<128xi32, #tpu.memory_space<vmem>>
      %dma_start3A_153 = arith.constant 0 : i32
      %dma_start3A_154 = tpu.memref_slice %arg4[%add3A, %add3A_135, %dma_start3A_153] : memref<32x84x128xi32, #tpu.memory_space<hbm>> -> memref<1x1x128xi32, #tpu.memory_space<hbm>>
      %dma_start3A_155 = tpu.memref_squeeze %dma_start3A_154 : memref<1x1x128xi32, #tpu.memory_space<hbm>> -> memref<128xi32, #tpu.memory_space<hbm>>
      %dma_start3A_156 = arith.constant 0 : i32
      %dma_start3A_157 = tpu.memref_slice %arg8[%dma_start3A_149, %dma_start3A_156] : memref<3x128xi32, #tpu.memory_space<vmem>> -> memref<1x128xi32, #tpu.memory_space<vmem>>
      %dma_start3A_158 = tpu.memref_squeeze %dma_start3A_157 : memref<1x128xi32, #tpu.memory_space<vmem>> -> memref<128xi32, #tpu.memory_space<vmem>>
      %dma_start3A_159 = arith.constant 0 : i32
      %dma_start3A_160 = tpu.memref_slice %arg4[%add3A, %add3A_135, %dma_start3A_159] : memref<32x84x128xi32, #tpu.memory_space<hbm>> -> memref<1x1x128xi32, #tpu.memory_space<hbm>>
      %dma_start3A_161 = tpu.memref_squeeze %dma_start3A_160 : memref<1x1x128xi32, #tpu.memory_space<hbm>> -> memref<128xi32, #tpu.memory_space<hbm>>
      tpu.enqueue_dma source(%dma_start3A_161 : memref<128xi32, #tpu.memory_space<hbm>>) target(%dma_start3A_158 : memref<128xi32, #tpu.memory_space<vmem>>) target_semaphore(%arg18 : memref<!tpu.dma_semaphore, #tpu.memory_space<semaphore_mem>>)
      %add3A_162 = arith.constant 1 : i32
      %add3A_163 = arith.addi %add3A_117, %add3A_162 : i32
      %dma_wait3A_164 = arith.constant 1 : i32
      %dma_wait3A_165 = arith.constant 0 : i32
      %dma_wait3A_166 = tpu.memref_slice %arg7[%dma_wait3A_164, %dma_wait3A_165] : memref<3x128xi32, #tpu.memory_space<vmem>> -> memref<1x128xi32, #tpu.memory_space<vmem>>
      %dma_wait3A_167 = tpu.memref_squeeze %dma_wait3A_166 : memref<1x128xi32, #tpu.memory_space<vmem>> -> memref<128xi32, #tpu.memory_space<vmem>>
      %dma_wait3A_168 = arith.constant 0 : i32
      %dma_wait3A_169 = tpu.memref_slice %arg3[%add3A, %add3A_163, %dma_wait3A_168] : memref<32x84x128xi32, #tpu.memory_space<hbm>> -> memref<1x1x128xi32, #tpu.memory_space<hbm>>
      %dma_wait3A_170 = tpu.memref_squeeze %dma_wait3A_169 : memref<1x1x128xi32, #tpu.memory_space<hbm>> -> memref<128xi32, #tpu.memory_space<hbm>>
      %dma_wait3A_171 = arith.constant 0 : i32
      %dma_wait3A_172 = tpu.memref_slice %arg7[%dma_wait3A_164, %dma_wait3A_171] : memref<3x128xi32, #tpu.memory_space<vmem>> -> memref<1x128xi32, #tpu.memory_space<vmem>>
      %dma_wait3A_173 = tpu.memref_squeeze %dma_wait3A_172 : memref<1x128xi32, #tpu.memory_space<vmem>> -> memref<128xi32, #tpu.memory_space<vmem>>
      %dma_wait3A_174 = arith.constant 0 : i32
      %dma_wait3A_175 = tpu.memref_slice %arg3[%add3A, %add3A_163, %dma_wait3A_174] : memref<32x84x128xi32, #tpu.memory_space<hbm>> -> memref<1x1x128xi32, #tpu.memory_space<hbm>>
      %dma_wait3A_176 = tpu.memref_squeeze %dma_wait3A_175 : memref<1x1x128xi32, #tpu.memory_space<hbm>> -> memref<128xi32, #tpu.memory_space<hbm>>
      tpu.wait_dma2 semaphore(%arg17 : memref<!tpu.dma_semaphore, #tpu.memory_space<semaphore_mem>>) src(%dma_wait3A_176 : memref<128xi32, #tpu.memory_space<hbm>>) dst(%dma_wait3A_173 : memref<128xi32, #tpu.memory_space<vmem>>)
      %dma_wait3A_177 = arith.constant 1 : i32
      %dma_wait3A_178 = arith.constant 0 : i32
      %dma_wait3A_179 = tpu.memref_slice %arg8[%dma_wait3A_177, %dma_wait3A_178] : memref<3x128xi32, #tpu.memory_space<vmem>> -> memref<1x128xi32, #tpu.memory_space<vmem>>
      %dma_wait3A_180 = tpu.memref_squeeze %dma_wait3A_179 : memref<1x128xi32, #tpu.memory_space<vmem>> -> memref<128xi32, #tpu.memory_space<vmem>>
      %dma_wait3A_181 = arith.constant 0 : i32
      %dma_wait3A_182 = tpu.memref_slice %arg4[%add3A, %add3A_163, %dma_wait3A_181] : memref<32x84x128xi32, #tpu.memory_space<hbm>> -> memref<1x1x128xi32, #tpu.memory_space<hbm>>
      %dma_wait3A_183 = tpu.memref_squeeze %dma_wait3A_182 : memref<1x1x128xi32, #tpu.memory_space<hbm>> -> memref<128xi32, #tpu.memory_space<hbm>>
      %dma_wait3A_184 = arith.constant 0 : i32
      %dma_wait3A_185 = tpu.memref_slice %arg8[%dma_wait3A_177, %dma_wait3A_184] : memref<3x128xi32, #tpu.memory_space<vmem>> -> memref<1x128xi32, #tpu.memory_space<vmem>>
      %dma_wait3A_186 = tpu.memref_squeeze %dma_wait3A_185 : memref<1x128xi32, #tpu.memory_space<vmem>> -> memref<128xi32, #tpu.memory_space<vmem>>
      %dma_wait3A_187 = arith.constant 0 : i32
      %dma_wait3A_188 = tpu.memref_slice %arg4[%add3A, %add3A_163, %dma_wait3A_187] : memref<32x84x128xi32, #tpu.memory_space<hbm>> -> memref<1x1x128xi32, #tpu.memory_space<hbm>>
      %dma_wait3A_189 = tpu.memref_squeeze %dma_wait3A_188 : memref<1x1x128xi32, #tpu.memory_space<hbm>> -> memref<128xi32, #tpu.memory_space<hbm>>
      tpu.wait_dma2 semaphore(%arg17 : memref<!tpu.dma_semaphore, #tpu.memory_space<semaphore_mem>>) src(%dma_wait3A_189 : memref<128xi32, #tpu.memory_space<hbm>>) dst(%dma_wait3A_186 : memref<128xi32, #tpu.memory_space<vmem>>)
      %dma_start3A_190 = arith.constant 1 : i32
      %dma_start3A_191 = arith.constant 0 : i32
      %dma_start3A_192 = tpu.memref_slice %arg7[%dma_start3A_190, %dma_start3A_191] : memref<3x128xi32, #tpu.memory_space<vmem>> -> memref<1x128xi32, #tpu.memory_space<vmem>>
      %dma_start3A_193 = tpu.memref_squeeze %dma_start3A_192 : memref<1x128xi32, #tpu.memory_space<vmem>> -> memref<128xi32, #tpu.memory_space<vmem>>
      %dma_start3A_194 = arith.constant 0 : i32
      %dma_start3A_195 = arith.constant 0 : i32
      %dma_start3A_196 = tpu.memref_slice %arg2[%dma_start3A_194, %dma_start3A_195] : memref<10240x128xf32, #tpu.memory_space<hbm>> -> memref<10240x128xf32, #tpu.memory_space<hbm>>
      tpu.enqueue_indirect_dma source(%dma_start3A_196 : memref<10240x128xf32, #tpu.memory_space<hbm>>) target(%arg10 : memref<128x128xf32, #tpu.memory_space<vmem>>) offsets(%dma_start3A_193 : memref<128xi32, #tpu.memory_space<vmem>>) semaphore(%arg13 : memref<!tpu.dma_semaphore, #tpu.memory_space<semaphore_mem>>)
      %mul3A_197 = arith.constant 6 : i32
      %mul3A_198 = arith.muli %scan3A_112, %mul3A_197 : i32
      %add3A_199 = arith.constant 1 : i32
      %add3A_200 = arith.addi %mul3A_198, %add3A_199 : i32
      %dma_wait3A_201 = arith.constant 1 : i32
      %dma_wait3A_202 = arith.constant 0 : i32
      %dma_wait3A_203 = tpu.memref_slice %arg7[%dma_wait3A_201, %dma_wait3A_202] : memref<3x128xi32, #tpu.memory_space<vmem>> -> memref<1x128xi32, #tpu.memory_space<vmem>>
      %dma_wait3A_204 = tpu.memref_squeeze %dma_wait3A_203 : memref<1x128xi32, #tpu.memory_space<vmem>> -> memref<128xi32, #tpu.memory_space<vmem>>
      %dma_wait3A_205 = arith.constant 0 : i32
      %dma_wait3A_206 = arith.constant 0 : i32
      %dma_wait3A_207 = tpu.memref_slice %arg2[%dma_wait3A_205, %dma_wait3A_206] : memref<10240x128xf32, #tpu.memory_space<hbm>> -> memref<10240x128xf32, #tpu.memory_space<hbm>>
      tpu.wait_indirect_dma semaphore(%arg13 : memref<!tpu.dma_semaphore, #tpu.memory_space<semaphore_mem>>) src(%dma_wait3A_207 : memref<10240x128xf32, #tpu.memory_space<hbm>>) dst(%arg10 : memref<128x128xf32, #tpu.memory_space<vmem>>)
      %dma_start3A_208 = arith.constant 1 : i32
      %dma_start3A_209 = arith.constant 0 : i32
      %dma_start3A_210 = tpu.memref_slice %arg8[%dma_start3A_208, %dma_start3A_209] : memref<3x128xi32, #tpu.memory_space<vmem>> -> memref<1x128xi32, #tpu.memory_space<vmem>>
      %dma_start3A_211 = tpu.memref_squeeze %dma_start3A_210 : memref<1x128xi32, #tpu.memory_space<vmem>> -> memref<128xi32, #tpu.memory_space<vmem>>
      %dma_start3A_212 = arith.constant 0 : i32
      %dma_start3A_213 = arith.constant 0 : i32
      %dma_start3A_214 = tpu.memref_slice %arg11[%dma_start3A_212, %dma_start3A_213] : memref<10240x128xf32, #tpu.memory_space<vmem_shared>> -> memref<10240x128xf32, #tpu.memory_space<vmem_shared>>
      tpu.enqueue_indirect_dma source(%arg10 : memref<128x128xf32, #tpu.memory_space<vmem>>) target(%dma_start3A_214 : memref<10240x128xf32, #tpu.memory_space<vmem_shared>>) offsets(%dma_start3A_211 : memref<128xi32, #tpu.memory_space<vmem>>) semaphore(%arg15 : memref<!tpu.dma_semaphore, #tpu.memory_space<semaphore_mem>>) {add = true}
      %dma_wait3A_215 = arith.constant 2 : i32
      %dma_wait3A_216 = arith.constant 0 : i32
      %dma_wait3A_217 = tpu.memref_slice %arg8[%dma_wait3A_215, %dma_wait3A_216] : memref<3x128xi32, #tpu.memory_space<vmem>> -> memref<1x128xi32, #tpu.memory_space<vmem>>
      %dma_wait3A_218 = tpu.memref_squeeze %dma_wait3A_217 : memref<1x128xi32, #tpu.memory_space<vmem>> -> memref<128xi32, #tpu.memory_space<vmem>>
      %dma_wait3A_219 = arith.constant 0 : i32
      %dma_wait3A_220 = arith.constant 0 : i32
      %dma_wait3A_221 = tpu.memref_slice %arg11[%dma_wait3A_219, %dma_wait3A_220] : memref<10240x128xf32, #tpu.memory_space<vmem_shared>> -> memref<10240x128xf32, #tpu.memory_space<vmem_shared>>
      tpu.wait_indirect_dma semaphore(%arg14 : memref<!tpu.dma_semaphore, #tpu.memory_space<semaphore_mem>>) src(%arg9 : memref<128x128xf32, #tpu.memory_space<vmem>>) dst(%dma_wait3A_221 : memref<10240x128xf32, #tpu.memory_space<vmem_shared>>)
      %add3A_222 = arith.constant 2 : i32
      %add3A_223 = arith.addi %add3A_200, %add3A_222 : i32
      %dma_start3A_224 = arith.constant 0 : i32
      %dma_start3A_225 = arith.constant 0 : i32
      %dma_start3A_226 = tpu.memref_slice %arg7[%dma_start3A_224, %dma_start3A_225] : memref<3x128xi32, #tpu.memory_space<vmem>> -> memref<1x128xi32, #tpu.memory_space<vmem>>
      %dma_start3A_227 = tpu.memref_squeeze %dma_start3A_226 : memref<1x128xi32, #tpu.memory_space<vmem>> -> memref<128xi32, #tpu.memory_space<vmem>>
      %dma_start3A_228 = arith.constant 0 : i32
      %dma_start3A_229 = tpu.memref_slice %arg3[%add3A, %add3A_223, %dma_start3A_228] : memref<32x84x128xi32, #tpu.memory_space<hbm>> -> memref<1x1x128xi32, #tpu.memory_space<hbm>>
      %dma_start3A_230 = tpu.memref_squeeze %dma_start3A_229 : memref<1x1x128xi32, #tpu.memory_space<hbm>> -> memref<128xi32, #tpu.memory_space<hbm>>
      %dma_start3A_231 = arith.constant 0 : i32
      %dma_start3A_232 = tpu.memref_slice %arg7[%dma_start3A_224, %dma_start3A_231] : memref<3x128xi32, #tpu.memory_space<vmem>> -> memref<1x128xi32, #tpu.memory_space<vmem>>
      %dma_start3A_233 = tpu.memref_squeeze %dma_start3A_232 : memref<1x128xi32, #tpu.memory_space<vmem>> -> memref<128xi32, #tpu.memory_space<vmem>>
      %dma_start3A_234 = arith.constant 0 : i32
      %dma_start3A_235 = tpu.memref_slice %arg3[%add3A, %add3A_223, %dma_start3A_234] : memref<32x84x128xi32, #tpu.memory_space<hbm>> -> memref<1x1x128xi32, #tpu.memory_space<hbm>>
      %dma_start3A_236 = tpu.memref_squeeze %dma_start3A_235 : memref<1x1x128xi32, #tpu.memory_space<hbm>> -> memref<128xi32, #tpu.memory_space<hbm>>
      tpu.enqueue_dma source(%dma_start3A_236 : memref<128xi32, #tpu.memory_space<hbm>>) target(%dma_start3A_233 : memref<128xi32, #tpu.memory_space<vmem>>) target_semaphore(%arg16 : memref<!tpu.dma_semaphore, #tpu.memory_space<semaphore_mem>>)
      %dma_start3A_237 = arith.constant 0 : i32
      %dma_start3A_238 = arith.constant 0 : i32
      %dma_start3A_239 = tpu.memref_slice %arg8[%dma_start3A_237, %dma_start3A_238] : memref<3x128xi32, #tpu.memory_space<vmem>> -> memref<1x128xi32, #tpu.memory_space<vmem>>
      %dma_start3A_240 = tpu.memref_squeeze %dma_start3A_239 : memref<1x128xi32, #tpu.memory_space<vmem>> -> memref<128xi32, #tpu.memory_space<vmem>>
      %dma_start3A_241 = arith.constant 0 : i32
      %dma_start3A_242 = tpu.memref_slice %arg4[%add3A, %add3A_223, %dma_start3A_241] : memref<32x84x128xi32, #tpu.memory_space<hbm>> -> memref<1x1x128xi32, #tpu.memory_space<hbm>>
      %dma_start3A_243 = tpu.memref_squeeze %dma_start3A_242 : memref<1x1x128xi32, #tpu.memory_space<hbm>> -> memref<128xi32, #tpu.memory_space<hbm>>
      %dma_start3A_244 = arith.constant 0 : i32
      %dma_start3A_245 = tpu.memref_slice %arg8[%dma_start3A_237, %dma_start3A_244] : memref<3x128xi32, #tpu.memory_space<vmem>> -> memref<1x128xi32, #tpu.memory_space<vmem>>
      %dma_start3A_246 = tpu.memref_squeeze %dma_start3A_245 : memref<1x128xi32, #tpu.memory_space<vmem>> -> memref<128xi32, #tpu.memory_space<vmem>>
      %dma_start3A_247 = arith.constant 0 : i32
      %dma_start3A_248 = tpu.memref_slice %arg4[%add3A, %add3A_223, %dma_start3A_247] : memref<32x84x128xi32, #tpu.memory_space<hbm>> -> memref<1x1x128xi32, #tpu.memory_space<hbm>>
      %dma_start3A_249 = tpu.memref_squeeze %dma_start3A_248 : memref<1x1x128xi32, #tpu.memory_space<hbm>> -> memref<128xi32, #tpu.memory_space<hbm>>
      tpu.enqueue_dma source(%dma_start3A_249 : memref<128xi32, #tpu.memory_space<hbm>>) target(%dma_start3A_246 : memref<128xi32, #tpu.memory_space<vmem>>) target_semaphore(%arg16 : memref<!tpu.dma_semaphore, #tpu.memory_space<semaphore_mem>>)
      %add3A_250 = arith.constant 1 : i32
      %add3A_251 = arith.addi %add3A_200, %add3A_250 : i32
      %dma_wait3A_252 = arith.constant 2 : i32
      %dma_wait3A_253 = arith.constant 0 : i32
      %dma_wait3A_254 = tpu.memref_slice %arg7[%dma_wait3A_252, %dma_wait3A_253] : memref<3x128xi32, #tpu.memory_space<vmem>> -> memref<1x128xi32, #tpu.memory_space<vmem>>
      %dma_wait3A_255 = tpu.memref_squeeze %dma_wait3A_254 : memref<1x128xi32, #tpu.memory_space<vmem>> -> memref<128xi32, #tpu.memory_space<vmem>>
      %dma_wait3A_256 = arith.constant 0 : i32
      %dma_wait3A_257 = tpu.memref_slice %arg3[%add3A, %add3A_251, %dma_wait3A_256] : memref<32x84x128xi32, #tpu.memory_space<hbm>> -> memref<1x1x128xi32, #tpu.memory_space<hbm>>
      %dma_wait3A_258 = tpu.memref_squeeze %dma_wait3A_257 : memref<1x1x128xi32, #tpu.memory_space<hbm>> -> memref<128xi32, #tpu.memory_space<hbm>>
      %dma_wait3A_259 = arith.constant 0 : i32
      %dma_wait3A_260 = tpu.memref_slice %arg7[%dma_wait3A_252, %dma_wait3A_259] : memref<3x128xi32, #tpu.memory_space<vmem>> -> memref<1x128xi32, #tpu.memory_space<vmem>>
      %dma_wait3A_261 = tpu.memref_squeeze %dma_wait3A_260 : memref<1x128xi32, #tpu.memory_space<vmem>> -> memref<128xi32, #tpu.memory_space<vmem>>
      %dma_wait3A_262 = arith.constant 0 : i32
      %dma_wait3A_263 = tpu.memref_slice %arg3[%add3A, %add3A_251, %dma_wait3A_262] : memref<32x84x128xi32, #tpu.memory_space<hbm>> -> memref<1x1x128xi32, #tpu.memory_space<hbm>>
      %dma_wait3A_264 = tpu.memref_squeeze %dma_wait3A_263 : memref<1x1x128xi32, #tpu.memory_space<hbm>> -> memref<128xi32, #tpu.memory_space<hbm>>
      tpu.wait_dma2 semaphore(%arg18 : memref<!tpu.dma_semaphore, #tpu.memory_space<semaphore_mem>>) src(%dma_wait3A_264 : memref<128xi32, #tpu.memory_space<hbm>>) dst(%dma_wait3A_261 : memref<128xi32, #tpu.memory_space<vmem>>)
      %dma_wait3A_265 = arith.constant 2 : i32
      %dma_wait3A_266 = arith.constant 0 : i32
      %dma_wait3A_267 = tpu.memref_slice %arg8[%dma_wait3A_265, %dma_wait3A_266] : memref<3x128xi32, #tpu.memory_space<vmem>> -> memref<1x128xi32, #tpu.memory_space<vmem>>
      %dma_wait3A_268 = tpu.memref_squeeze %dma_wait3A_267 : memref<1x128xi32, #tpu.memory_space<vmem>> -> memref<128xi32, #tpu.memory_space<vmem>>
      %dma_wait3A_269 = arith.constant 0 : i32
      %dma_wait3A_270 = tpu.memref_slice %arg4[%add3A, %add3A_251, %dma_wait3A_269] : memref<32x84x128xi32, #tpu.memory_space<hbm>> -> memref<1x1x128xi32, #tpu.memory_space<hbm>>
      %dma_wait3A_271 = tpu.memref_squeeze %dma_wait3A_270 : memref<1x1x128xi32, #tpu.memory_space<hbm>> -> memref<128xi32, #tpu.memory_space<hbm>>
      %dma_wait3A_272 = arith.constant 0 : i32
      %dma_wait3A_273 = tpu.memref_slice %arg8[%dma_wait3A_265, %dma_wait3A_272] : memref<3x128xi32, #tpu.memory_space<vmem>> -> memref<1x128xi32, #tpu.memory_space<vmem>>
      %dma_wait3A_274 = tpu.memref_squeeze %dma_wait3A_273 : memref<1x128xi32, #tpu.memory_space<vmem>> -> memref<128xi32, #tpu.memory_space<vmem>>
      %dma_wait3A_275 = arith.constant 0 : i32
      %dma_wait3A_276 = tpu.memref_slice %arg4[%add3A, %add3A_251, %dma_wait3A_275] : memref<32x84x128xi32, #tpu.memory_space<hbm>> -> memref<1x1x128xi32, #tpu.memory_space<hbm>>
      %dma_wait3A_277 = tpu.memref_squeeze %dma_wait3A_276 : memref<1x1x128xi32, #tpu.memory_space<hbm>> -> memref<128xi32, #tpu.memory_space<hbm>>
      tpu.wait_dma2 semaphore(%arg18 : memref<!tpu.dma_semaphore, #tpu.memory_space<semaphore_mem>>) src(%dma_wait3A_277 : memref<128xi32, #tpu.memory_space<hbm>>) dst(%dma_wait3A_274 : memref<128xi32, #tpu.memory_space<vmem>>)
      %dma_start3A_278 = arith.constant 2 : i32
      %dma_start3A_279 = arith.constant 0 : i32
      %dma_start3A_280 = tpu.memref_slice %arg7[%dma_start3A_278, %dma_start3A_279] : memref<3x128xi32, #tpu.memory_space<vmem>> -> memref<1x128xi32, #tpu.memory_space<vmem>>
      %dma_start3A_281 = tpu.memref_squeeze %dma_start3A_280 : memref<1x128xi32, #tpu.memory_space<vmem>> -> memref<128xi32, #tpu.memory_space<vmem>>
      %dma_start3A_282 = arith.constant 0 : i32
      %dma_start3A_283 = arith.constant 0 : i32
      %dma_start3A_284 = tpu.memref_slice %arg2[%dma_start3A_282, %dma_start3A_283] : memref<10240x128xf32, #tpu.memory_space<hbm>> -> memref<10240x128xf32, #tpu.memory_space<hbm>>
      tpu.enqueue_indirect_dma source(%dma_start3A_284 : memref<10240x128xf32, #tpu.memory_space<hbm>>) target(%arg9 : memref<128x128xf32, #tpu.memory_space<vmem>>) offsets(%dma_start3A_281 : memref<128xi32, #tpu.memory_space<vmem>>) semaphore(%arg12 : memref<!tpu.dma_semaphore, #tpu.memory_space<semaphore_mem>>)
      %mul3A_285 = arith.constant 6 : i32
      %mul3A_286 = arith.muli %scan3A_112, %mul3A_285 : i32
      %add3A_287 = arith.constant 2 : i32
      %add3A_288 = arith.addi %mul3A_286, %add3A_287 : i32
      %dma_wait3A_289 = arith.constant 2 : i32
      %dma_wait3A_290 = arith.constant 0 : i32
      %dma_wait3A_291 = tpu.memref_slice %arg7[%dma_wait3A_289, %dma_wait3A_290] : memref<3x128xi32, #tpu.memory_space<vmem>> -> memref<1x128xi32, #tpu.memory_space<vmem>>
      %dma_wait3A_292 = tpu.memref_squeeze %dma_wait3A_291 : memref<1x128xi32, #tpu.memory_space<vmem>> -> memref<128xi32, #tpu.memory_space<vmem>>
      %dma_wait3A_293 = arith.constant 0 : i32
      %dma_wait3A_294 = arith.constant 0 : i32
      %dma_wait3A_295 = tpu.memref_slice %arg2[%dma_wait3A_293, %dma_wait3A_294] : memref<10240x128xf32, #tpu.memory_space<hbm>> -> memref<10240x128xf32, #tpu.memory_space<hbm>>
      tpu.wait_indirect_dma semaphore(%arg12 : memref<!tpu.dma_semaphore, #tpu.memory_space<semaphore_mem>>) src(%dma_wait3A_295 : memref<10240x128xf32, #tpu.memory_space<hbm>>) dst(%arg9 : memref<128x128xf32, #tpu.memory_space<vmem>>)
      %dma_start3A_296 = arith.constant 2 : i32
      %dma_start3A_297 = arith.constant 0 : i32
      %dma_start3A_298 = tpu.memref_slice %arg8[%dma_start3A_296, %dma_start3A_297] : memref<3x128xi32, #tpu.memory_space<vmem>> -> memref<1x128xi32, #tpu.memory_space<vmem>>
      %dma_start3A_299 = tpu.memref_squeeze %dma_start3A_298 : memref<1x128xi32, #tpu.memory_space<vmem>> -> memref<128xi32, #tpu.memory_space<vmem>>
      %dma_start3A_300 = arith.constant 0 : i32
      %dma_start3A_301 = arith.constant 0 : i32
      %dma_start3A_302 = tpu.memref_slice %arg11[%dma_start3A_300, %dma_start3A_301] : memref<10240x128xf32, #tpu.memory_space<vmem_shared>> -> memref<10240x128xf32, #tpu.memory_space<vmem_shared>>
      tpu.enqueue_indirect_dma source(%arg9 : memref<128x128xf32, #tpu.memory_space<vmem>>) target(%dma_start3A_302 : memref<10240x128xf32, #tpu.memory_space<vmem_shared>>) offsets(%dma_start3A_299 : memref<128xi32, #tpu.memory_space<vmem>>) semaphore(%arg14 : memref<!tpu.dma_semaphore, #tpu.memory_space<semaphore_mem>>) {add = true}
      %dma_wait3A_303 = arith.constant 0 : i32
      %dma_wait3A_304 = arith.constant 0 : i32
      %dma_wait3A_305 = tpu.memref_slice %arg8[%dma_wait3A_303, %dma_wait3A_304] : memref<3x128xi32, #tpu.memory_space<vmem>> -> memref<1x128xi32, #tpu.memory_space<vmem>>
      %dma_wait3A_306 = tpu.memref_squeeze %dma_wait3A_305 : memref<1x128xi32, #tpu.memory_space<vmem>> -> memref<128xi32, #tpu.memory_space<vmem>>
      %dma_wait3A_307 = arith.constant 0 : i32
      %dma_wait3A_308 = arith.constant 0 : i32
      %dma_wait3A_309 = tpu.memref_slice %arg11[%dma_wait3A_307, %dma_wait3A_308] : memref<10240x128xf32, #tpu.memory_space<vmem_shared>> -> memref<10240x128xf32, #tpu.memory_space<vmem_shared>>
      tpu.wait_indirect_dma semaphore(%arg15 : memref<!tpu.dma_semaphore, #tpu.memory_space<semaphore_mem>>) src(%arg10 : memref<128x128xf32, #tpu.memory_space<vmem>>) dst(%dma_wait3A_309 : memref<10240x128xf32, #tpu.memory_space<vmem_shared>>)
      %add3A_310 = arith.constant 2 : i32
      %add3A_311 = arith.addi %add3A_288, %add3A_310 : i32
      %dma_start3A_312 = arith.constant 1 : i32
      %dma_start3A_313 = arith.constant 0 : i32
      %dma_start3A_314 = tpu.memref_slice %arg7[%dma_start3A_312, %dma_start3A_313] : memref<3x128xi32, #tpu.memory_space<vmem>> -> memref<1x128xi32, #tpu.memory_space<vmem>>
      %dma_start3A_315 = tpu.memref_squeeze %dma_start3A_314 : memref<1x128xi32, #tpu.memory_space<vmem>> -> memref<128xi32, #tpu.memory_space<vmem>>
      %dma_start3A_316 = arith.constant 0 : i32
      %dma_start3A_317 = tpu.memref_slice %arg3[%add3A, %add3A_311, %dma_start3A_316] : memref<32x84x128xi32, #tpu.memory_space<hbm>> -> memref<1x1x128xi32, #tpu.memory_space<hbm>>
      %dma_start3A_318 = tpu.memref_squeeze %dma_start3A_317 : memref<1x1x128xi32, #tpu.memory_space<hbm>> -> memref<128xi32, #tpu.memory_space<hbm>>
      %dma_start3A_319 = arith.constant 0 : i32
      %dma_start3A_320 = tpu.memref_slice %arg7[%dma_start3A_312, %dma_start3A_319] : memref<3x128xi32, #tpu.memory_space<vmem>> -> memref<1x128xi32, #tpu.memory_space<vmem>>
      %dma_start3A_321 = tpu.memref_squeeze %dma_start3A_320 : memref<1x128xi32, #tpu.memory_space<vmem>> -> memref<128xi32, #tpu.memory_space<vmem>>
      %dma_start3A_322 = arith.constant 0 : i32
      %dma_start3A_323 = tpu.memref_slice %arg3[%add3A, %add3A_311, %dma_start3A_322] : memref<32x84x128xi32, #tpu.memory_space<hbm>> -> memref<1x1x128xi32, #tpu.memory_space<hbm>>
      %dma_start3A_324 = tpu.memref_squeeze %dma_start3A_323 : memref<1x1x128xi32, #tpu.memory_space<hbm>> -> memref<128xi32, #tpu.memory_space<hbm>>
      tpu.enqueue_dma source(%dma_start3A_324 : memref<128xi32, #tpu.memory_space<hbm>>) target(%dma_start3A_321 : memref<128xi32, #tpu.memory_space<vmem>>) target_semaphore(%arg17 : memref<!tpu.dma_semaphore, #tpu.memory_space<semaphore_mem>>)
      %dma_start3A_325 = arith.constant 1 : i32
      %dma_start3A_326 = arith.constant 0 : i32
      %dma_start3A_327 = tpu.memref_slice %arg8[%dma_start3A_325, %dma_start3A_326] : memref<3x128xi32, #tpu.memory_space<vmem>> -> memref<1x128xi32, #tpu.memory_space<vmem>>
      %dma_start3A_328 = tpu.memref_squeeze %dma_start3A_327 : memref<1x128xi32, #tpu.memory_space<vmem>> -> memref<128xi32, #tpu.memory_space<vmem>>
      %dma_start3A_329 = arith.constant 0 : i32
      %dma_start3A_330 = tpu.memref_slice %arg4[%add3A, %add3A_311, %dma_start3A_329] : memref<32x84x128xi32, #tpu.memory_space<hbm>> -> memref<1x1x128xi32, #tpu.memory_space<hbm>>
      %dma_start3A_331 = tpu.memref_squeeze %dma_start3A_330 : memref<1x1x128xi32, #tpu.memory_space<hbm>> -> memref<128xi32, #tpu.memory_space<hbm>>
      %dma_start3A_332 = arith.constant 0 : i32
      %dma_start3A_333 = tpu.memref_slice %arg8[%dma_start3A_325, %dma_start3A_332] : memref<3x128xi32, #tpu.memory_space<vmem>> -> memref<1x128xi32, #tpu.memory_space<vmem>>
      %dma_start3A_334 = tpu.memref_squeeze %dma_start3A_333 : memref<1x128xi32, #tpu.memory_space<vmem>> -> memref<128xi32, #tpu.memory_space<vmem>>
      %dma_start3A_335 = arith.constant 0 : i32
      %dma_start3A_336 = tpu.memref_slice %arg4[%add3A, %add3A_311, %dma_start3A_335] : memref<32x84x128xi32, #tpu.memory_space<hbm>> -> memref<1x1x128xi32, #tpu.memory_space<hbm>>
      %dma_start3A_337 = tpu.memref_squeeze %dma_start3A_336 : memref<1x1x128xi32, #tpu.memory_space<hbm>> -> memref<128xi32, #tpu.memory_space<hbm>>
      tpu.enqueue_dma source(%dma_start3A_337 : memref<128xi32, #tpu.memory_space<hbm>>) target(%dma_start3A_334 : memref<128xi32, #tpu.memory_space<vmem>>) target_semaphore(%arg17 : memref<!tpu.dma_semaphore, #tpu.memory_space<semaphore_mem>>)
      %add3A_338 = arith.constant 1 : i32
      %add3A_339 = arith.addi %add3A_288, %add3A_338 : i32
      %dma_wait3A_340 = arith.constant 0 : i32
      %dma_wait3A_341 = arith.constant 0 : i32
      %dma_wait3A_342 = tpu.memref_slice %arg7[%dma_wait3A_340, %dma_wait3A_341] : memref<3x128xi32, #tpu.memory_space<vmem>> -> memref<1x128xi32, #tpu.memory_space<vmem>>
      %dma_wait3A_343 = tpu.memref_squeeze %dma_wait3A_342 : memref<1x128xi32, #tpu.memory_space<vmem>> -> memref<128xi32, #tpu.memory_space<vmem>>
      %dma_wait3A_344 = arith.constant 0 : i32
      %dma_wait3A_345 = tpu.memref_slice %arg3[%add3A, %add3A_339, %dma_wait3A_344] : memref<32x84x128xi32, #tpu.memory_space<hbm>> -> memref<1x1x128xi32, #tpu.memory_space<hbm>>
      %dma_wait3A_346 = tpu.memref_squeeze %dma_wait3A_345 : memref<1x1x128xi32, #tpu.memory_space<hbm>> -> memref<128xi32, #tpu.memory_space<hbm>>
      %dma_wait3A_347 = arith.constant 0 : i32
      %dma_wait3A_348 = tpu.memref_slice %arg7[%dma_wait3A_340, %dma_wait3A_347] : memref<3x128xi32, #tpu.memory_space<vmem>> -> memref<1x128xi32, #tpu.memory_space<vmem>>
      %dma_wait3A_349 = tpu.memref_squeeze %dma_wait3A_348 : memref<1x128xi32, #tpu.memory_space<vmem>> -> memref<128xi32, #tpu.memory_space<vmem>>
      %dma_wait3A_350 = arith.constant 0 : i32
      %dma_wait3A_351 = tpu.memref_slice %arg3[%add3A, %add3A_339, %dma_wait3A_350] : memref<32x84x128xi32, #tpu.memory_space<hbm>> -> memref<1x1x128xi32, #tpu.memory_space<hbm>>
      %dma_wait3A_352 = tpu.memref_squeeze %dma_wait3A_351 : memref<1x1x128xi32, #tpu.memory_space<hbm>> -> memref<128xi32, #tpu.memory_space<hbm>>
      tpu.wait_dma2 semaphore(%arg16 : memref<!tpu.dma_semaphore, #tpu.memory_space<semaphore_mem>>) src(%dma_wait3A_352 : memref<128xi32, #tpu.memory_space<hbm>>) dst(%dma_wait3A_349 : memref<128xi32, #tpu.memory_space<vmem>>)
      %dma_wait3A_353 = arith.constant 0 : i32
      %dma_wait3A_354 = arith.constant 0 : i32
      %dma_wait3A_355 = tpu.memref_slice %arg8[%dma_wait3A_353, %dma_wait3A_354] : memref<3x128xi32, #tpu.memory_space<vmem>> -> memref<1x128xi32, #tpu.memory_space<vmem>>
      %dma_wait3A_356 = tpu.memref_squeeze %dma_wait3A_355 : memref<1x128xi32, #tpu.memory_space<vmem>> -> memref<128xi32, #tpu.memory_space<vmem>>
      %dma_wait3A_357 = arith.constant 0 : i32
      %dma_wait3A_358 = tpu.memref_slice %arg4[%add3A, %add3A_339, %dma_wait3A_357] : memref<32x84x128xi32, #tpu.memory_space<hbm>> -> memref<1x1x128xi32, #tpu.memory_space<hbm>>
      %dma_wait3A_359 = tpu.memref_squeeze %dma_wait3A_358 : memref<1x1x128xi32, #tpu.memory_space<hbm>> -> memref<128xi32, #tpu.memory_space<hbm>>
      %dma_wait3A_360 = arith.constant 0 : i32
      %dma_wait3A_361 = tpu.memref_slice %arg8[%dma_wait3A_353, %dma_wait3A_360] : memref<3x128xi32, #tpu.memory_space<vmem>> -> memref<1x128xi32, #tpu.memory_space<vmem>>
      %dma_wait3A_362 = tpu.memref_squeeze %dma_wait3A_361 : memref<1x128xi32, #tpu.memory_space<vmem>> -> memref<128xi32, #tpu.memory_space<vmem>>
      %dma_wait3A_363 = arith.constant 0 : i32
      %dma_wait3A_364 = tpu.memref_slice %arg4[%add3A, %add3A_339, %dma_wait3A_363] : memref<32x84x128xi32, #tpu.memory_space<hbm>> -> memref<1x1x128xi32, #tpu.memory_space<hbm>>
      %dma_wait3A_365 = tpu.memref_squeeze %dma_wait3A_364 : memref<1x1x128xi32, #tpu.memory_space<hbm>> -> memref<128xi32, #tpu.memory_space<hbm>>
      tpu.wait_dma2 semaphore(%arg16 : memref<!tpu.dma_semaphore, #tpu.memory_space<semaphore_mem>>) src(%dma_wait3A_365 : memref<128xi32, #tpu.memory_space<hbm>>) dst(%dma_wait3A_362 : memref<128xi32, #tpu.memory_space<vmem>>)
      %dma_start3A_366 = arith.constant 0 : i32
      %dma_start3A_367 = arith.constant 0 : i32
      %dma_start3A_368 = tpu.memref_slice %arg7[%dma_start3A_366, %dma_start3A_367] : memref<3x128xi32, #tpu.memory_space<vmem>> -> memref<1x128xi32, #tpu.memory_space<vmem>>
      %dma_start3A_369 = tpu.memref_squeeze %dma_start3A_368 : memref<1x128xi32, #tpu.memory_space<vmem>> -> memref<128xi32, #tpu.memory_space<vmem>>
      %dma_start3A_370 = arith.constant 0 : i32
      %dma_start3A_371 = arith.constant 0 : i32
      %dma_start3A_372 = tpu.memref_slice %arg2[%dma_start3A_370, %dma_start3A_371] : memref<10240x128xf32, #tpu.memory_space<hbm>> -> memref<10240x128xf32, #tpu.memory_space<hbm>>
      tpu.enqueue_indirect_dma source(%dma_start3A_372 : memref<10240x128xf32, #tpu.memory_space<hbm>>) target(%arg10 : memref<128x128xf32, #tpu.memory_space<vmem>>) offsets(%dma_start3A_369 : memref<128xi32, #tpu.memory_space<vmem>>) semaphore(%arg13 : memref<!tpu.dma_semaphore, #tpu.memory_space<semaphore_mem>>)
      %mul3A_373 = arith.constant 6 : i32
      %mul3A_374 = arith.muli %scan3A_112, %mul3A_373 : i32
      %add3A_375 = arith.constant 3 : i32
      %add3A_376 = arith.addi %mul3A_374, %add3A_375 : i32
      %dma_wait3A_377 = arith.constant 0 : i32
      %dma_wait3A_378 = arith.constant 0 : i32
      %dma_wait3A_379 = tpu.memref_slice %arg7[%dma_wait3A_377, %dma_wait3A_378] : memref<3x128xi32, #tpu.memory_space<vmem>> -> memref<1x128xi32, #tpu.memory_space<vmem>>
      %dma_wait3A_380 = tpu.memref_squeeze %dma_wait3A_379 : memref<1x128xi32, #tpu.memory_space<vmem>> -> memref<128xi32, #tpu.memory_space<vmem>>
      %dma_wait3A_381 = arith.constant 0 : i32
      %dma_wait3A_382 = arith.constant 0 : i32
      %dma_wait3A_383 = tpu.memref_slice %arg2[%dma_wait3A_381, %dma_wait3A_382] : memref<10240x128xf32, #tpu.memory_space<hbm>> -> memref<10240x128xf32, #tpu.memory_space<hbm>>
      tpu.wait_indirect_dma semaphore(%arg13 : memref<!tpu.dma_semaphore, #tpu.memory_space<semaphore_mem>>) src(%dma_wait3A_383 : memref<10240x128xf32, #tpu.memory_space<hbm>>) dst(%arg10 : memref<128x128xf32, #tpu.memory_space<vmem>>)
      %dma_start3A_384 = arith.constant 0 : i32
      %dma_start3A_385 = arith.constant 0 : i32
      %dma_start3A_386 = tpu.memref_slice %arg8[%dma_start3A_384, %dma_start3A_385] : memref<3x128xi32, #tpu.memory_space<vmem>> -> memref<1x128xi32, #tpu.memory_space<vmem>>
      %dma_start3A_387 = tpu.memref_squeeze %dma_start3A_386 : memref<1x128xi32, #tpu.memory_space<vmem>> -> memref<128xi32, #tpu.memory_space<vmem>>
      %dma_start3A_388 = arith.constant 0 : i32
      %dma_start3A_389 = arith.constant 0 : i32
      %dma_start3A_390 = tpu.memref_slice %arg11[%dma_start3A_388, %dma_start3A_389] : memref<10240x128xf32, #tpu.memory_space<vmem_shared>> -> memref<10240x128xf32, #tpu.memory_space<vmem_shared>>
      tpu.enqueue_indirect_dma source(%arg10 : memref<128x128xf32, #tpu.memory_space<vmem>>) target(%dma_start3A_390 : memref<10240x128xf32, #tpu.memory_space<vmem_shared>>) offsets(%dma_start3A_387 : memref<128xi32, #tpu.memory_space<vmem>>) semaphore(%arg15 : memref<!tpu.dma_semaphore, #tpu.memory_space<semaphore_mem>>) {add = true}
      %dma_wait3A_391 = arith.constant 1 : i32
      %dma_wait3A_392 = arith.constant 0 : i32
      %dma_wait3A_393 = tpu.memref_slice %arg8[%dma_wait3A_391, %dma_wait3A_392] : memref<3x128xi32, #tpu.memory_space<vmem>> -> memref<1x128xi32, #tpu.memory_space<vmem>>
      %dma_wait3A_394 = tpu.memref_squeeze %dma_wait3A_393 : memref<1x128xi32, #tpu.memory_space<vmem>> -> memref<128xi32, #tpu.memory_space<vmem>>
      %dma_wait3A_395 = arith.constant 0 : i32
      %dma_wait3A_396 = arith.constant 0 : i32
      %dma_wait3A_397 = tpu.memref_slice %arg11[%dma_wait3A_395, %dma_wait3A_396] : memref<10240x128xf32, #tpu.memory_space<vmem_shared>> -> memref<10240x128xf32, #tpu.memory_space<vmem_shared>>
      tpu.wait_indirect_dma semaphore(%arg14 : memref<!tpu.dma_semaphore, #tpu.memory_space<semaphore_mem>>) src(%arg9 : memref<128x128xf32, #tpu.memory_space<vmem>>) dst(%dma_wait3A_397 : memref<10240x128xf32, #tpu.memory_space<vmem_shared>>)
      %add3A_398 = arith.constant 2 : i32
      %add3A_399 = arith.addi %add3A_376, %add3A_398 : i32
      %dma_start3A_400 = arith.constant 2 : i32
      %dma_start3A_401 = arith.constant 0 : i32
      %dma_start3A_402 = tpu.memref_slice %arg7[%dma_start3A_400, %dma_start3A_401] : memref<3x128xi32, #tpu.memory_space<vmem>> -> memref<1x128xi32, #tpu.memory_space<vmem>>
      %dma_start3A_403 = tpu.memref_squeeze %dma_start3A_402 : memref<1x128xi32, #tpu.memory_space<vmem>> -> memref<128xi32, #tpu.memory_space<vmem>>
      %dma_start3A_404 = arith.constant 0 : i32
      %dma_start3A_405 = tpu.memref_slice %arg3[%add3A, %add3A_399, %dma_start3A_404] : memref<32x84x128xi32, #tpu.memory_space<hbm>> -> memref<1x1x128xi32, #tpu.memory_space<hbm>>
      %dma_start3A_406 = tpu.memref_squeeze %dma_start3A_405 : memref<1x1x128xi32, #tpu.memory_space<hbm>> -> memref<128xi32, #tpu.memory_space<hbm>>
      %dma_start3A_407 = arith.constant 0 : i32
      %dma_start3A_408 = tpu.memref_slice %arg7[%dma_start3A_400, %dma_start3A_407] : memref<3x128xi32, #tpu.memory_space<vmem>> -> memref<1x128xi32, #tpu.memory_space<vmem>>
      %dma_start3A_409 = tpu.memref_squeeze %dma_start3A_408 : memref<1x128xi32, #tpu.memory_space<vmem>> -> memref<128xi32, #tpu.memory_space<vmem>>
      %dma_start3A_410 = arith.constant 0 : i32
      %dma_start3A_411 = tpu.memref_slice %arg3[%add3A, %add3A_399, %dma_start3A_410] : memref<32x84x128xi32, #tpu.memory_space<hbm>> -> memref<1x1x128xi32, #tpu.memory_space<hbm>>
      %dma_start3A_412 = tpu.memref_squeeze %dma_start3A_411 : memref<1x1x128xi32, #tpu.memory_space<hbm>> -> memref<128xi32, #tpu.memory_space<hbm>>
      tpu.enqueue_dma source(%dma_start3A_412 : memref<128xi32, #tpu.memory_space<hbm>>) target(%dma_start3A_409 : memref<128xi32, #tpu.memory_space<vmem>>) target_semaphore(%arg18 : memref<!tpu.dma_semaphore, #tpu.memory_space<semaphore_mem>>)
      %dma_start3A_413 = arith.constant 2 : i32
      %dma_start3A_414 = arith.constant 0 : i32
      %dma_start3A_415 = tpu.memref_slice %arg8[%dma_start3A_413, %dma_start3A_414] : memref<3x128xi32, #tpu.memory_space<vmem>> -> memref<1x128xi32, #tpu.memory_space<vmem>>
      %dma_start3A_416 = tpu.memref_squeeze %dma_start3A_415 : memref<1x128xi32, #tpu.memory_space<vmem>> -> memref<128xi32, #tpu.memory_space<vmem>>
      %dma_start3A_417 = arith.constant 0 : i32
      %dma_start3A_418 = tpu.memref_slice %arg4[%add3A, %add3A_399, %dma_start3A_417] : memref<32x84x128xi32, #tpu.memory_space<hbm>> -> memref<1x1x128xi32, #tpu.memory_space<hbm>>
      %dma_start3A_419 = tpu.memref_squeeze %dma_start3A_418 : memref<1x1x128xi32, #tpu.memory_space<hbm>> -> memref<128xi32, #tpu.memory_space<hbm>>
      %dma_start3A_420 = arith.constant 0 : i32
      %dma_start3A_421 = tpu.memref_slice %arg8[%dma_start3A_413, %dma_start3A_420] : memref<3x128xi32, #tpu.memory_space<vmem>> -> memref<1x128xi32, #tpu.memory_space<vmem>>
      %dma_start3A_422 = tpu.memref_squeeze %dma_start3A_421 : memref<1x128xi32, #tpu.memory_space<vmem>> -> memref<128xi32, #tpu.memory_space<vmem>>
      %dma_start3A_423 = arith.constant 0 : i32
      %dma_start3A_424 = tpu.memref_slice %arg4[%add3A, %add3A_399, %dma_start3A_423] : memref<32x84x128xi32, #tpu.memory_space<hbm>> -> memref<1x1x128xi32, #tpu.memory_space<hbm>>
      %dma_start3A_425 = tpu.memref_squeeze %dma_start3A_424 : memref<1x1x128xi32, #tpu.memory_space<hbm>> -> memref<128xi32, #tpu.memory_space<hbm>>
      tpu.enqueue_dma source(%dma_start3A_425 : memref<128xi32, #tpu.memory_space<hbm>>) target(%dma_start3A_422 : memref<128xi32, #tpu.memory_space<vmem>>) target_semaphore(%arg18 : memref<!tpu.dma_semaphore, #tpu.memory_space<semaphore_mem>>)
      %add3A_426 = arith.constant 1 : i32
      %add3A_427 = arith.addi %add3A_376, %add3A_426 : i32
      %dma_wait3A_428 = arith.constant 1 : i32
      %dma_wait3A_429 = arith.constant 0 : i32
      %dma_wait3A_430 = tpu.memref_slice %arg7[%dma_wait3A_428, %dma_wait3A_429] : memref<3x128xi32, #tpu.memory_space<vmem>> -> memref<1x128xi32, #tpu.memory_space<vmem>>
      %dma_wait3A_431 = tpu.memref_squeeze %dma_wait3A_430 : memref<1x128xi32, #tpu.memory_space<vmem>> -> memref<128xi32, #tpu.memory_space<vmem>>
      %dma_wait3A_432 = arith.constant 0 : i32
      %dma_wait3A_433 = tpu.memref_slice %arg3[%add3A, %add3A_427, %dma_wait3A_432] : memref<32x84x128xi32, #tpu.memory_space<hbm>> -> memref<1x1x128xi32, #tpu.memory_space<hbm>>
      %dma_wait3A_434 = tpu.memref_squeeze %dma_wait3A_433 : memref<1x1x128xi32, #tpu.memory_space<hbm>> -> memref<128xi32, #tpu.memory_space<hbm>>
      %dma_wait3A_435 = arith.constant 0 : i32
      %dma_wait3A_436 = tpu.memref_slice %arg7[%dma_wait3A_428, %dma_wait3A_435] : memref<3x128xi32, #tpu.memory_space<vmem>> -> memref<1x128xi32, #tpu.memory_space<vmem>>
      %dma_wait3A_437 = tpu.memref_squeeze %dma_wait3A_436 : memref<1x128xi32, #tpu.memory_space<vmem>> -> memref<128xi32, #tpu.memory_space<vmem>>
      %dma_wait3A_438 = arith.constant 0 : i32
      %dma_wait3A_439 = tpu.memref_slice %arg3[%add3A, %add3A_427, %dma_wait3A_438] : memref<32x84x128xi32, #tpu.memory_space<hbm>> -> memref<1x1x128xi32, #tpu.memory_space<hbm>>
      %dma_wait3A_440 = tpu.memref_squeeze %dma_wait3A_439 : memref<1x1x128xi32, #tpu.memory_space<hbm>> -> memref<128xi32, #tpu.memory_space<hbm>>
      tpu.wait_dma2 semaphore(%arg17 : memref<!tpu.dma_semaphore, #tpu.memory_space<semaphore_mem>>) src(%dma_wait3A_440 : memref<128xi32, #tpu.memory_space<hbm>>) dst(%dma_wait3A_437 : memref<128xi32, #tpu.memory_space<vmem>>)
      %dma_wait3A_441 = arith.constant 1 : i32
      %dma_wait3A_442 = arith.constant 0 : i32
      %dma_wait3A_443 = tpu.memref_slice %arg8[%dma_wait3A_441, %dma_wait3A_442] : memref<3x128xi32, #tpu.memory_space<vmem>> -> memref<1x128xi32, #tpu.memory_space<vmem>>
      %dma_wait3A_444 = tpu.memref_squeeze %dma_wait3A_443 : memref<1x128xi32, #tpu.memory_space<vmem>> -> memref<128xi32, #tpu.memory_space<vmem>>
      %dma_wait3A_445 = arith.constant 0 : i32
      %dma_wait3A_446 = tpu.memref_slice %arg4[%add3A, %add3A_427, %dma_wait3A_445] : memref<32x84x128xi32, #tpu.memory_space<hbm>> -> memref<1x1x128xi32, #tpu.memory_space<hbm>>
      %dma_wait3A_447 = tpu.memref_squeeze %dma_wait3A_446 : memref<1x1x128xi32, #tpu.memory_space<hbm>> -> memref<128xi32, #tpu.memory_space<hbm>>
      %dma_wait3A_448 = arith.constant 0 : i32
      %dma_wait3A_449 = tpu.memref_slice %arg8[%dma_wait3A_441, %dma_wait3A_448] : memref<3x128xi32, #tpu.memory_space<vmem>> -> memref<1x128xi32, #tpu.memory_space<vmem>>
      %dma_wait3A_450 = tpu.memref_squeeze %dma_wait3A_449 : memref<1x128xi32, #tpu.memory_space<vmem>> -> memref<128xi32, #tpu.memory_space<vmem>>
      %dma_wait3A_451 = arith.constant 0 : i32
      %dma_wait3A_452 = tpu.memref_slice %arg4[%add3A, %add3A_427, %dma_wait3A_451] : memref<32x84x128xi32, #tpu.memory_space<hbm>> -> memref<1x1x128xi32, #tpu.memory_space<hbm>>
      %dma_wait3A_453 = tpu.memref_squeeze %dma_wait3A_452 : memref<1x1x128xi32, #tpu.memory_space<hbm>> -> memref<128xi32, #tpu.memory_space<hbm>>
      tpu.wait_dma2 semaphore(%arg17 : memref<!tpu.dma_semaphore, #tpu.memory_space<semaphore_mem>>) src(%dma_wait3A_453 : memref<128xi32, #tpu.memory_space<hbm>>) dst(%dma_wait3A_450 : memref<128xi32, #tpu.memory_space<vmem>>)
      %dma_start3A_454 = arith.constant 1 : i32
      %dma_start3A_455 = arith.constant 0 : i32
      %dma_start3A_456 = tpu.memref_slice %arg7[%dma_start3A_454, %dma_start3A_455] : memref<3x128xi32, #tpu.memory_space<vmem>> -> memref<1x128xi32, #tpu.memory_space<vmem>>
      %dma_start3A_457 = tpu.memref_squeeze %dma_start3A_456 : memref<1x128xi32, #tpu.memory_space<vmem>> -> memref<128xi32, #tpu.memory_space<vmem>>
      %dma_start3A_458 = arith.constant 0 : i32
      %dma_start3A_459 = arith.constant 0 : i32
      %dma_start3A_460 = tpu.memref_slice %arg2[%dma_start3A_458, %dma_start3A_459] : memref<10240x128xf32, #tpu.memory_space<hbm>> -> memref<10240x128xf32, #tpu.memory_space<hbm>>
      tpu.enqueue_indirect_dma source(%dma_start3A_460 : memref<10240x128xf32, #tpu.memory_space<hbm>>) target(%arg9 : memref<128x128xf32, #tpu.memory_space<vmem>>) offsets(%dma_start3A_457 : memref<128xi32, #tpu.memory_space<vmem>>) semaphore(%arg12 : memref<!tpu.dma_semaphore, #tpu.memory_space<semaphore_mem>>)
      %mul3A_461 = arith.constant 6 : i32
      %mul3A_462 = arith.muli %scan3A_112, %mul3A_461 : i32
      %add3A_463 = arith.constant 4 : i32
      %add3A_464 = arith.addi %mul3A_462, %add3A_463 : i32
      %dma_wait3A_465 = arith.constant 1 : i32
      %dma_wait3A_466 = arith.constant 0 : i32
      %dma_wait3A_467 = tpu.memref_slice %arg7[%dma_wait3A_465, %dma_wait3A_466] : memref<3x128xi32, #tpu.memory_space<vmem>> -> memref<1x128xi32, #tpu.memory_space<vmem>>
      %dma_wait3A_468 = tpu.memref_squeeze %dma_wait3A_467 : memref<1x128xi32, #tpu.memory_space<vmem>> -> memref<128xi32, #tpu.memory_space<vmem>>
      %dma_wait3A_469 = arith.constant 0 : i32
      %dma_wait3A_470 = arith.constant 0 : i32
      %dma_wait3A_471 = tpu.memref_slice %arg2[%dma_wait3A_469, %dma_wait3A_470] : memref<10240x128xf32, #tpu.memory_space<hbm>> -> memref<10240x128xf32, #tpu.memory_space<hbm>>
      tpu.wait_indirect_dma semaphore(%arg12 : memref<!tpu.dma_semaphore, #tpu.memory_space<semaphore_mem>>) src(%dma_wait3A_471 : memref<10240x128xf32, #tpu.memory_space<hbm>>) dst(%arg9 : memref<128x128xf32, #tpu.memory_space<vmem>>)
      %dma_start3A_472 = arith.constant 1 : i32
      %dma_start3A_473 = arith.constant 0 : i32
      %dma_start3A_474 = tpu.memref_slice %arg8[%dma_start3A_472, %dma_start3A_473] : memref<3x128xi32, #tpu.memory_space<vmem>> -> memref<1x128xi32, #tpu.memory_space<vmem>>
      %dma_start3A_475 = tpu.memref_squeeze %dma_start3A_474 : memref<1x128xi32, #tpu.memory_space<vmem>> -> memref<128xi32, #tpu.memory_space<vmem>>
      %dma_start3A_476 = arith.constant 0 : i32
      %dma_start3A_477 = arith.constant 0 : i32
      %dma_start3A_478 = tpu.memref_slice %arg11[%dma_start3A_476, %dma_start3A_477] : memref<10240x128xf32, #tpu.memory_space<vmem_shared>> -> memref<10240x128xf32, #tpu.memory_space<vmem_shared>>
      tpu.enqueue_indirect_dma source(%arg9 : memref<128x128xf32, #tpu.memory_space<vmem>>) target(%dma_start3A_478 : memref<10240x128xf32, #tpu.memory_space<vmem_shared>>) offsets(%dma_start3A_475 : memref<128xi32, #tpu.memory_space<vmem>>) semaphore(%arg14 : memref<!tpu.dma_semaphore, #tpu.memory_space<semaphore_mem>>) {add = true}
      %dma_wait3A_479 = arith.constant 2 : i32
      %dma_wait3A_480 = arith.constant 0 : i32
      %dma_wait3A_481 = tpu.memref_slice %arg8[%dma_wait3A_479, %dma_wait3A_480] : memref<3x128xi32, #tpu.memory_space<vmem>> -> memref<1x128xi32, #tpu.memory_space<vmem>>
      %dma_wait3A_482 = tpu.memref_squeeze %dma_wait3A_481 : memref<1x128xi32, #tpu.memory_space<vmem>> -> memref<128xi32, #tpu.memory_space<vmem>>
      %dma_wait3A_483 = arith.constant 0 : i32
      %dma_wait3A_484 = arith.constant 0 : i32
      %dma_wait3A_485 = tpu.memref_slice %arg11[%dma_wait3A_483, %dma_wait3A_484] : memref<10240x128xf32, #tpu.memory_space<vmem_shared>> -> memref<10240x128xf32, #tpu.memory_space<vmem_shared>>
      tpu.wait_indirect_dma semaphore(%arg15 : memref<!tpu.dma_semaphore, #tpu.memory_space<semaphore_mem>>) src(%arg10 : memref<128x128xf32, #tpu.memory_space<vmem>>) dst(%dma_wait3A_485 : memref<10240x128xf32, #tpu.memory_space<vmem_shared>>)
      %lt3A = arith.constant 13 : i32
      %lt3A_486 = arith.cmpi slt, %scan3A_112, %lt3A : i32
      %convert_element_type3A_487 = arith.extui %lt3A_486 : i1 to i32
      %cond3A_488 = arith.constant 0 : i32
      %cond3A_489 = arith.cmpi ne, %convert_element_type3A_487, %cond3A_488 : i32
      scf.if %cond3A_489 {
        %add3A_561 = arith.constant 2 : i32
        %add3A_562 = arith.addi %add3A_464, %add3A_561 : i32
        %dma_start3A_563 = arith.constant 0 : i32
        %dma_start3A_564 = arith.constant 0 : i32
        %dma_start3A_565 = tpu.memref_slice %arg7[%dma_start3A_563, %dma_start3A_564] : memref<3x128xi32, #tpu.memory_space<vmem>> -> memref<1x128xi32, #tpu.memory_space<vmem>>
        %dma_start3A_566 = tpu.memref_squeeze %dma_start3A_565 : memref<1x128xi32, #tpu.memory_space<vmem>> -> memref<128xi32, #tpu.memory_space<vmem>>
        %dma_start3A_567 = arith.constant 0 : i32
        %dma_start3A_568 = tpu.memref_slice %arg3[%add3A, %add3A_562, %dma_start3A_567] : memref<32x84x128xi32, #tpu.memory_space<hbm>> -> memref<1x1x128xi32, #tpu.memory_space<hbm>>
        %dma_start3A_569 = tpu.memref_squeeze %dma_start3A_568 : memref<1x1x128xi32, #tpu.memory_space<hbm>> -> memref<128xi32, #tpu.memory_space<hbm>>
        %dma_start3A_570 = arith.constant 0 : i32
        %dma_start3A_571 = tpu.memref_slice %arg7[%dma_start3A_563, %dma_start3A_570] : memref<3x128xi32, #tpu.memory_space<vmem>> -> memref<1x128xi32, #tpu.memory_space<vmem>>
        %dma_start3A_572 = tpu.memref_squeeze %dma_start3A_571 : memref<1x128xi32, #tpu.memory_space<vmem>> -> memref<128xi32, #tpu.memory_space<vmem>>
        %dma_start3A_573 = arith.constant 0 : i32
        %dma_start3A_574 = tpu.memref_slice %arg3[%add3A, %add3A_562, %dma_start3A_573] : memref<32x84x128xi32, #tpu.memory_space<hbm>> -> memref<1x1x128xi32, #tpu.memory_space<hbm>>
        %dma_start3A_575 = tpu.memref_squeeze %dma_start3A_574 : memref<1x1x128xi32, #tpu.memory_space<hbm>> -> memref<128xi32, #tpu.memory_space<hbm>>
        tpu.enqueue_dma source(%dma_start3A_575 : memref<128xi32, #tpu.memory_space<hbm>>) target(%dma_start3A_572 : memref<128xi32, #tpu.memory_space<vmem>>) target_semaphore(%arg16 : memref<!tpu.dma_semaphore, #tpu.memory_space<semaphore_mem>>)
        %dma_start3A_576 = arith.constant 0 : i32
        %dma_start3A_577 = arith.constant 0 : i32
        %dma_start3A_578 = tpu.memref_slice %arg8[%dma_start3A_576, %dma_start3A_577] : memref<3x128xi32, #tpu.memory_space<vmem>> -> memref<1x128xi32, #tpu.memory_space<vmem>>
        %dma_start3A_579 = tpu.memref_squeeze %dma_start3A_578 : memref<1x128xi32, #tpu.memory_space<vmem>> -> memref<128xi32, #tpu.memory_space<vmem>>
        %dma_start3A_580 = arith.constant 0 : i32
        %dma_start3A_581 = tpu.memref_slice %arg4[%add3A, %add3A_562, %dma_start3A_580] : memref<32x84x128xi32, #tpu.memory_space<hbm>> -> memref<1x1x128xi32, #tpu.memory_space<hbm>>
        %dma_start3A_582 = tpu.memref_squeeze %dma_start3A_581 : memref<1x1x128xi32, #tpu.memory_space<hbm>> -> memref<128xi32, #tpu.memory_space<hbm>>
        %dma_start3A_583 = arith.constant 0 : i32
        %dma_start3A_584 = tpu.memref_slice %arg8[%dma_start3A_576, %dma_start3A_583] : memref<3x128xi32, #tpu.memory_space<vmem>> -> memref<1x128xi32, #tpu.memory_space<vmem>>
        %dma_start3A_585 = tpu.memref_squeeze %dma_start3A_584 : memref<1x128xi32, #tpu.memory_space<vmem>> -> memref<128xi32, #tpu.memory_space<vmem>>
        %dma_start3A_586 = arith.constant 0 : i32
        %dma_start3A_587 = tpu.memref_slice %arg4[%add3A, %add3A_562, %dma_start3A_586] : memref<32x84x128xi32, #tpu.memory_space<hbm>> -> memref<1x1x128xi32, #tpu.memory_space<hbm>>
        %dma_start3A_588 = tpu.memref_squeeze %dma_start3A_587 : memref<1x1x128xi32, #tpu.memory_space<hbm>> -> memref<128xi32, #tpu.memory_space<hbm>>
        tpu.enqueue_dma source(%dma_start3A_588 : memref<128xi32, #tpu.memory_space<hbm>>) target(%dma_start3A_585 : memref<128xi32, #tpu.memory_space<vmem>>) target_semaphore(%arg16 : memref<!tpu.dma_semaphore, #tpu.memory_space<semaphore_mem>>)
      } else {
      }
      %add3A_490 = arith.constant 1 : i32
      %add3A_491 = arith.addi %add3A_464, %add3A_490 : i32
      %dma_wait3A_492 = arith.constant 2 : i32
      %dma_wait3A_493 = arith.constant 0 : i32
      %dma_wait3A_494 = tpu.memref_slice %arg7[%dma_wait3A_492, %dma_wait3A_493] : memref<3x128xi32, #tpu.memory_space<vmem>> -> memref<1x128xi32, #tpu.memory_space<vmem>>
      %dma_wait3A_495 = tpu.memref_squeeze %dma_wait3A_494 : memref<1x128xi32, #tpu.memory_space<vmem>> -> memref<128xi32, #tpu.memory_space<vmem>>
      %dma_wait3A_496 = arith.constant 0 : i32
      %dma_wait3A_497 = tpu.memref_slice %arg3[%add3A, %add3A_491, %dma_wait3A_496] : memref<32x84x128xi32, #tpu.memory_space<hbm>> -> memref<1x1x128xi32, #tpu.memory_space<hbm>>
      %dma_wait3A_498 = tpu.memref_squeeze %dma_wait3A_497 : memref<1x1x128xi32, #tpu.memory_space<hbm>> -> memref<128xi32, #tpu.memory_space<hbm>>
      %dma_wait3A_499 = arith.constant 0 : i32
      %dma_wait3A_500 = tpu.memref_slice %arg7[%dma_wait3A_492, %dma_wait3A_499] : memref<3x128xi32, #tpu.memory_space<vmem>> -> memref<1x128xi32, #tpu.memory_space<vmem>>
      %dma_wait3A_501 = tpu.memref_squeeze %dma_wait3A_500 : memref<1x128xi32, #tpu.memory_space<vmem>> -> memref<128xi32, #tpu.memory_space<vmem>>
      %dma_wait3A_502 = arith.constant 0 : i32
      %dma_wait3A_503 = tpu.memref_slice %arg3[%add3A, %add3A_491, %dma_wait3A_502] : memref<32x84x128xi32, #tpu.memory_space<hbm>> -> memref<1x1x128xi32, #tpu.memory_space<hbm>>
      %dma_wait3A_504 = tpu.memref_squeeze %dma_wait3A_503 : memref<1x1x128xi32, #tpu.memory_space<hbm>> -> memref<128xi32, #tpu.memory_space<hbm>>
      tpu.wait_dma2 semaphore(%arg18 : memref<!tpu.dma_semaphore, #tpu.memory_space<semaphore_mem>>) src(%dma_wait3A_504 : memref<128xi32, #tpu.memory_space<hbm>>) dst(%dma_wait3A_501 : memref<128xi32, #tpu.memory_space<vmem>>)
      %dma_wait3A_505 = arith.constant 2 : i32
      %dma_wait3A_506 = arith.constant 0 : i32
      %dma_wait3A_507 = tpu.memref_slice %arg8[%dma_wait3A_505, %dma_wait3A_506] : memref<3x128xi32, #tpu.memory_space<vmem>> -> memref<1x128xi32, #tpu.memory_space<vmem>>
      %dma_wait3A_508 = tpu.memref_squeeze %dma_wait3A_507 : memref<1x128xi32, #tpu.memory_space<vmem>> -> memref<128xi32, #tpu.memory_space<vmem>>
      %dma_wait3A_509 = arith.constant 0 : i32
      %dma_wait3A_510 = tpu.memref_slice %arg4[%add3A, %add3A_491, %dma_wait3A_509] : memref<32x84x128xi32, #tpu.memory_space<hbm>> -> memref<1x1x128xi32, #tpu.memory_space<hbm>>
      %dma_wait3A_511 = tpu.memref_squeeze %dma_wait3A_510 : memref<1x1x128xi32, #tpu.memory_space<hbm>> -> memref<128xi32, #tpu.memory_space<hbm>>
      %dma_wait3A_512 = arith.constant 0 : i32
      %dma_wait3A_513 = tpu.memref_slice %arg8[%dma_wait3A_505, %dma_wait3A_512] : memref<3x128xi32, #tpu.memory_space<vmem>> -> memref<1x128xi32, #tpu.memory_space<vmem>>
      %dma_wait3A_514 = tpu.memref_squeeze %dma_wait3A_513 : memref<1x128xi32, #tpu.memory_space<vmem>> -> memref<128xi32, #tpu.memory_space<vmem>>
      %dma_wait3A_515 = arith.constant 0 : i32
      %dma_wait3A_516 = tpu.memref_slice %arg4[%add3A, %add3A_491, %dma_wait3A_515] : memref<32x84x128xi32, #tpu.memory_space<hbm>> -> memref<1x1x128xi32, #tpu.memory_space<hbm>>
      %dma_wait3A_517 = tpu.memref_squeeze %dma_wait3A_516 : memref<1x1x128xi32, #tpu.memory_space<hbm>> -> memref<128xi32, #tpu.memory_space<hbm>>
      tpu.wait_dma2 semaphore(%arg18 : memref<!tpu.dma_semaphore, #tpu.memory_space<semaphore_mem>>) src(%dma_wait3A_517 : memref<128xi32, #tpu.memory_space<hbm>>) dst(%dma_wait3A_514 : memref<128xi32, #tpu.memory_space<vmem>>)
      %dma_start3A_518 = arith.constant 2 : i32
      %dma_start3A_519 = arith.constant 0 : i32
      %dma_start3A_520 = tpu.memref_slice %arg7[%dma_start3A_518, %dma_start3A_519] : memref<3x128xi32, #tpu.memory_space<vmem>> -> memref<1x128xi32, #tpu.memory_space<vmem>>
      %dma_start3A_521 = tpu.memref_squeeze %dma_start3A_520 : memref<1x128xi32, #tpu.memory_space<vmem>> -> memref<128xi32, #tpu.memory_space<vmem>>
      %dma_start3A_522 = arith.constant 0 : i32
      %dma_start3A_523 = arith.constant 0 : i32
      %dma_start3A_524 = tpu.memref_slice %arg2[%dma_start3A_522, %dma_start3A_523] : memref<10240x128xf32, #tpu.memory_space<hbm>> -> memref<10240x128xf32, #tpu.memory_space<hbm>>
      tpu.enqueue_indirect_dma source(%dma_start3A_524 : memref<10240x128xf32, #tpu.memory_space<hbm>>) target(%arg10 : memref<128x128xf32, #tpu.memory_space<vmem>>) offsets(%dma_start3A_521 : memref<128xi32, #tpu.memory_space<vmem>>) semaphore(%arg13 : memref<!tpu.dma_semaphore, #tpu.memory_space<semaphore_mem>>)
      %mul3A_525 = arith.constant 6 : i32
      %mul3A_526 = arith.muli %scan3A_112, %mul3A_525 : i32
      %add3A_527 = arith.constant 5 : i32
      %add3A_528 = arith.addi %mul3A_526, %add3A_527 : i32
      %dma_wait3A_529 = arith.constant 2 : i32
      %dma_wait3A_530 = arith.constant 0 : i32
      %dma_wait3A_531 = tpu.memref_slice %arg7[%dma_wait3A_529, %dma_wait3A_530] : memref<3x128xi32, #tpu.memory_space<vmem>> -> memref<1x128xi32, #tpu.memory_space<vmem>>
      %dma_wait3A_532 = tpu.memref_squeeze %dma_wait3A_531 : memref<1x128xi32, #tpu.memory_space<vmem>> -> memref<128xi32, #tpu.memory_space<vmem>>
      %dma_wait3A_533 = arith.constant 0 : i32
      %dma_wait3A_534 = arith.constant 0 : i32
      %dma_wait3A_535 = tpu.memref_slice %arg2[%dma_wait3A_533, %dma_wait3A_534] : memref<10240x128xf32, #tpu.memory_space<hbm>> -> memref<10240x128xf32, #tpu.memory_space<hbm>>
      tpu.wait_indirect_dma semaphore(%arg13 : memref<!tpu.dma_semaphore, #tpu.memory_space<semaphore_mem>>) src(%dma_wait3A_535 : memref<10240x128xf32, #tpu.memory_space<hbm>>) dst(%arg10 : memref<128x128xf32, #tpu.memory_space<vmem>>)
      %dma_start3A_536 = arith.constant 2 : i32
      %dma_start3A_537 = arith.constant 0 : i32
      %dma_start3A_538 = tpu.memref_slice %arg8[%dma_start3A_536, %dma_start3A_537] : memref<3x128xi32, #tpu.memory_space<vmem>> -> memref<1x128xi32, #tpu.memory_space<vmem>>
      %dma_start3A_539 = tpu.memref_squeeze %dma_start3A_538 : memref<1x128xi32, #tpu.memory_space<vmem>> -> memref<128xi32, #tpu.memory_space<vmem>>
      %dma_start3A_540 = arith.constant 0 : i32
      %dma_start3A_541 = arith.constant 0 : i32
      %dma_start3A_542 = tpu.memref_slice %arg11[%dma_start3A_540, %dma_start3A_541] : memref<10240x128xf32, #tpu.memory_space<vmem_shared>> -> memref<10240x128xf32, #tpu.memory_space<vmem_shared>>
      tpu.enqueue_indirect_dma source(%arg10 : memref<128x128xf32, #tpu.memory_space<vmem>>) target(%dma_start3A_542 : memref<10240x128xf32, #tpu.memory_space<vmem_shared>>) offsets(%dma_start3A_539 : memref<128xi32, #tpu.memory_space<vmem>>) semaphore(%arg15 : memref<!tpu.dma_semaphore, #tpu.memory_space<semaphore_mem>>) {add = true}
      %dma_wait3A_543 = arith.constant 0 : i32
      %dma_wait3A_544 = arith.constant 0 : i32
      %dma_wait3A_545 = tpu.memref_slice %arg8[%dma_wait3A_543, %dma_wait3A_544] : memref<3x128xi32, #tpu.memory_space<vmem>> -> memref<1x128xi32, #tpu.memory_space<vmem>>
      %dma_wait3A_546 = tpu.memref_squeeze %dma_wait3A_545 : memref<1x128xi32, #tpu.memory_space<vmem>> -> memref<128xi32, #tpu.memory_space<vmem>>
      %dma_wait3A_547 = arith.constant 0 : i32
      %dma_wait3A_548 = arith.constant 0 : i32
      %dma_wait3A_549 = tpu.memref_slice %arg11[%dma_wait3A_547, %dma_wait3A_548] : memref<10240x128xf32, #tpu.memory_space<vmem_shared>> -> memref<10240x128xf32, #tpu.memory_space<vmem_shared>>
      tpu.wait_indirect_dma semaphore(%arg14 : memref<!tpu.dma_semaphore, #tpu.memory_space<semaphore_mem>>) src(%arg9 : memref<128x128xf32, #tpu.memory_space<vmem>>) dst(%dma_wait3A_549 : memref<10240x128xf32, #tpu.memory_space<vmem_shared>>)
      %lt3A_550 = arith.constant 13 : i32
      %lt3A_551 = arith.cmpi slt, %scan3A_112, %lt3A_550 : i32
      %convert_element_type3A_552 = arith.extui %lt3A_551 : i1 to i32
      %cond3A_553 = arith.constant 0 : i32
      %cond3A_554 = arith.cmpi ne, %convert_element_type3A_552, %cond3A_553 : i32
      scf.if %cond3A_554 {
        %add3A_561 = arith.constant 2 : i32
        %add3A_562 = arith.addi %add3A_528, %add3A_561 : i32
        %dma_start3A_563 = arith.constant 1 : i32
        %dma_start3A_564 = arith.constant 0 : i32
        %dma_start3A_565 = tpu.memref_slice %arg7[%dma_start3A_563, %dma_start3A_564] : memref<3x128xi32, #tpu.memory_space<vmem>> -> memref<1x128xi32, #tpu.memory_space<vmem>>
        %dma_start3A_566 = tpu.memref_squeeze %dma_start3A_565 : memref<1x128xi32, #tpu.memory_space<vmem>> -> memref<128xi32, #tpu.memory_space<vmem>>
        %dma_start3A_567 = arith.constant 0 : i32
        %dma_start3A_568 = tpu.memref_slice %arg3[%add3A, %add3A_562, %dma_start3A_567] : memref<32x84x128xi32, #tpu.memory_space<hbm>> -> memref<1x1x128xi32, #tpu.memory_space<hbm>>
        %dma_start3A_569 = tpu.memref_squeeze %dma_start3A_568 : memref<1x1x128xi32, #tpu.memory_space<hbm>> -> memref<128xi32, #tpu.memory_space<hbm>>
        %dma_start3A_570 = arith.constant 0 : i32
        %dma_start3A_571 = tpu.memref_slice %arg7[%dma_start3A_563, %dma_start3A_570] : memref<3x128xi32, #tpu.memory_space<vmem>> -> memref<1x128xi32, #tpu.memory_space<vmem>>
        %dma_start3A_572 = tpu.memref_squeeze %dma_start3A_571 : memref<1x128xi32, #tpu.memory_space<vmem>> -> memref<128xi32, #tpu.memory_space<vmem>>
        %dma_start3A_573 = arith.constant 0 : i32
        %dma_start3A_574 = tpu.memref_slice %arg3[%add3A, %add3A_562, %dma_start3A_573] : memref<32x84x128xi32, #tpu.memory_space<hbm>> -> memref<1x1x128xi32, #tpu.memory_space<hbm>>
        %dma_start3A_575 = tpu.memref_squeeze %dma_start3A_574 : memref<1x1x128xi32, #tpu.memory_space<hbm>> -> memref<128xi32, #tpu.memory_space<hbm>>
        tpu.enqueue_dma source(%dma_start3A_575 : memref<128xi32, #tpu.memory_space<hbm>>) target(%dma_start3A_572 : memref<128xi32, #tpu.memory_space<vmem>>) target_semaphore(%arg17 : memref<!tpu.dma_semaphore, #tpu.memory_space<semaphore_mem>>)
        %dma_start3A_576 = arith.constant 1 : i32
        %dma_start3A_577 = arith.constant 0 : i32
        %dma_start3A_578 = tpu.memref_slice %arg8[%dma_start3A_576, %dma_start3A_577] : memref<3x128xi32, #tpu.memory_space<vmem>> -> memref<1x128xi32, #tpu.memory_space<vmem>>
        %dma_start3A_579 = tpu.memref_squeeze %dma_start3A_578 : memref<1x128xi32, #tpu.memory_space<vmem>> -> memref<128xi32, #tpu.memory_space<vmem>>
        %dma_start3A_580 = arith.constant 0 : i32
        %dma_start3A_581 = tpu.memref_slice %arg4[%add3A, %add3A_562, %dma_start3A_580] : memref<32x84x128xi32, #tpu.memory_space<hbm>> -> memref<1x1x128xi32, #tpu.memory_space<hbm>>
        %dma_start3A_582 = tpu.memref_squeeze %dma_start3A_581 : memref<1x1x128xi32, #tpu.memory_space<hbm>> -> memref<128xi32, #tpu.memory_space<hbm>>
        %dma_start3A_583 = arith.constant 0 : i32
        %dma_start3A_584 = tpu.memref_slice %arg8[%dma_start3A_576, %dma_start3A_583] : memref<3x128xi32, #tpu.memory_space<vmem>> -> memref<1x128xi32, #tpu.memory_space<vmem>>
        %dma_start3A_585 = tpu.memref_squeeze %dma_start3A_584 : memref<1x128xi32, #tpu.memory_space<vmem>> -> memref<128xi32, #tpu.memory_space<vmem>>
        %dma_start3A_586 = arith.constant 0 : i32
        %dma_start3A_587 = tpu.memref_slice %arg4[%add3A, %add3A_562, %dma_start3A_586] : memref<32x84x128xi32, #tpu.memory_space<hbm>> -> memref<1x1x128xi32, #tpu.memory_space<hbm>>
        %dma_start3A_588 = tpu.memref_squeeze %dma_start3A_587 : memref<1x1x128xi32, #tpu.memory_space<hbm>> -> memref<128xi32, #tpu.memory_space<hbm>>
        tpu.enqueue_dma source(%dma_start3A_588 : memref<128xi32, #tpu.memory_space<hbm>>) target(%dma_start3A_585 : memref<128xi32, #tpu.memory_space<vmem>>) target_semaphore(%arg17 : memref<!tpu.dma_semaphore, #tpu.memory_space<semaphore_mem>>)
      } else {
      }
      %lt3A_555 = arith.constant 13 : i32
      %lt3A_556 = arith.cmpi slt, %scan3A_112, %lt3A_555 : i32
      %convert_element_type3A_557 = arith.extui %lt3A_556 : i1 to i32
      %cond3A_558 = arith.constant 0 : i32
      %cond3A_559 = arith.cmpi ne, %convert_element_type3A_557, %cond3A_558 : i32
      scf.if %cond3A_559 {
        %add3A_561 = arith.constant 1 : i32
        %add3A_562 = arith.addi %add3A_528, %add3A_561 : i32
        %dma_wait3A_563 = arith.constant 0 : i32
        %dma_wait3A_564 = arith.constant 0 : i32
        %dma_wait3A_565 = tpu.memref_slice %arg7[%dma_wait3A_563, %dma_wait3A_564] : memref<3x128xi32, #tpu.memory_space<vmem>> -> memref<1x128xi32, #tpu.memory_space<vmem>>
        %dma_wait3A_566 = tpu.memref_squeeze %dma_wait3A_565 : memref<1x128xi32, #tpu.memory_space<vmem>> -> memref<128xi32, #tpu.memory_space<vmem>>
        %dma_wait3A_567 = arith.constant 0 : i32
        %dma_wait3A_568 = tpu.memref_slice %arg3[%add3A, %add3A_562, %dma_wait3A_567] : memref<32x84x128xi32, #tpu.memory_space<hbm>> -> memref<1x1x128xi32, #tpu.memory_space<hbm>>
        %dma_wait3A_569 = tpu.memref_squeeze %dma_wait3A_568 : memref<1x1x128xi32, #tpu.memory_space<hbm>> -> memref<128xi32, #tpu.memory_space<hbm>>
        %dma_wait3A_570 = arith.constant 0 : i32
        %dma_wait3A_571 = tpu.memref_slice %arg7[%dma_wait3A_563, %dma_wait3A_570] : memref<3x128xi32, #tpu.memory_space<vmem>> -> memref<1x128xi32, #tpu.memory_space<vmem>>
        %dma_wait3A_572 = tpu.memref_squeeze %dma_wait3A_571 : memref<1x128xi32, #tpu.memory_space<vmem>> -> memref<128xi32, #tpu.memory_space<vmem>>
        %dma_wait3A_573 = arith.constant 0 : i32
        %dma_wait3A_574 = tpu.memref_slice %arg3[%add3A, %add3A_562, %dma_wait3A_573] : memref<32x84x128xi32, #tpu.memory_space<hbm>> -> memref<1x1x128xi32, #tpu.memory_space<hbm>>
        %dma_wait3A_575 = tpu.memref_squeeze %dma_wait3A_574 : memref<1x1x128xi32, #tpu.memory_space<hbm>> -> memref<128xi32, #tpu.memory_space<hbm>>
        tpu.wait_dma2 semaphore(%arg16 : memref<!tpu.dma_semaphore, #tpu.memory_space<semaphore_mem>>) src(%dma_wait3A_575 : memref<128xi32, #tpu.memory_space<hbm>>) dst(%dma_wait3A_572 : memref<128xi32, #tpu.memory_space<vmem>>)
        %dma_wait3A_576 = arith.constant 0 : i32
        %dma_wait3A_577 = arith.constant 0 : i32
        %dma_wait3A_578 = tpu.memref_slice %arg8[%dma_wait3A_576, %dma_wait3A_577] : memref<3x128xi32, #tpu.memory_space<vmem>> -> memref<1x128xi32, #tpu.memory_space<vmem>>
        %dma_wait3A_579 = tpu.memref_squeeze %dma_wait3A_578 : memref<1x128xi32, #tpu.memory_space<vmem>> -> memref<128xi32, #tpu.memory_space<vmem>>
        %dma_wait3A_580 = arith.constant 0 : i32
        %dma_wait3A_581 = tpu.memref_slice %arg4[%add3A, %add3A_562, %dma_wait3A_580] : memref<32x84x128xi32, #tpu.memory_space<hbm>> -> memref<1x1x128xi32, #tpu.memory_space<hbm>>
        %dma_wait3A_582 = tpu.memref_squeeze %dma_wait3A_581 : memref<1x1x128xi32, #tpu.memory_space<hbm>> -> memref<128xi32, #tpu.memory_space<hbm>>
        %dma_wait3A_583 = arith.constant 0 : i32
        %dma_wait3A_584 = tpu.memref_slice %arg8[%dma_wait3A_576, %dma_wait3A_583] : memref<3x128xi32, #tpu.memory_space<vmem>> -> memref<1x128xi32, #tpu.memory_space<vmem>>
        %dma_wait3A_585 = tpu.memref_squeeze %dma_wait3A_584 : memref<1x128xi32, #tpu.memory_space<vmem>> -> memref<128xi32, #tpu.memory_space<vmem>>
        %dma_wait3A_586 = arith.constant 0 : i32
        %dma_wait3A_587 = tpu.memref_slice %arg4[%add3A, %add3A_562, %dma_wait3A_586] : memref<32x84x128xi32, #tpu.memory_space<hbm>> -> memref<1x1x128xi32, #tpu.memory_space<hbm>>
        %dma_wait3A_588 = tpu.memref_squeeze %dma_wait3A_587 : memref<1x1x128xi32, #tpu.memory_space<hbm>> -> memref<128xi32, #tpu.memory_space<hbm>>
        tpu.wait_dma2 semaphore(%arg16 : memref<!tpu.dma_semaphore, #tpu.memory_space<semaphore_mem>>) src(%dma_wait3A_588 : memref<128xi32, #tpu.memory_space<hbm>>) dst(%dma_wait3A_585 : memref<128xi32, #tpu.memory_space<vmem>>)
        %dma_start3A_589 = arith.constant 0 : i32
        %dma_start3A_590 = arith.constant 0 : i32
        %dma_start3A_591 = tpu.memref_slice %arg7[%dma_start3A_589, %dma_start3A_590] : memref<3x128xi32, #tpu.memory_space<vmem>> -> memref<1x128xi32, #tpu.memory_space<vmem>>
        %dma_start3A_592 = tpu.memref_squeeze %dma_start3A_591 : memref<1x128xi32, #tpu.memory_space<vmem>> -> memref<128xi32, #tpu.memory_space<vmem>>
        %dma_start3A_593 = arith.constant 0 : i32
        %dma_start3A_594 = arith.constant 0 : i32
        %dma_start3A_595 = tpu.memref_slice %arg2[%dma_start3A_593, %dma_start3A_594] : memref<10240x128xf32, #tpu.memory_space<hbm>> -> memref<10240x128xf32, #tpu.memory_space<hbm>>
        tpu.enqueue_indirect_dma source(%dma_start3A_595 : memref<10240x128xf32, #tpu.memory_space<hbm>>) target(%arg9 : memref<128x128xf32, #tpu.memory_space<vmem>>) offsets(%dma_start3A_592 : memref<128xi32, #tpu.memory_space<vmem>>) semaphore(%arg12 : memref<!tpu.dma_semaphore, #tpu.memory_space<semaphore_mem>>)
      } else {
      }
      %scan3A_560 = arith.constant 0 : i32
      scf.yield %scan3A_560 : i32
    }
    %scan3A_99 = arith.constant 14 : i32
    %dma_wait3A_100 = arith.constant 2 : i32
    %dma_wait3A_101 = arith.constant 0 : i32
    %dma_wait3A_102 = tpu.memref_slice %arg8[%dma_wait3A_100, %dma_wait3A_101] : memref<3x128xi32, #tpu.memory_space<vmem>> -> memref<1x128xi32, #tpu.memory_space<vmem>>
    %dma_wait3A_103 = tpu.memref_squeeze %dma_wait3A_102 : memref<1x128xi32, #tpu.memory_space<vmem>> -> memref<128xi32, #tpu.memory_space<vmem>>
    %dma_wait3A_104 = arith.constant 0 : i32
    %dma_wait3A_105 = arith.constant 0 : i32
    %dma_wait3A_106 = tpu.memref_slice %arg11[%dma_wait3A_104, %dma_wait3A_105] : memref<10240x128xf32, #tpu.memory_space<vmem_shared>> -> memref<10240x128xf32, #tpu.memory_space<vmem_shared>>
    tpu.wait_indirect_dma semaphore(%arg15 : memref<!tpu.dma_semaphore, #tpu.memory_space<semaphore_mem>>) src(%arg10 : memref<128x128xf32, #tpu.memory_space<vmem>>) dst(%dma_wait3A_106 : memref<10240x128xf32, #tpu.memory_space<vmem_shared>>)
    %barrier3A_107 = arith.constant 0 : index
    tpu.barrier barrier_id(%barrier3A_107)
    %mul3A_108 = arith.constant 640 : i32
    %mul3A_109 = arith.muli %arg1, %mul3A_108 : i32
    %mul3A_110 = arith.constant 640 : i32
    %mul3A_111 = arith.muli %arg1, %mul3A_110 : i32
    "tpu.region"() ({
      %run_scoped3A = tpu.sem_alloc : memref<!tpu.dma_semaphore, #tpu.memory_space<semaphore_mem>>
      %dma_start3A_112 = arith.constant 0 : i32
      %dma_start3A_113 = tpu.memref_slice %arg6[%arg0, %mul3A_111, %dma_start3A_112] : memref<2x10240x128xf32, #tpu.memory_space<hbm>> -> memref<1x640x128xf32, #tpu.memory_space<hbm>>
      %dma_start3A_114 = tpu.memref_squeeze %dma_start3A_113 : memref<1x640x128xf32, #tpu.memory_space<hbm>> -> memref<640x128xf32, #tpu.memory_space<hbm>>
      %dma_start3A_115 = arith.constant 0 : i32
      %dma_start3A_116 = tpu.memref_slice %arg11[%mul3A_109, %dma_start3A_115] : memref<10240x128xf32, #tpu.memory_space<vmem_shared>> -> memref<640x128xf32, #tpu.memory_space<vmem_shared>>
      tpu.enqueue_dma source(%dma_start3A_116 : memref<640x128xf32, #tpu.memory_space<vmem_shared>>) target(%dma_start3A_114 : memref<640x128xf32, #tpu.memory_space<hbm>>) target_semaphore(%run_scoped3A : memref<!tpu.dma_semaphore, #tpu.memory_space<semaphore_mem>>)
      %dma_wait3A_117 = arith.constant 0 : i32
      %dma_wait3A_118 = tpu.memref_slice %arg6[%arg0, %mul3A_111, %dma_wait3A_117] : memref<2x10240x128xf32, #tpu.memory_space<hbm>> -> memref<1x640x128xf32, #tpu.memory_space<hbm>>
      %dma_wait3A_119 = tpu.memref_squeeze %dma_wait3A_118 : memref<1x640x128xf32, #tpu.memory_space<hbm>> -> memref<640x128xf32, #tpu.memory_space<hbm>>
      %dma_wait3A_120 = arith.constant 0 : i32
      %dma_wait3A_121 = tpu.memref_slice %arg11[%mul3A_109, %dma_wait3A_120] : memref<10240x128xf32, #tpu.memory_space<vmem_shared>> -> memref<640x128xf32, #tpu.memory_space<vmem_shared>>
      tpu.wait_dma2 semaphore(%run_scoped3A : memref<!tpu.dma_semaphore, #tpu.memory_space<semaphore_mem>>) src(%dma_wait3A_121 : memref<640x128xf32, #tpu.memory_space<vmem_shared>>) dst(%dma_wait3A_119 : memref<640x128xf32, #tpu.memory_space<hbm>>)
      tpu.yield
    }) : () -> ()
    return
  }
}

module attributes {stable_mosaic.version = 14 : i64} {
  func.func @_scale_body(%arg0: memref<2x10240xf32, #tpu.memory_space<vmem>>, %arg1: memref<10240x128xf32, #tpu.memory_space<vmem>>, %arg2: memref<10240x1xf32, #tpu.memory_space<vmem>>, %arg3: memref<10240x128xf32, #tpu.memory_space<vmem>>) attributes {dimension_semantics = [], scalar_prefetch = 0 : i64, scratch_operands = 0 : i64, tpu.core_type = #tpu.core_type<tc>} {
    %get3A = arith.constant 0 : index
    %get3A_0 = arith.constant 0 : index
    %get3A_1 = vector.load %arg0[%get3A, %get3A_0] : memref<2x10240xf32, #tpu.memory_space<vmem>>, vector<1x10240xf32>
    %get3A_2 = vector.shape_cast %get3A_1 : vector<1x10240xf32> to vector<10240xf32>
    %get3A_3 = arith.constant 1 : index
    %get3A_4 = arith.constant 0 : index
    %get3A_5 = vector.load %arg0[%get3A_3, %get3A_4] : memref<2x10240xf32, #tpu.memory_space<vmem>>, vector<1x10240xf32>
    %get3A_6 = vector.shape_cast %get3A_5 : vector<1x10240xf32> to vector<10240xf32>
    %add3A = arith.addf %get3A_2, %get3A_6 : vector<10240xf32>
    %gt3A = arith.constant 0.000000e+00 : f32
    %gt3A_7 = vector.broadcast %gt3A : f32 to vector<10240xf32>
    %gt3A_8 = arith.cmpf ogt, %add3A, %gt3A_7 : vector<10240xf32>
    %rsqrt3A = math.rsqrt %add3A : vector<10240xf32>
    %jit3A = arith.constant 0.000000e+00 : f32
    %broadcast_in_dim3A = vector.broadcast %jit3A : f32 to vector<10240xf32>
    %select_n3A = arith.select %gt3A_8, %rsqrt3A, %broadcast_in_dim3A : vector<10240xi1>, vector<10240xf32>
    %broadcast_in_dim3A_9 = vector.shape_cast %select_n3A : vector<10240xf32> to vector<10240x1xf32>
    %swap3A = arith.constant 0 : index
    %swap3A_10 = arith.constant 0 : index
    %swap3A_11 = vector.load %arg2[%swap3A, %swap3A_10] : memref<10240x1xf32, #tpu.memory_space<vmem>>, vector<10240x1xf32>
    tpu.vector_store %arg2[%swap3A, %swap3A_10], %broadcast_in_dim3A_9 {strides = array<i32>} : memref<10240x1xf32, #tpu.memory_space<vmem>>, vector<10240x1xf32>,
    %get3A_12 = arith.constant 0 : index
    %get3A_13 = arith.constant 0 : index
    %get3A_14 = vector.load %arg1[%get3A_12, %get3A_13] : memref<10240x128xf32, #tpu.memory_space<vmem>>, vector<10240x128xf32>
    %broadcast_in_dim3A_15 = vector.shape_cast %select_n3A : vector<10240xf32> to vector<10240x1xf32>
    %mul3A = vector.broadcast %broadcast_in_dim3A_15 : vector<10240x1xf32> to vector<10240x128xf32>
    %mul3A_16 = arith.mulf %get3A_14, %mul3A : vector<10240x128xf32>
    %swap3A_17 = arith.constant 0 : index
    %swap3A_18 = arith.constant 0 : index
    %swap3A_19 = vector.load %arg3[%swap3A_17, %swap3A_18] : memref<10240x128xf32, #tpu.memory_space<vmem>>, vector<10240x128xf32>
    tpu.vector_store %arg3[%swap3A_17, %swap3A_18], %mul3A_16 {strides = array<i32>} : memref<10240x128xf32, #tpu.memory_space<vmem>>, vector<10240x128xf32>,
    return
  }
}

module attributes {stable_mosaic.version = 14 : i64} {
  func.func @_mm_body(%arg0: i32, %arg1: memref<2x1024x128xf32, #tpu.memory_space<vmem>>, %arg2: memref<1024x1xf32, #tpu.memory_space<vmem>>, %arg3: memref<128x256xf32, #tpu.memory_space<vmem>>, %arg4: memref<1x256xf32, #tpu.memory_space<vmem>>, %arg5: memref<256x128xf32, #tpu.memory_space<vmem>>, %arg6: memref<1024x128xf32, #tpu.memory_space<vmem>>) attributes {dimension_semantics = [#tpu.dimension_semantics<arbitrary>], iteration_bounds = array<i64: 10>, scalar_prefetch = 0 : i64, scratch_operands = 0 : i64, tpu.core_type = #tpu.core_type<tc>, window_params = [{transform_indices = @transform_0, window_bounds = array<i64: 2, 1024, 128>}, {transform_indices = @transform_1, window_bounds = array<i64: 1024, 1>}, {pipeline_mode = #tpu.pipeline_mode<synchronous>, transform_indices = @transform_2, window_bounds = array<i64: 128, 256>}, {pipeline_mode = #tpu.pipeline_mode<synchronous>, transform_indices = @transform_3, window_bounds = array<i64: 1, 256>}, {pipeline_mode = #tpu.pipeline_mode<synchronous>, transform_indices = @transform_4, window_bounds = array<i64: 256, 128>}, {transform_indices = @transform_5, window_bounds = array<i64: 1024, 128>}]} {
    %get3A = arith.constant 0 : index
    %get3A_0 = arith.constant 0 : index
    %get3A_1 = vector.load %arg2[%get3A, %get3A_0] : memref<1024x1xf32, #tpu.memory_space<vmem>>, vector<1024x1xf32>
    %get3A_2 = arith.constant 0 : index
    %get3A_3 = arith.constant 0 : index
    %get3A_4 = arith.constant 0 : index
    %get3A_5 = vector.load %arg1[%get3A_2, %get3A_3, %get3A_4] : memref<2x1024x128xf32, #tpu.memory_space<vmem>>, vector<1x1024x128xf32>
    %get3A_6 = vector.shape_cast %get3A_5 : vector<1x1024x128xf32> to vector<1024x128xf32>
    %get3A_7 = arith.constant 1 : index
    %get3A_8 = arith.constant 0 : index
    %get3A_9 = arith.constant 0 : index
    %get3A_10 = vector.load %arg1[%get3A_7, %get3A_8, %get3A_9] : memref<2x1024x128xf32, #tpu.memory_space<vmem>>, vector<1x1024x128xf32>
    %get3A_11 = vector.shape_cast %get3A_10 : vector<1x1024x128xf32> to vector<1024x128xf32>
    %add3A = arith.addf %get3A_6, %get3A_11 : vector<1024x128xf32>
    %mul3A = vector.broadcast %get3A_1 : vector<1024x1xf32> to vector<1024x128xf32>
    %mul3A_12 = arith.mulf %mul3A, %add3A : vector<1024x128xf32>
    %get3A_13 = arith.constant 0 : index
    %get3A_14 = arith.constant 0 : index
    %get3A_15 = vector.load %arg3[%get3A_13, %get3A_14] : memref<128x256xf32, #tpu.memory_space<vmem>>, vector<128x256xf32>
    %dot_general3A = arith.constant dense<0.000000e+00> : vector<1024x256xf32>
    %dot_general3A_16 = tpu.matmul %mul3A_12, %get3A_15, %dot_general3A {dimension_numbers = #tpu.dot_dimension_numbers<[1], [0], [0], [1], [0, 0, 1, 1], [], []>, precision = #tpu.contract_precision<fp32>, transpose_lhs_hint = false} : vector<1024x128xf32>, vector<128x256xf32>, vector<1024x256xf32> -> vector<1024x256xf32>
    %get3A_17 = arith.constant 0 : index
    %get3A_18 = arith.constant 0 : index
    %get3A_19 = vector.load %arg4[%get3A_17, %get3A_18] : memref<1x256xf32, #tpu.memory_space<vmem>>, vector<1x256xf32>
    %add3A_20 = vector.broadcast %get3A_19 : vector<1x256xf32> to vector<1024x256xf32>
    %add3A_21 = arith.addf %dot_general3A_16, %add3A_20 : vector<1024x256xf32>
    %max3A = arith.constant 0.000000e+00 : f32
    %max3A_22 = vector.broadcast %max3A : f32 to vector<1024x256xf32>
    %max3A_23 = arith.maximumf %add3A_21, %max3A_22 : vector<1024x256xf32>
    %get3A_24 = arith.constant 0 : index
    %get3A_25 = arith.constant 0 : index
    %get3A_26 = vector.load %arg5[%get3A_24, %get3A_25] : memref<256x128xf32, #tpu.memory_space<vmem>>, vector<256x128xf32>
    %dot_general3A_27 = arith.constant dense<0.000000e+00> : vector<1024x128xf32>
    %dot_general3A_28 = tpu.matmul %max3A_23, %get3A_26, %dot_general3A_27 {dimension_numbers = #tpu.dot_dimension_numbers<[1], [0], [0], [1], [0, 0, 1, 1], [], []>, precision = #tpu.contract_precision<fp32>, transpose_lhs_hint = false} : vector<1024x256xf32>, vector<256x128xf32>, vector<1024x128xf32> -> vector<1024x128xf32>
    %mul3A_29 = vector.broadcast %get3A_1 : vector<1024x1xf32> to vector<1024x128xf32>
    %mul3A_30 = arith.mulf %mul3A_29, %dot_general3A_28 : vector<1024x128xf32>
    %swap3A = arith.constant 0 : index
    %swap3A_31 = arith.constant 0 : index
    %swap3A_32 = vector.load %arg6[%swap3A, %swap3A_31] : memref<1024x128xf32, #tpu.memory_space<vmem>>, vector<1024x128xf32>
    tpu.vector_store %arg6[%swap3A, %swap3A_31], %mul3A_30 {strides = array<i32>} : memref<1024x128xf32, #tpu.memory_space<vmem>>, vector<1024x128xf32>,
    return
  }
  func.func @transform_0(%arg0: i32) -> (i32, i32, i32) {
    %c0_i32 = arith.constant 0 : i32
    %c0_i32_0 = arith.constant 0 : i32
    %c0_i32_1 = arith.constant 0 : i32
    return %c0_i32, %arg0, %c0_i32_0 : i32, i32, i32
  }
  func.func @transform_1(%arg0: i32) -> (i32, i32) {
    %c0_i32 = arith.constant 0 : i32
    %c0_i32_0 = arith.constant 0 : i32
    return %arg0, %c0_i32 : i32, i32
  }
  func.func @transform_2(%arg0: i32) -> (i32, i32) {
    %c0_i32 = arith.constant 0 : i32
    %c0_i32_0 = arith.constant 0 : i32
    %c0_i32_1 = arith.constant 0 : i32
    return %c0_i32, %c0_i32_0 : i32, i32
  }
  func.func @transform_3(%arg0: i32) -> (i32, i32) {
    %c0_i32 = arith.constant 0 : i32
    %c0_i32_0 = arith.constant 0 : i32
    %c0_i32_1 = arith.constant 0 : i32
    return %c0_i32, %c0_i32_0 : i32, i32
  }
  func.func @transform_4(%arg0: i32) -> (i32, i32) {
    %c0_i32 = arith.constant 0 : i32
    %c0_i32_0 = arith.constant 0 : i32
    %c0_i32_1 = arith.constant 0 : i32
    return %c0_i32, %c0_i32_0 : i32, i32
  }
  func.func @transform_5(%arg0: i32) -> (i32, i32) {
    %c0_i32 = arith.constant 0 : i32
    %c0_i32_0 = arith.constant 0 : i32
    return %arg0, %c0_i32 : i32, i32
  }
}

module attributes {stable_mosaic.version = 14 : i64} {
  func.func @_smax_body(%arg0: i32, %arg1: memref<2x1000x128xf32, #tpu.memory_space<vmem>>, %arg2: memref<1000x1xf32, #tpu.memory_space<vmem>>, %arg3: memref<1x40xf32, #tpu.memory_space<vmem>>, %arg4: memref<1000x40xf32, #tpu.memory_space<vmem>>) attributes {dimension_semantics = [#tpu.dimension_semantics<arbitrary>], iteration_bounds = array<i64: 10>, scalar_prefetch = 0 : i64, scratch_operands = 0 : i64, tpu.core_type = #tpu.core_type<tc>, window_params = [{transform_indices = @transform_0, window_bounds = array<i64: 2, 1000, 128>}, {transform_indices = @transform_1, window_bounds = array<i64: 1000, 1>}, {pipeline_mode = #tpu.pipeline_mode<synchronous>, transform_indices = @transform_2, window_bounds = array<i64: 1, 40>}, {transform_indices = @transform_3, window_bounds = array<i64: 1000, 40>}]} {
    %get3A = arith.constant 0 : index
    %get3A_0 = arith.constant 0 : index
    %get3A_1 = vector.load %arg2[%get3A, %get3A_0] : memref<1000x1xf32, #tpu.memory_space<vmem>>, vector<1000x1xf32>
    %get3A_2 = arith.constant 0 : index
    %get3A_3 = arith.constant 0 : index
    %get3A_4 = arith.constant 0 : index
    %get3A_5 = vector.load %arg1[%get3A_2, %get3A_3, %get3A_4] : memref<2x1000x128xf32, #tpu.memory_space<vmem>>, vector<1x1000x40xf32>
    %get3A_6 = vector.shape_cast %get3A_5 : vector<1x1000x40xf32> to vector<1000x40xf32>
    %get3A_7 = arith.constant 1 : index
    %get3A_8 = arith.constant 0 : index
    %get3A_9 = arith.constant 0 : index
    %get3A_10 = vector.load %arg1[%get3A_7, %get3A_8, %get3A_9] : memref<2x1000x128xf32, #tpu.memory_space<vmem>>, vector<1x1000x40xf32>
    %get3A_11 = vector.shape_cast %get3A_10 : vector<1x1000x40xf32> to vector<1000x40xf32>
    %add3A = arith.addf %get3A_6, %get3A_11 : vector<1000x40xf32>
    %mul3A = vector.broadcast %get3A_1 : vector<1000x1xf32> to vector<1000x40xf32>
    %mul3A_12 = arith.mulf %mul3A, %add3A : vector<1000x40xf32>
    %get3A_13 = arith.constant 0 : index
    %get3A_14 = arith.constant 0 : index
    %get3A_15 = vector.load %arg3[%get3A_13, %get3A_14] : memref<1x40xf32, #tpu.memory_space<vmem>>, vector<1x40xf32>
    %add3A_16 = vector.broadcast %get3A_15 : vector<1x40xf32> to vector<1000x40xf32>
    %add3A_17 = arith.addf %mul3A_12, %add3A_16 : vector<1000x40xf32>
    %reduce_max3A = arith.constant dense<0xFF800000> : vector<1000xf32>
    %reduce_max3A_18 = vector.multi_reduction <maximumf>, %add3A_17, %reduce_max3A [1] : vector<1000x40xf32> to vector<1000xf32>
    %broadcast_in_dim3A = vector.shape_cast %reduce_max3A_18 : vector<1000xf32> to vector<1000x1xf32>
    %sub3A = vector.broadcast %broadcast_in_dim3A : vector<1000x1xf32> to vector<1000x40xf32>
    %sub3A_19 = arith.subf %add3A_17, %sub3A : vector<1000x40xf32>
    %exp3A = math.exp %sub3A_19 : vector<1000x40xf32>
    %reduce_sum3A = arith.constant dense<0.000000e+00> : vector<1000xf32>
    %reduce_sum3A_20 = vector.multi_reduction <add>, %exp3A, %reduce_sum3A [1] : vector<1000x40xf32> to vector<1000xf32>
    %broadcast_in_dim3A_21 = vector.shape_cast %reduce_sum3A_20 : vector<1000xf32> to vector<1000x1xf32>
    %log3A = math.log %broadcast_in_dim3A_21 : vector<1000x1xf32>
    %add3A_22 = arith.addf %broadcast_in_dim3A, %log3A : vector<1000x1xf32>
    %sub3A_23 = vector.broadcast %add3A_22 : vector<1000x1xf32> to vector<1000x40xf32>
    %sub3A_24 = arith.subf %add3A_17, %sub3A_23 : vector<1000x40xf32>
    %swap3A = arith.constant 0 : index
    %swap3A_25 = arith.constant 0 : index
    %swap3A_26 = vector.load %arg4[%swap3A, %swap3A_25] : memref<1000x40xf32, #tpu.memory_space<vmem>>, vector<1000x40xf32>
    tpu.vector_store %arg4[%swap3A, %swap3A_25], %sub3A_24 {strides = array<i32>} : memref<1000x40xf32, #tpu.memory_space<vmem>>, vector<1000x40xf32>,
    return
  }
  func.func @transform_0(%arg0: i32) -> (i32, i32, i32) {
    %c0_i32 = arith.constant 0 : i32
    %c0_i32_0 = arith.constant 0 : i32
    %c0_i32_1 = arith.constant 0 : i32
    return %c0_i32, %arg0, %c0_i32_0 : i32, i32, i32
  }
  func.func @transform_1(%arg0: i32) -> (i32, i32) {
    %c0_i32 = arith.constant 0 : i32
    %c0_i32_0 = arith.constant 0 : i32
    return %arg0, %c0_i32 : i32, i32
  }
  func.func @transform_2(%arg0: i32) -> (i32, i32) {
    %c0_i32 = arith.constant 0 : i32
    %c0_i32_0 = arith.constant 0 : i32
    %c0_i32_1 = arith.constant 0 : i32
    return %c0_i32, %c0_i32_0 : i32, i32
  }
  func.func @transform_3(%arg0: i32) -> (i32, i32) {
    %c0_i32 = arith.constant 0 : i32
    %c0_i32_0 = arith.constant 0 : i32
    return %arg0, %c0_i32 : i32, i32
  }
}

</mosaic_0001>

<sc_bundles>
// kernel: kernel.11.cloned.1.call-start
scs
__scs_entry_jumppad:
0x0: {  	(pc) =	sbr.rel $0x88, $3  }
0x1: {  	(tag) =	ssettag $0x0;
	lr =	simm.s32 $0x1  }
0x2: {  	[smem:$0x3F9B] =	sst lr;
	_ =	strace $0xD0000000  }
0x3: {  	_ = 	snop  }
0x4: {  	_ = 	snop  }
0x5: {  	_ = 	snop  }
0x6: {  	_ = 	snop  }
0x7: {  	_ = 	snop  }
__scs_overlays_trampoline_lowered:
0x8: {  	[smem:$0x3FAA] =	sst s0  }
0x9: {  	[smem:$0x3FAB] =	sst s1  }
0xa: {  	[smem:$0x3FAC] =	sst s2  }
0xb: {  	[smem:$0x3FAD] =	sst s3  }
0xc: {  	[smem:$0x3FAE] =	sst s4  }
0xd: {  	[smem:$0x3FAF] =	sst s5  }
0xe: {  	[smem:$0x3FB0] =	sst s6  }
0xf: {  	[smem:$0x3FB1] =	sst s7  }
0x10: {  	[smem:$0x3FB2] =	sst s8  }
0x11: {  	[smem:$0x3FB3] =	sst s9;
	s0 =	simm.s32 @!p0 $0x0  }
0x12: {  	s1 =	sld [smem:$0x3F99];
	s0 =	simm.s32 @p0 $0x1  }
0x13: {  	[smem:$0x3FB4] =	sst s0;
	s0 =	simm.s32 @!p1 $0x0  }
0x14: {  	s2 =	sld [smem:$0x3F98];
	s0 =	simm.s32 @p1 $0x1  }
0x15: {  	[smem:$0x3FB5] =	sst s0;
	s0 =	simm.s32 @!p2 $0x0  }
0x16: {  	s3 =	sld [smem:$0x3FDB];
	s0 =	simm.s32 @p2 $0x1  }
0x17: {  	s4 =	simm.s32 $0x1BF5;
	[smem:$0x3FB7] =	sst s0  }
0x18: {  	s0 =	sld [smem:$0x3F9A];
	_ =	swait.ge [sflag:s4], $0x0  }
0x19: {  	s7 =	sld [smem:$0x3F9B]  }
0x1a: {  	s8 =	sadd.s32 $0xFFFFE003, lr  }
0x1b: {  	s9 =	sadd.s32 $0xFFFFFEF7, lr;
	s5 =	simm.s32 $0xFFFFFFFF;
	p2 =	slt.u32 s8, $0xFFFFF086  }
0x1c: {  	p1 =	slt.u32 s9, $0xF7A;
	s5 =	simm.s32 @!p2 $0x0  }
0x1d: {  	s5 =	simm.s32 @p1 $0x1;
	p0 =	seq.s32 s7, s2  }
0x1e: {  	s7 =	smul.u32 @!p0 $0xF7A, s2;
	p2 =	seq.s32 @!p0 s5, $0x0  }
0x1f: {  	s9 =	smul.u32 $0xF7A, s1;
	s8 =	simm.s32 @!p0 $0x1BF5;
	p2 =	por !p2, p0  }
0x20: {  	[sflag:s8] =	ssyncset.s32 @!p0 $0xFFFFF086;
	s6 =	sadd.s32 @!p0 s3, s7;
	s7 =	simm.s32 @!p0 $0x108  }
0x21: {  	s3 =	sadd.s32 s3, s9;
	s6 =	sadd.s32 @!p0 $0x88, s6;
	s7 =	simm.s32 @p2 $0x1082  }
0x22: {  	[simem:s7], [sflag:s8] =	dma.local @!p0 [hbm:s6], $0xF7A  }
0x23: {  	s9 =	sor.u32 $0xD0000000, s2;
	s6 =	simm.s32 $0x108;
	_ =	swait.ge @!p0 [sflag:s8], $0x0  }
0x24: {  	s3 =	sadd.s32 $0x88, s3;
	s6 =	simm.s32 @!p1 $0x1082;
	[sflag:s4] =	ssyncset.s32 $0xFFFFF086  }
0x25: {  	[simem:s6], [sflag:s4] =	dma.local [hbm:s3], $0xF7A  }
0x26: {  	[smem:$0x3F9B] =	sst s1;
	(tag) =	ssettag s2;
	_ =	strace s9  }
0x27: {  	s1 =	sld [smem:$0x3FAB]  }
0x28: {  	s2 =	sld [smem:$0x3FAC]  }
0x29: {  	s4 =	sld [smem:$0x3FAE]  }
0x2a: {  	p0 =	seq.s32 s5, $0x0;
	s5 =	sld [smem:$0x3FAF]  }
0x2b: {  	s6 =	sld [smem:$0x3FB0]  }
0x2c: {  	s7 =	sld [smem:$0x3FB1]  }
0x2d: {  	s3 =	simm.s32 $0x108;
	s8 =	sld [smem:$0x3FB2]  }
0x2e: {  	s3 =	simm.s32 @!p0 $0x1082;
	s9 =	sld [smem:$0x3FB3]  }
0x2f: {  	lr =	sadd.s32 s0, s3;
	s0 =	sld [smem:$0x3FAA]  }
0x30: {  	s3 =	sld [smem:$0x3FAD]  }
0x31: {  	[smem:$0x3FB6] =	sst s10  }
0x32: {  	s10 =	sld [smem:$0x3FB4];
	_ =	sdelay $0x3  }
0x33: {  	p0 =	seq.s32 s10, $0x1;
	s10 =	sld [smem:$0x3FB6];
	_ =	sdelay $0x3  }
0x34: {  	[smem:$0x3FB6] =	sst s10  }
0x35: {  	s10 =	sld [smem:$0x3FB5];
	_ =	sdelay $0x3  }
0x36: {  	p1 =	seq.s32 s10, $0x1;
	s10 =	sld [smem:$0x3FB6];
	_ =	sdelay $0x3  }
0x37: {  	[smem:$0x3FB6] =	sst s10  }
0x38: {  	s10 =	sld [smem:$0x3FB7]  }
0x39: {  	_ = 	snop;
	(pc) =	sbr.ind lr, $3  }
0x3a: {  	_ = 	snop  }
0x3b: {  	_ = 	snop  }
0x3c: {  	p2 =	seq.s32 s10, $0x1;
	s10 =	sld [smem:$0x3FB6]  }
0x3d: {  	_ =	shalt  }
0x3e: {  	_ =	shalt  }
0x3f: {  	_ =	shalt  }
0x40: {  	_ =	shalt  }
0x41: {  	_ =	shalt  }
0x42: {  	_ =	shalt  }
0x43: {  	_ =	shalt  }
0x44: {  	_ =	shalt  }
0x45: {  	_ =	shalt  }
0x46: {  	_ =	shalt  }
0x47: {  	_ =	shalt  }
0x48: {  	_ =	shalt  }
0x49: {  	_ =	shalt  }
0x4a: {  	_ =	shalt  }
0x4b: {  	_ =	shalt  }
0x4c: {  	_ =	shalt  }
0x4d: {  	_ =	shalt  }
0x4e: {  	_ =	shalt  }
0x4f: {  	_ =	shalt  }
0x50: {  	_ =	shalt  }
0x51: {  	_ =	shalt  }
0x52: {  	_ =	shalt  }
0x53: {  	_ =	shalt  }
0x54: {  	_ =	shalt  }
0x55: {  	_ =	shalt  }
0x56: {  	_ =	shalt  }
0x57: {  	_ =	shalt  }
0x58: {  	_ =	shalt  }
0x59: {  	_ =	shalt  }
0x5a: {  	_ =	shalt  }
0x5b: {  	_ =	shalt  }
0x5c: {  	_ =	shalt  }
0x5d: {  	_ =	shalt  }
0x5e: {  	_ =	shalt  }
0x5f: {  	_ =	shalt  }
0x60: {  	_ =	shalt  }
0x61: {  	_ =	shalt  }
0x62: {  	_ =	shalt  }
0x63: {  	_ =	shalt  }
0x64: {  	_ =	shalt  }
0x65: {  	_ =	shalt  }
0x66: {  	_ =	shalt  }
0x67: {  	_ =	shalt  }
0x68: {  	_ =	shalt  }
0x69: {  	_ =	shalt  }
0x6a: {  	_ =	shalt  }
0x6b: {  	_ =	shalt  }
0x6c: {  	_ =	shalt  }
0x6d: {  	_ =	shalt  }
0x6e: {  	_ =	shalt  }
0x6f: {  	_ =	shalt  }
0x70: {  	_ =	shalt  }
0x71: {  	_ =	shalt  }
0x72: {  	_ =	shalt  }
0x73: {  	_ =	shalt  }
0x74: {  	_ =	shalt  }
0x75: {  	_ =	shalt  }
0x76: {  	_ =	shalt  }
0x77: {  	_ =	shalt  }
0x78: {  	_ =	shalt  }
0x79: {  	_ =	shalt  }
0x7a: {  	_ =	shalt  }
0x7b: {  	_ =	shalt  }
0x7c: {  	_ =	shalt  }
0x7d: {  	_ =	shalt  }
0x7e: {  	_ =	shalt  }
0x7f: {  	_ =	shalt  }
0x80: {  	_ =	shalt  }
0x81: {  	_ =	shalt  }
0x82: {  	_ =	shalt  }
0x83: {  	_ =	shalt  }
0x84: {  	_ =	shalt  }
0x85: {  	_ =	shalt  }
0x86: {  	_ =	shalt  }
0x87: {  	_ =	shalt  }
.Lfunc_end0:
.L_simem_size_0:
called_computation.1_lowered:
.L_overlay_start_0:
0x88: {  	s2 =	sld [smem:$0x3FD9]  }
0x89: {  	s3 =	sld [smem:$0x3FFE];
	_ =	sdelay $0x1  }
0x8a: {  	s1 =	srdreg.scid  }
0x8b: {  	s0 =	sand.u32 $0x1, s1  }
0x8c: {  	s17 =	sshll.u32 s0, $0xA;
	s2 =	sadd.s32 s3, s2  }
0x8d: {  	s2 =	sadd.s32 s2, s17  }
0x8e: {  	[smem:$0x3FC2] =	sst s2  }
0x8f: {  	_ = 	snop  }
0x90: {  	s2 =	sld [smem:$0x3FD0];
	(tm) =	ssettm $0x1  }
0x91: {  	s18 =	sld [smem:$0x3FFB];
	_ =	sdelay $0x3  }
0x92: {  	_ =	strace s18  }
0x93: {  	s3 =	sld [smem:$0x3FFC];
	_ =	sdelay $0x3  }
0x94: {  	_ =	strace s3  }
0x95: {  	s3 =	sld [smem:$0x3FFD];
	_ =	sdelay $0x3  }
0x96: {  	_ =	strace s3  }
0x97: {  	_ =	strace $0x8FFFFFFF  }
0x98: {  	s19 =	sld [smem:$0x3FDB];
	_ =	sdelay $0x1  }
0x99: {  	s4 =	simm.s32 $_scs_section_size  }
0x9a: {  	s5 =	simm.s32 $_size__tile_overlayer_lowered;
	s6 =	simm.s32 $_tile_overlayer_lowered  }
0x9b: {  	s22 =	simm.s32 $0x1BFF;
	s21 =	sshll.u32 s6, $0x1;
	s3 =	sadd.s32 s4, s19  }
0x9c: {  	s7 =	simm.s32 $0x0;
	s20 =	sshll.u32 s5, $0x1;
	s5 =	sadd.s32 s21, s3  }
0x9d: {  	[timem:s7], [sflag:s22] =	dma.local [hbm:s5], s20  }
0x9e: {  	_ =	swait.ge [sflag:s22], s20  }
0x9f: {  	s4 =	ssub.s32 $0x0, s20;
	[sflag:s22] =	ssyncset.done $0x0  }
0xa0: {  	[sflag:s22] =	ssyncadd.s32 s4;
	_ =	sdelay $0x1  }
0xa1: {  	s23 =	simm.s32 $0x1B8B  }
0xa2: {  	_ =	swait.ge [sflag:s23], $0x1  }
0xa3: {  	[sflag:s23] =	ssyncset.done $0x0  }
0xa4: {  	s25 =	simm.s32 $0x1B8E;
	s24 =	sld [smem:$0x3FFE];
	[sflag:s23] =	ssyncadd.s32 $0xFFFFFFFF  }
0xa5: {  	s26 =	simm.s32 $execute0_lowered;
	[smem:$0x3FD2] =	sst s25  }
0xa6: {  	s5 =	sshll.u32 s26, $0x1;
	_ =	strace $0x80000049;
	[dreg:$0x1] =	wrdreg $0xFFFFFFFF  }
0xa7: {  	s28 =	simm.s32 $_size_execute0_lowered;
	s3 =	sadd.s32 s3, s5;
	[dreg:$0x0] =	wrdreg $0x0  }
0xa8: {  	s5 =	sshll.u32 s28, $0x1;
	[dreg:$0x2] =	wrdreg s3  }
0xa9: {  	[dreg:$0x3] =	wrdreg s5  }
0xaa: {  	[dreg:$0x4] =	wrdreg $0xC0  }
0xab: {  	_ =	task [dreg:s7], $0x5FFFF  }
0xac: {  	[dreg:$0x1] =	wrdreg $0xFFFFFFFF  }
0xad: {  	[dreg:$0x0] =	wrdreg $0x60  }
0xae: {  	[dreg:$0x2] =	wrdreg s24  }
0xaf: {  	[dreg:$0x3] =	wrdreg s2  }
0xb0: {  	[dreg:$0x4] =	wrdreg $0x84000  }
0xb1: {  	[dreg:$0x5] =	wrdreg $0x9  }
0xb2: {  	_ =	task.clear_ibuf [dreg:s7], $0x6FFFF;
	_ =	strace $0x90000049  }
0xb3: {  	s29 =	simm.s32 $0x9;
	_ =	strace $0x8000004B  }
0xb4: {  	_ =	swait.ge [sflag:s29], $0x1  }
0xb5: {  	[sflag:s29] =	ssyncadd.s32 $0xFFFFFFFF  }
0xb6: {  	_ =	strace $0x9000004B  }
0xb7: {  	_ =	sfence  }
0xb8: {  	s30 =	sld [smem:$0x0];
	_ =	sdelay $0x2  }
0xb9: {  	s31 =	sshll.u32 s1, $0xD;
	s1 =	sshrl.u32 s1, $0x2  }
0xba: {  	s3 =	sand.u32 $0x4000, s31;
	s1 =	sadd.s32 s1, s30  }
0xbb: {  	s0 =	sor.u32 s3, s0;
	s1 =	sshll.u32 s1, $0x11  }
0xbc: {  	s0 =	sor.u32 s1, s0  }
0xbd: {  	s0 =	sadd.s32 $0x8F2B, s0  }
0xbe: {  	[sflag:s0] =	ssyncadd.remote.s32 $0x1  }
0xbf: {  	_ =	sfence.sel $0xFFFF  }
0xc0: {  	[dreg:$0x0] =	wrdreg $0xFFFFFFFF;
	(pc) =	sbr.abs _section_cstart, $3  }
0xc1: {  	[dreg:$0x1] =	wrdreg $0xFFFFFFFF  }
0xc2: {  	_ =	task.clear_ibuf [dreg:s7], $0x2FFFF;
	_ =	strace $0x9FFFFFFF  }
0xc3: {  	(tm) =	ssettm $0x7FFFFFFF  }
tec
execute0_lowered:
.L_overlay_start_1:
0x0: {  	(tag) =	ssettag $0x1  }
0x1: {  	s0 =	rddreg [dreg:$0x0]  }
0x2: {  	s2 =	rddreg [dreg:$0x1]  }
0x3: {  	s3 =	rddreg [dreg:$0x2]  }
0x4: {  	s11 =	stileid.u32;
	s1 =	srdreg.scid;
	s4 =	simm.s32 $0x0  }
0x5: {  	s17 =	simm.s32 $0x8;
	s18 =	simm.s32 $0x200;
	s19 =	simm.s32 $0x80  }
0x6: {  	s28 =	simm.s32 $0x4400;
	s29 =	simm.s32 $0x2;
	s30 =	simm.s32 $0x3  }
0x7: {  	s31 =	simm.s32 $0x7;
	s7 =	smul.u32 $0x14000, s11;
	s1 =	sand.u32 $0x1, s1  }
0x8: {  	[smem:$0x7FF] =	sst s4;
	s5 =	sadd.s32 $0xDA00, s0;
	s20 =	smul.u32 $0x50000, s11  }
0x9: {  	s6 =	sadd.s32 $0x2A00, s0;
	s23 =	sshll.u32 s11, $0x6;
	s8 =	smul.u32 $0x140000, s1  }
0xa: {  	_ =	strace $0x8000004A;
	s10 =	sshll.u32 s1, $0x4;
	s1 =	ssub.s32 $0x2, s1  }
0xb: {  	s9 =	sshrl.u32 s7, $0x3;
	s21 =	sor.u32 s11, s10;
	s22 =	sshrl.u32 s1, $0x1  }
0xc: {  	s9 =	sadd.s32 s9, s0;
	s7 =	sadd.s32 s7, s8;
	s8 =	sshrl.u32 s20, $0x2  }
0xd: {  	s1 =	ssub.s32 s1, s22;
	s20 =	simm.s32 $0x280;
	s22 =	simm.s32 $0x400  }
0xe: {  	s7 =	sshrl.u32 s7, $0x3;
	s8 =	sadd.s32 s8, s3;
	s9 =	sadd.s32 $0x35A00, s9  }
0xf: {  	s15 =	smax.u32 s1, $0x1;
	s0 =	sadd.s32 s7, s0;
	s7 =	smul.u32 $0x2C00, s21  }
0x10: {  	s1 =	simm.s32 $0x0;
	[dreg:$0x4] =	wrdreg s9;
	s9 =	sor.u32 $0x1C08, s23  }
0x11: {  	s16 =	sshrl.u32 s8, $0x3;
	s21 =	simm.s32 $0x5;
	s12 =	sshrl.u32 s7, $0x3  }
.Ltmp0:
0x12: {  	s23 =	simm.s32 $0x1;
	s24 =	sadd.s32 s6, s12;
	(pc) =	sbr.rel .LBB2_1-.Ltmp0, $4  }
0x13: {  	s14 =	sadd.s32 $0x5DA00, s0;
	s25 =	sadd.s32 s2, s12;
	[dreg:$0x5] =	wrdreg s24  }
0x14: {  	s0 =	simm.s32 $0x4;
	s13 =	sor.u32 $0x10, s12;
	[dreg:$0x6] =	wrdreg s25  }
0x15: {  	s26 =	sadd.s32 s6, s13;
	s13 =	sadd.s32 s2, s13;
	s24 =	simm.s32 $0x100  }
0x16: {  	s25 =	simm.s32 $0x300;
	[dreg:$0x7] =	wrdreg s26;
	s26 =	simm.s32 $0x6  }
.LBB2_4:
0x17: {  	_ =	swait.ge [sflag:s0], $0x4000  }
0x18: {  	s1 =	sadd.s32 $0x1, s1;
	[sflag:s0] =	ssyncset.done $0x0  }
0x19: {  	p0 =	sne.s32 s1, s15;
	[sflag:s0] =	ssyncadd.s32 $0xFFFFC000  }
.Ltmp1:
0x1a: {  	[bflag:$0x0] =	sbarrier.arrive $0xFFFF;
	(pc) =	sbr.rel @!p0 .LBB2_5-.Ltmp1, $4  }
0x1b: {  	[hbm:s14], [sflag:s9] =	dma.local [spmem:s16], $0x2800  }
0x1c: {  	_ =	swait.ge [sflag:s17], $0x2800  }
0x1d: {  	[sflag:s17] =	ssyncset.done $0x0  }
0x1e: {  	[sflag:s17] =	ssyncadd.s32 $0xFFFFD800  }
.LBB2_1:
0x1f: {  	s8 =	rddreg [dreg:$0x4]  }
0x20: {  	[spmem:s16], [sflag:s9] =	dma.local [hbm:s8], $0x2800  }
0x21: {  	_ =	swait.ge [sflag:s17], $0x2800  }
0x22: {  	[sflag:s17] =	ssyncset.done $0x0  }
0x23: {  	[sflag:s17] =	ssyncadd.s32 $0xFFFFD800  }
0x24: {  	[bflag:$0x0] =	sbarrier.arrive $0xFFFF  }
0x25: {  	s10 =	rddreg [dreg:$0x5]  }
0x26: {  	[tilespmem:s4], [sflag:$0x5] =	stream.linear.gather [hbm4b:s10+s4], $0x80, $0x38;
	[tilespmem:$0x1C400] =	vst v63  }
0x27: {  	s11 =	rddreg [dreg:$0x6]  }
0x28: {  	[tilespmem:s18], [sflag:$0x5] =	stream.linear.gather [hbm4b:s11+s4], $0x80, $0x38;
	[tilespmem:$0x1C400] =	vst v63  }
0x29: {  	s12 =	rddreg [dreg:$0x7]  }
0x2a: {  	[tilespmem:s19], [sflag:$0x6] =	stream.linear.gather [hbm4b:s12+s4], $0x80, $0x38;
	[tilespmem:$0x1C400] =	vst v63  }
0x2b: {  	_ = 	snop  }
0x2c: {  	[tilespmem:s20], [sflag:$0x6] =	stream.linear.gather [hbm4b:s13+s4], $0x80, $0x38;
	[tilespmem:$0x1C400] =	vst v63  }
0x2d: {  	_ =	swait.ge [sflag:s21], $0x80  }
0x2e: {  	[sflag:s21] =	ssyncset.done $0x0  }
0x2f: {  	[sflag:s21] =	ssyncadd.s32 $0xFFFFFF80  }
0x30: {  	_ =	swait.ge [sflag:s21], $0x80  }
0x31: {  	[sflag:s21] =	ssyncset.done $0x0  }
0x32: {  	s8 =	simm.s32 $0x380;
	[sflag:s21] =	ssyncadd.s32 $0xFFFFFF80  }
0x33: {  	[tilespmem:s22], [sflag:$0x1] =	stream.indirect.gather [hbm4b:s5+s19], $0x80, s4, s19, $0xb8;
	[tilespmem:$0x1C400] =	vst v63  }
.LBB2_2:
0x34: {  	_ =	swait.ge [sflag:s23], $0x4000;
	s10 =	sadd.s32 $0xFFFFFD80, s8;
	p0 =	seq.s32 s8, $0x380  }
0x35: {  	[sflag:s23] =	ssyncset.done $0x0;
	s11 =	sand.u32 $0x7C00, s10;
	s12 =	simm.s32 @!p0 $0x4  }
0x36: {  	s10 =	sand.u32 $0x300, s10;
	[sflag:s23] =	ssyncadd.s32 $0xFFFFC000;
	s11 =	sadd.s32 s7, s11  }
0x37: {  	[spmem:s3] =	stream.indirect.scatter.add.f32 [tilespmem:s22], [sflag:$0x3], $0x80, s18, s19, $0xb8;
	[tilespmem:$0x1C400] =	vst v63  }
0x38: {  	s10 =	sor.u32 s10, s11;
	_ =	swait.ge @!p0 [sflag:s12], $0x4000  }
0x39: {  	s10 =	sshrl.u32 s10, $0x3;
	[sflag:s12] =	ssyncset.done @!p0 $0x0  }
0x3a: {  	[sflag:s12] =	ssyncadd.s32 @!p0 $0xFFFFC000;
	s12 =	sadd.s32 s6, s10  }
0x3b: {  	[tilespmem:s24], [sflag:$0x7] =	stream.linear.gather [hbm4b:s12+s4], $0x80, $0x38;
	[tilespmem:$0x1C400] =	vst v63  }
0x3c: {  	s10 =	sadd.s32 s2, s10  }
0x3d: {  	[tilespmem:s25], [sflag:$0x7] =	stream.linear.gather [hbm4b:s10+s4], $0x80, $0x38;
	[tilespmem:$0x1C400] =	vst v63  }
0x3e: {  	_ =	swait.ge [sflag:s26], $0x80  }
0x3f: {  	[sflag:s26] =	ssyncset.done $0x0  }
0x40: {  	[sflag:s26] =	ssyncadd.s32 $0xFFFFFF80  }
0x41: {  	_ =	swait.ge [sflag:s26], $0x80  }
0x42: {  	[sflag:s26] =	ssyncset.done $0x0  }
0x43: {  	[sflag:s26] =	ssyncadd.s32 $0xFFFFFF80  }
0x44: {  	[tilespmem:s28], [sflag:$0x2] =	stream.indirect.gather [hbm4b:s5+s19], $0x80, s19, s19, $0xb8;
	[tilespmem:$0x1C400] =	vst v63  }
0x45: {  	s10 =	sadd.s32 $0xFFFFFE00, s8;
	_ =	swait.ge [sflag:s29], $0x4000  }
0x46: {  	s12 =	sand.u32 $0x7C00, s10;
	[sflag:s29] =	ssyncset.done $0x0  }
0x47: {  	s10 =	sand.u32 $0x380, s10;
	s11 =	sadd.s32 s7, s12;
	[sflag:s29] =	ssyncadd.s32 $0xFFFFC000  }
0x48: {  	[spmem:s3] =	stream.indirect.scatter.add.f32 [tilespmem:s28], [sflag:$0x4], $0x80, s20, s19, $0xb8;
	[tilespmem:$0x1C400] =	vst v63  }
0x49: {  	s10 =	sor.u32 s10, s11;
	_ =	swait.ge [sflag:s30], $0x4000  }
0x4a: {  	s10 =	sshrl.u32 s10, $0x3;
	[sflag:s30] =	ssyncset.done $0x0  }
0x4b: {  	s12 =	sadd.s32 s6, s10;
	[sflag:s30] =	ssyncadd.s32 $0xFFFFC000  }
0x4c: {  	[tilespmem:s4], [sflag:$0x5] =	stream.linear.gather [hbm4b:s12+s4], $0x80, $0x38;
	[tilespmem:$0x1C400] =	vst v63  }
0x4d: {  	s10 =	sadd.s32 s2, s10  }
0x4e: {  	[tilespmem:s18], [sflag:$0x5] =	stream.linear.gather [hbm4b:s10+s4], $0x80, $0x38;
	[tilespmem:$0x1C400] =	vst v63  }
0x4f: {  	_ =	swait.ge [sflag:s31], $0x80  }
0x50: {  	[sflag:s31] =	ssyncset.done $0x0  }
0x51: {  	[sflag:s31] =	ssyncadd.s32 $0xFFFFFF80  }
0x52: {  	_ =	swait.ge [sflag:s31], $0x80  }
0x53: {  	[sflag:s31] =	ssyncset.done $0x0  }
0x54: {  	[sflag:s31] =	ssyncadd.s32 $0xFFFFFF80  }
0x55: {  	[tilespmem:s22], [sflag:$0x1] =	stream.indirect.gather [hbm4b:s5+s19], $0x80, s24, s19, $0xb8;
	[tilespmem:$0x1C400] =	vst v63  }
0x56: {  	s10 =	sadd.s32 $0xFFFFFE80, s8;
	_ =	swait.ge [sflag:s23], $0x4000  }
0x57: {  	s12 =	sand.u32 $0x7C00, s10;
	[sflag:s23] =	ssyncset.done $0x0  }
0x58: {  	s10 =	sand.u32 $0x300, s10;
	s11 =	sadd.s32 s7, s12;
	[sflag:s23] =	ssyncadd.s32 $0xFFFFC000  }
0x59: {  	[spmem:s3] =	stream.indirect.scatter.add.f32 [tilespmem:s22], [sflag:$0x3], $0x80, s25, s19, $0xb8;
	[tilespmem:$0x1C400] =	vst v63  }
0x5a: {  	s10 =	sor.u32 s10, s11;
	_ =	swait.ge [sflag:s0], $0x4000  }
0x5b: {  	s10 =	sshrl.u32 s10, $0x3;
	[sflag:s0] =	ssyncset.done $0x0  }
0x5c: {  	s12 =	sadd.s32 s6, s10;
	[sflag:s0] =	ssyncadd.s32 $0xFFFFC000  }
0x5d: {  	[tilespmem:s19], [sflag:$0x6] =	stream.linear.gather [hbm4b:s12+s4], $0x80, $0x38;
	[tilespmem:$0x1C400] =	vst v63  }
0x5e: {  	s10 =	sadd.s32 s2, s10  }
0x5f: {  	[tilespmem:s20], [sflag:$0x6] =	stream.linear.gather [hbm4b:s10+s4], $0x80, $0x38;
	[tilespmem:$0x1C400] =	vst v63  }
0x60: {  	_ =	swait.ge [sflag:s21], $0x80  }
0x61: {  	[sflag:s21] =	ssyncset.done $0x0  }
0x62: {  	[sflag:s21] =	ssyncadd.s32 $0xFFFFFF80  }
0x63: {  	_ =	swait.ge [sflag:s21], $0x80  }
0x64: {  	[sflag:s21] =	ssyncset.done $0x0  }
0x65: {  	[sflag:s21] =	ssyncadd.s32 $0xFFFFFF80  }
0x66: {  	[tilespmem:s28], [sflag:$0x2] =	stream.indirect.gather [hbm4b:s5+s19], $0x80, s4, s19, $0xb8;
	[tilespmem:$0x1C400] =	vst v63  }
0x67: {  	s10 =	sadd.s32 $0xFFFFFF00, s8;
	_ =	swait.ge [sflag:s29], $0x4000  }
0x68: {  	s12 =	sand.u32 $0x7C00, s10;
	[sflag:s29] =	ssyncset.done $0x0  }
0x69: {  	s10 =	sand.u32 $0x380, s10;
	s11 =	sadd.s32 s7, s12;
	[sflag:s29] =	ssyncadd.s32 $0xFFFFC000  }
0x6a: {  	[spmem:s3] =	stream.indirect.scatter.add.f32 [tilespmem:s28], [sflag:$0x4], $0x80, s18, s19, $0xb8;
	[tilespmem:$0x1C400] =	vst v63  }
0x6b: {  	s10 =	sor.u32 s10, s11;
	_ =	swait.ge [sflag:s30], $0x4000  }
0x6c: {  	s10 =	sshrl.u32 s10, $0x3;
	[sflag:s30] =	ssyncset.done $0x0  }
0x6d: {  	s12 =	sadd.s32 s6, s10;
	[sflag:s30] =	ssyncadd.s32 $0xFFFFC000  }
0x6e: {  	[tilespmem:s24], [sflag:$0x7] =	stream.linear.gather [hbm4b:s12+s4], $0x80, $0x38;
	[tilespmem:$0x1C400] =	vst v63  }
0x6f: {  	s10 =	sadd.s32 s2, s10  }
0x70: {  	[tilespmem:s25], [sflag:$0x7] =	stream.linear.gather [hbm4b:s10+s4], $0x80, $0x38;
	[tilespmem:$0x1C400] =	vst v63  }
0x71: {  	_ =	swait.ge [sflag:s26], $0x80  }
0x72: {  	[sflag:s26] =	ssyncset.done $0x0  }
0x73: {  	[sflag:s26] =	ssyncadd.s32 $0xFFFFFF80  }
0x74: {  	_ =	swait.ge [sflag:s26], $0x80  }
0x75: {  	[sflag:s26] =	ssyncset.done $0x0  }
0x76: {  	p0 =	seq.s32 s8, $0x2A80;
	[sflag:s26] =	ssyncadd.s32 $0xFFFFFF80  }
0x77: {  	[tilespmem:s22], [sflag:$0x1] =	stream.indirect.gather [hbm4b:s5+s19], $0x80, s19, s19, $0xb8;
	[tilespmem:$0x1C400] =	vst v63  }
0x78: {  	s10 =	sadd.s32 @!p0 $0xFFFFFF80, s8;
	_ =	swait.ge [sflag:s23], $0x4000  }
0x79: {  	s11 =	sand.u32 @!p0 $0x7C00, s10;
	[sflag:s23] =	ssyncset.done $0x0  }
0x7a: {  	s10 =	sand.u32 @!p0 $0x300, s10;
	s11 =	sadd.s32 @!p0 s7, s11;
	[sflag:s23] =	ssyncadd.s32 $0xFFFFC000  }
0x7b: {  	[spmem:s3] =	stream.indirect.scatter.add.f32 [tilespmem:s22], [sflag:$0x3], $0x80, s20, s19, $0xb8;
	[tilespmem:$0x1C400] =	vst v63  }
0x7c: {  	s10 =	sor.u32 @!p0 s10, s11;
	_ =	swait.ge [sflag:s0], $0x4000  }
0x7d: {  	s10 =	sshrl.u32 @!p0 s10, $0x3;
	[sflag:s0] =	ssyncset.done $0x0  }
0x7e: {  	s12 =	simm.s32 @!p0 $0x0;
	s11 =	sadd.s32 @!p0 s6, s10;
	[sflag:s0] =	ssyncadd.s32 $0xFFFFC000  }
0x7f: {  	[tilespmem:s12], [sflag:$0x5] =	stream.linear.gather @!p0 [hbm4b:s11+s12], $0x80, $0x38;
	[tilespmem:$0x1C400] =	vst v63  }
0x80: {  	s10 =	sadd.s32 @!p0 s2, s10;
	s11 =	simm.s32 @!p0 $0x200  }
0x81: {  	[tilespmem:s11], [sflag:$0x5] =	stream.linear.gather @!p0 [hbm4b:s10+s12], $0x80, $0x38;
	[tilespmem:$0x1C400] =	vst v63  }
0x82: {  	_ =	swait.ge [sflag:s31], $0x80  }
0x83: {  	[sflag:s31] =	ssyncset.done $0x0  }
0x84: {  	[sflag:s31] =	ssyncadd.s32 $0xFFFFFF80  }
0x85: {  	_ =	swait.ge [sflag:s31], $0x80  }
0x86: {  	[sflag:s31] =	ssyncset.done $0x0  }
0x87: {  	[sflag:s31] =	ssyncadd.s32 $0xFFFFFF80  }
0x88: {  	[tilespmem:s28], [sflag:$0x2] =	stream.indirect.gather [hbm4b:s5+s19], $0x80, s24, s19, $0xb8;
	[tilespmem:$0x1C400] =	vst v63  }
0x89: {  	_ =	swait.ge [sflag:s29], $0x4000  }
0x8a: {  	[sflag:s29] =	ssyncset.done $0x0  }
.Ltmp2:
0x8b: {  	[sflag:s29] =	ssyncadd.s32 $0xFFFFC000;
	(pc) =	sbr.rel @p0 .LBB2_4-.Ltmp2, $4  }
0x8c: {  	[spmem:s3] =	stream.indirect.scatter.add.f32 [tilespmem:s28], [sflag:$0x4], $0x80, s25, s19, $0xb8;
	[tilespmem:$0x1C400] =	vst v63  }
0x8d: {  	_ =	swait.ge [sflag:s30], $0x4000  }
0x8e: {  	[sflag:s30] =	ssyncset.done $0x0  }
0x8f: {  	[sflag:s30] =	ssyncadd.s32 $0xFFFFC000  }
0x90: {  	s10 =	sand.u32 $0x7C00, s8  }
0x91: {  	s11 =	sand.u32 $0x380, s8;
	s10 =	sadd.s32 s7, s10  }
0x92: {  	s10 =	sor.u32 s11, s10  }
0x93: {  	s10 =	sshrl.u32 s10, $0x3  }
0x94: {  	s12 =	sadd.s32 s6, s10  }
0x95: {  	[tilespmem:s19], [sflag:$0x6] =	stream.linear.gather [hbm4b:s12+s4], $0x80, $0x38;
	[tilespmem:$0x1C400] =	vst v63  }
0x96: {  	s10 =	sadd.s32 s2, s10  }
0x97: {  	[tilespmem:s20], [sflag:$0x6] =	stream.linear.gather [hbm4b:s10+s4], $0x80, $0x38;
	[tilespmem:$0x1C400] =	vst v63  }
0x98: {  	_ =	swait.ge [sflag:s21], $0x80  }
0x99: {  	[sflag:s21] =	ssyncset.done $0x0  }
.Ltmp3:
0x9a: {  	[sflag:s21] =	ssyncadd.s32 $0xFFFFFF80;
	(pc) =	sbr.rel .LBB2_2-.Ltmp3, $4  }
0x9b: {  	_ =	swait.ge [sflag:s21], $0x80  }
0x9c: {  	[sflag:s21] =	ssyncset.done $0x0  }
0x9d: {  	s8 =	sadd.s32 $0x300, s8;
	[sflag:s21] =	ssyncadd.s32 $0xFFFFFF80  }
0x9e: {  	[tilespmem:s22], [sflag:$0x1] =	stream.indirect.gather [hbm4b:s5+s19], $0x80, s4, s19, $0xb8;
	[tilespmem:$0x1C400] =	vst v63  }
.LBB2_5:
0x9f: {  	_ =	sfence.sel $0x180000  }
0xa0: {  	[bflag:$0x0] =	sbarrier.arrive $0xFFFF  }
0xa1: {  	_ =	strace $0x9000004A  }
0xa2: {  	s0 =	stileid.u32;
	[bflag:$0x2] =	sbarrier.arrive $0xFFFF  }
0xa3: {  	p0 =	sne.s32 s0, $0x0;
	s0 =	rddreg [dreg:$0x3]  }
0xa4: {  	s0 =	sadd.s32 @!p0 $0x100000, s0  }
0xa5: {  	[sflag:s0] =	ssyncadd.tile.s32 @!p0 $0x1;
	_ =	shalt  }
.Lfunc_end2:
_tile_overlayer_lowered:
.L_overlay_start_2:
0xa6: {  	(tag) =	ssettag $0x2  }
0xa7: {  	s0 =	rddreg [dreg:$0x0];
	s2 =	stileid.u32  }
0xa8: {  	s1 =	rddreg [dreg:$0x1];
	p0 =	sne.s32 s2, $0x0  }
0xa9: {  	s3 =	rddreg [dreg:$0x2];
	[bflag:$0x3] =	sbarrier.arrive $0xFFFF;
	s2 =	simm.s32 @!p0 $0x1C08  }
0xaa: {  	[timem:s3], [sflag:s2] =	dma.local @!p0 [hbm:s0], s1  }
0xab: {  	s0 =	simm.s32 @!p0 $0x8  }
0xac: {  	_ =	swait.ge @!p0 [sflag:s0], s1  }
0xad: {  	s1 =	ssub.s32 @!p0 $0x0, s1;
	[sflag:s0] =	ssyncset.done @!p0 $0x0  }
0xae: {  	[sflag:s0] =	ssyncadd.s32 @!p0 s1  }
0xaf: {  	[bflag:$0x3] =	sbarrier.arrive $0xFFFF  }
0xb0: {  	_ =	shalt  }

// kernel: kernel.14.cloned.1.call-start
scs
__scs_entry_jumppad:
0x0: {  	(pc) =	sbr.rel $0x88, $3  }
0x1: {  	(tag) =	ssettag $0x0;
	lr =	simm.s32 $0x1  }
0x2: {  	[smem:$0x3F9B] =	sst lr;
	_ =	strace $0xD0000000  }
0x3: {  	_ = 	snop  }
0x4: {  	_ = 	snop  }
0x5: {  	_ = 	snop  }
0x6: {  	_ = 	snop  }
0x7: {  	_ = 	snop  }
__scs_overlays_trampoline_lowered:
0x8: {  	[smem:$0x3FAA] =	sst s0  }
0x9: {  	[smem:$0x3FAB] =	sst s1  }
0xa: {  	[smem:$0x3FAC] =	sst s2  }
0xb: {  	[smem:$0x3FAD] =	sst s3  }
0xc: {  	[smem:$0x3FAE] =	sst s4  }
0xd: {  	[smem:$0x3FAF] =	sst s5  }
0xe: {  	[smem:$0x3FB0] =	sst s6  }
0xf: {  	[smem:$0x3FB1] =	sst s7  }
0x10: {  	[smem:$0x3FB2] =	sst s8  }
0x11: {  	[smem:$0x3FB3] =	sst s9;
	s0 =	simm.s32 @!p0 $0x0  }
0x12: {  	s1 =	sld [smem:$0x3F99];
	s0 =	simm.s32 @p0 $0x1  }
0x13: {  	[smem:$0x3FB4] =	sst s0;
	s0 =	simm.s32 @!p1 $0x0  }
0x14: {  	s2 =	sld [smem:$0x3F98];
	s0 =	simm.s32 @p1 $0x1  }
0x15: {  	[smem:$0x3FB5] =	sst s0;
	s0 =	simm.s32 @!p2 $0x0  }
0x16: {  	s3 =	sld [smem:$0x3FDB];
	s0 =	simm.s32 @p2 $0x1  }
0x17: {  	s4 =	simm.s32 $0x1BF5;
	[smem:$0x3FB7] =	sst s0  }
0x18: {  	s0 =	sld [smem:$0x3F9A];
	_ =	swait.ge [sflag:s4], $0x0  }
0x19: {  	s7 =	sld [smem:$0x3F9B]  }
0x1a: {  	s8 =	sadd.s32 $0xFFFFE003, lr  }
0x1b: {  	s9 =	sadd.s32 $0xFFFFFEF7, lr;
	s5 =	simm.s32 $0xFFFFFFFF;
	p2 =	slt.u32 s8, $0xFFFFF086  }
0x1c: {  	p1 =	slt.u32 s9, $0xF7A;
	s5 =	simm.s32 @!p2 $0x0  }
0x1d: {  	s5 =	simm.s32 @p1 $0x1;
	p0 =	seq.s32 s7, s2  }
0x1e: {  	s7 =	smul.u32 @!p0 $0xF7A, s2;
	p2 =	seq.s32 @!p0 s5, $0x0  }
0x1f: {  	s9 =	smul.u32 $0xF7A, s1;
	s8 =	simm.s32 @!p0 $0x1BF5;
	p2 =	por !p2, p0  }
0x20: {  	[sflag:s8] =	ssyncset.s32 @!p0 $0xFFFFF086;
	s6 =	sadd.s32 @!p0 s3, s7;
	s7 =	simm.s32 @!p0 $0x108  }
0x21: {  	s3 =	sadd.s32 s3, s9;
	s6 =	sadd.s32 @!p0 $0x88, s6;
	s7 =	simm.s32 @p2 $0x1082  }
0x22: {  	[simem:s7], [sflag:s8] =	dma.local @!p0 [hbm:s6], $0xF7A  }
0x23: {  	s9 =	sor.u32 $0xD0000000, s2;
	s6 =	simm.s32 $0x108;
	_ =	swait.ge @!p0 [sflag:s8], $0x0  }
0x24: {  	s3 =	sadd.s32 $0x88, s3;
	s6 =	simm.s32 @!p1 $0x1082;
	[sflag:s4] =	ssyncset.s32 $0xFFFFF086  }
0x25: {  	[simem:s6], [sflag:s4] =	dma.local [hbm:s3], $0xF7A  }
0x26: {  	[smem:$0x3F9B] =	sst s1;
	(tag) =	ssettag s2;
	_ =	strace s9  }
0x27: {  	s1 =	sld [smem:$0x3FAB]  }
0x28: {  	s2 =	sld [smem:$0x3FAC]  }
0x29: {  	s4 =	sld [smem:$0x3FAE]  }
0x2a: {  	p0 =	seq.s32 s5, $0x0;
	s5 =	sld [smem:$0x3FAF]  }
0x2b: {  	s6 =	sld [smem:$0x3FB0]  }
0x2c: {  	s7 =	sld [smem:$0x3FB1]  }
0x2d: {  	s3 =	simm.s32 $0x108;
	s8 =	sld [smem:$0x3FB2]  }
0x2e: {  	s3 =	simm.s32 @!p0 $0x1082;
	s9 =	sld [smem:$0x3FB3]  }
0x2f: {  	lr =	sadd.s32 s0, s3;
	s0 =	sld [smem:$0x3FAA]  }
0x30: {  	s3 =	sld [smem:$0x3FAD]  }
0x31: {  	[smem:$0x3FB6] =	sst s10  }
0x32: {  	s10 =	sld [smem:$0x3FB4];
	_ =	sdelay $0x3  }
0x33: {  	p0 =	seq.s32 s10, $0x1;
	s10 =	sld [smem:$0x3FB6];
	_ =	sdelay $0x3  }
0x34: {  	[smem:$0x3FB6] =	sst s10  }
0x35: {  	s10 =	sld [smem:$0x3FB5];
	_ =	sdelay $0x3  }
0x36: {  	p1 =	seq.s32 s10, $0x1;
	s10 =	sld [smem:$0x3FB6];
	_ =	sdelay $0x3  }
0x37: {  	[smem:$0x3FB6] =	sst s10  }
0x38: {  	s10 =	sld [smem:$0x3FB7]  }
0x39: {  	_ = 	snop;
	(pc) =	sbr.ind lr, $3  }
0x3a: {  	_ = 	snop  }
0x3b: {  	_ = 	snop  }
0x3c: {  	p2 =	seq.s32 s10, $0x1;
	s10 =	sld [smem:$0x3FB6]  }
0x3d: {  	_ =	shalt  }
0x3e: {  	_ =	shalt  }
0x3f: {  	_ =	shalt  }
0x40: {  	_ =	shalt  }
0x41: {  	_ =	shalt  }
0x42: {  	_ =	shalt  }
0x43: {  	_ =	shalt  }
0x44: {  	_ =	shalt  }
0x45: {  	_ =	shalt  }
0x46: {  	_ =	shalt  }
0x47: {  	_ =	shalt  }
0x48: {  	_ =	shalt  }
0x49: {  	_ =	shalt  }
0x4a: {  	_ =	shalt  }
0x4b: {  	_ =	shalt  }
0x4c: {  	_ =	shalt  }
0x4d: {  	_ =	shalt  }
0x4e: {  	_ =	shalt  }
0x4f: {  	_ =	shalt  }
0x50: {  	_ =	shalt  }
0x51: {  	_ =	shalt  }
0x52: {  	_ =	shalt  }
0x53: {  	_ =	shalt  }
0x54: {  	_ =	shalt  }
0x55: {  	_ =	shalt  }
0x56: {  	_ =	shalt  }
0x57: {  	_ =	shalt  }
0x58: {  	_ =	shalt  }
0x59: {  	_ =	shalt  }
0x5a: {  	_ =	shalt  }
0x5b: {  	_ =	shalt  }
0x5c: {  	_ =	shalt  }
0x5d: {  	_ =	shalt  }
0x5e: {  	_ =	shalt  }
0x5f: {  	_ =	shalt  }
0x60: {  	_ =	shalt  }
0x61: {  	_ =	shalt  }
0x62: {  	_ =	shalt  }
0x63: {  	_ =	shalt  }
0x64: {  	_ =	shalt  }
0x65: {  	_ =	shalt  }
0x66: {  	_ =	shalt  }
0x67: {  	_ =	shalt  }
0x68: {  	_ =	shalt  }
0x69: {  	_ =	shalt  }
0x6a: {  	_ =	shalt  }
0x6b: {  	_ =	shalt  }
0x6c: {  	_ =	shalt  }
0x6d: {  	_ =	shalt  }
0x6e: {  	_ =	shalt  }
0x6f: {  	_ =	shalt  }
0x70: {  	_ =	shalt  }
0x71: {  	_ =	shalt  }
0x72: {  	_ =	shalt  }
0x73: {  	_ =	shalt  }
0x74: {  	_ =	shalt  }
0x75: {  	_ =	shalt  }
0x76: {  	_ =	shalt  }
0x77: {  	_ =	shalt  }
0x78: {  	_ =	shalt  }
0x79: {  	_ =	shalt  }
0x7a: {  	_ =	shalt  }
0x7b: {  	_ =	shalt  }
0x7c: {  	_ =	shalt  }
0x7d: {  	_ =	shalt  }
0x7e: {  	_ =	shalt  }
0x7f: {  	_ =	shalt  }
0x80: {  	_ =	shalt  }
0x81: {  	_ =	shalt  }
0x82: {  	_ =	shalt  }
0x83: {  	_ =	shalt  }
0x84: {  	_ =	shalt  }
0x85: {  	_ =	shalt  }
0x86: {  	_ =	shalt  }
0x87: {  	_ =	shalt  }
.Lfunc_end0:
.L_simem_size_0:
called_computation.2_lowered:
.L_overlay_start_0:
0x88: {  	s2 =	sld [smem:$0x3FD9]  }
0x89: {  	s3 =	sld [smem:$0x3FFE];
	_ =	sdelay $0x1  }
0x8a: {  	s1 =	srdreg.scid  }
0x8b: {  	s0 =	sand.u32 $0x1, s1  }
0x8c: {  	s17 =	sshll.u32 s0, $0xA;
	s2 =	sadd.s32 s3, s2  }
0x8d: {  	s2 =	sadd.s32 s2, s17  }
0x8e: {  	[smem:$0x3FC2] =	sst s2  }
0x8f: {  	_ = 	snop  }
0x90: {  	s2 =	sld [smem:$0x3FD0];
	(tm) =	ssettm $0x1  }
0x91: {  	s18 =	sld [smem:$0x3FFB];
	_ =	sdelay $0x3  }
0x92: {  	_ =	strace s18  }
0x93: {  	s3 =	sld [smem:$0x3FFC];
	_ =	sdelay $0x3  }
0x94: {  	_ =	strace s3  }
0x95: {  	s3 =	sld [smem:$0x3FFD];
	_ =	sdelay $0x3  }
0x96: {  	_ =	strace s3  }
0x97: {  	_ =	strace $0x8FFFFFFF  }
0x98: {  	s19 =	sld [smem:$0x3FDB];
	_ =	sdelay $0x1  }
0x99: {  	s4 =	simm.s32 $_scs_section_size  }
0x9a: {  	s5 =	simm.s32 $_size__tile_overlayer_lowered;
	s6 =	simm.s32 $_tile_overlayer_lowered  }
0x9b: {  	s22 =	simm.s32 $0x1BFF;
	s21 =	sshll.u32 s6, $0x1;
	s3 =	sadd.s32 s4, s19  }
0x9c: {  	s7 =	simm.s32 $0x0;
	s20 =	sshll.u32 s5, $0x1;
	s5 =	sadd.s32 s21, s3  }
0x9d: {  	[timem:s7], [sflag:s22] =	dma.local [hbm:s5], s20  }
0x9e: {  	_ =	swait.ge [sflag:s22], s20  }
0x9f: {  	s4 =	ssub.s32 $0x0, s20;
	[sflag:s22] =	ssyncset.done $0x0  }
0xa0: {  	[sflag:s22] =	ssyncadd.s32 s4;
	_ =	sdelay $0x1  }
0xa1: {  	s23 =	simm.s32 $0x1B8B  }
0xa2: {  	_ =	swait.ge [sflag:s23], $0x1  }
0xa3: {  	[sflag:s23] =	ssyncset.done $0x0  }
0xa4: {  	s25 =	simm.s32 $0x1B8E;
	s24 =	sld [smem:$0x3FFE];
	[sflag:s23] =	ssyncadd.s32 $0xFFFFFFFF  }
0xa5: {  	s26 =	simm.s32 $execute0_lowered;
	[smem:$0x3FD2] =	sst s25  }
0xa6: {  	s5 =	sshll.u32 s26, $0x1;
	_ =	strace $0x8000004C;
	[dreg:$0x1] =	wrdreg $0xFFFFFFFF  }
0xa7: {  	s28 =	simm.s32 $_size_execute0_lowered;
	s3 =	sadd.s32 s3, s5;
	[dreg:$0x0] =	wrdreg $0x0  }
0xa8: {  	s5 =	sshll.u32 s28, $0x1;
	[dreg:$0x2] =	wrdreg s3  }
0xa9: {  	[dreg:$0x3] =	wrdreg s5  }
0xaa: {  	[dreg:$0x4] =	wrdreg $0xC0  }
0xab: {  	_ =	task [dreg:s7], $0x5FFFF  }
0xac: {  	[dreg:$0x1] =	wrdreg $0xFFFFFFFF  }
0xad: {  	[dreg:$0x0] =	wrdreg $0x60  }
0xae: {  	[dreg:$0x2] =	wrdreg s24  }
0xaf: {  	[dreg:$0x3] =	wrdreg s2  }
0xb0: {  	[dreg:$0x4] =	wrdreg $0x84000  }
0xb1: {  	[dreg:$0x5] =	wrdreg $0x9  }
0xb2: {  	_ =	task.clear_ibuf [dreg:s7], $0x6FFFF;
	_ =	strace $0x9000004C  }
0xb3: {  	s29 =	simm.s32 $0x9;
	_ =	strace $0x8000004E  }
0xb4: {  	_ =	swait.ge [sflag:s29], $0x1  }
0xb5: {  	[sflag:s29] =	ssyncadd.s32 $0xFFFFFFFF  }
0xb6: {  	_ =	strace $0x9000004E  }
0xb7: {  	_ =	sfence  }
0xb8: {  	s30 =	sld [smem:$0x0];
	_ =	sdelay $0x2  }
0xb9: {  	s31 =	sshll.u32 s1, $0xD;
	s1 =	sshrl.u32 s1, $0x2  }
0xba: {  	s3 =	sand.u32 $0x4000, s31;
	s1 =	sadd.s32 s1, s30  }
0xbb: {  	s0 =	sor.u32 s3, s0;
	s1 =	sshll.u32 s1, $0x11  }
0xbc: {  	s0 =	sor.u32 s1, s0  }
0xbd: {  	s0 =	sadd.s32 $0x8F2B, s0  }
0xbe: {  	[sflag:s0] =	ssyncadd.remote.s32 $0x1  }
0xbf: {  	_ =	sfence.sel $0xFFFF  }
0xc0: {  	[dreg:$0x0] =	wrdreg $0xFFFFFFFF;
	(pc) =	sbr.abs _section_cstart, $3  }
0xc1: {  	[dreg:$0x1] =	wrdreg $0xFFFFFFFF  }
0xc2: {  	_ =	task.clear_ibuf [dreg:s7], $0x2FFFF;
	_ =	strace $0x9FFFFFFF  }
0xc3: {  	(tm) =	ssettm $0x7FFFFFFF  }
tec
execute0_lowered:
.L_overlay_start_1:
0x0: {  	(tag) =	ssettag $0x1  }
0x1: {  	s0 =	rddreg [dreg:$0x0]  }
0x2: {  	s2 =	rddreg [dreg:$0x1]  }
0x3: {  	s3 =	rddreg [dreg:$0x2]  }
0x4: {  	s11 =	stileid.u32;
	s1 =	srdreg.scid;
	s4 =	simm.s32 $0x0  }
0x5: {  	s17 =	simm.s32 $0x8;
	s18 =	simm.s32 $0x200;
	s19 =	simm.s32 $0x80  }
0x6: {  	s28 =	simm.s32 $0x4400;
	s29 =	simm.s32 $0x2;
	s30 =	simm.s32 $0x3  }
0x7: {  	s31 =	simm.s32 $0x7;
	s7 =	smul.u32 $0x14000, s11;
	s1 =	sand.u32 $0x1, s1  }
0x8: {  	[smem:$0x7FF] =	sst s4;
	s5 =	sadd.s32 $0xDA00, s0;
	s20 =	smul.u32 $0x50000, s11  }
0x9: {  	s6 =	sadd.s32 $0x2A00, s0;
	s23 =	sshll.u32 s11, $0x6;
	s8 =	smul.u32 $0x140000, s1  }
0xa: {  	_ =	strace $0x8000004D;
	s10 =	sshll.u32 s1, $0x4;
	s1 =	ssub.s32 $0x2, s1  }
0xb: {  	s9 =	sshrl.u32 s7, $0x3;
	s21 =	sor.u32 s11, s10;
	s22 =	sshrl.u32 s1, $0x1  }
0xc: {  	s9 =	sadd.s32 s9, s0;
	s7 =	sadd.s32 s7, s8;
	s8 =	sshrl.u32 s20, $0x2  }
0xd: {  	s1 =	ssub.s32 s1, s22;
	s20 =	simm.s32 $0x280;
	s22 =	simm.s32 $0x400  }
0xe: {  	s7 =	sshrl.u32 s7, $0x3;
	s8 =	sadd.s32 s8, s3;
	s9 =	sadd.s32 $0x35A00, s9  }
0xf: {  	s15 =	smax.u32 s1, $0x1;
	s0 =	sadd.s32 s7, s0;
	s7 =	smul.u32 $0x2C00, s21  }
0x10: {  	s1 =	simm.s32 $0x0;
	[dreg:$0x4] =	wrdreg s9;
	s9 =	sor.u32 $0x1C08, s23  }
0x11: {  	s16 =	sshrl.u32 s8, $0x3;
	s21 =	simm.s32 $0x5;
	s12 =	sshrl.u32 s7, $0x3  }
.Ltmp0:
0x12: {  	s23 =	simm.s32 $0x1;
	s24 =	sadd.s32 s6, s12;
	(pc) =	sbr.rel .LBB2_1-.Ltmp0, $4  }
0x13: {  	s14 =	sadd.s32 $0x5DA00, s0;
	s25 =	sadd.s32 s2, s12;
	[dreg:$0x5] =	wrdreg s24  }
0x14: {  	s0 =	simm.s32 $0x4;
	s13 =	sor.u32 $0x10, s12;
	[dreg:$0x6] =	wrdreg s25  }
0x15: {  	s26 =	sadd.s32 s6, s13;
	s13 =	sadd.s32 s2, s13;
	s24 =	simm.s32 $0x100  }
0x16: {  	s25 =	simm.s32 $0x300;
	[dreg:$0x7] =	wrdreg s26;
	s26 =	simm.s32 $0x6  }
.LBB2_4:
0x17: {  	_ =	swait.ge [sflag:s0], $0x4000  }
0x18: {  	s1 =	sadd.s32 $0x1, s1;
	[sflag:s0] =	ssyncset.done $0x0  }
0x19: {  	p0 =	sne.s32 s1, s15;
	[sflag:s0] =	ssyncadd.s32 $0xFFFFC000  }
.Ltmp1:
0x1a: {  	[bflag:$0x0] =	sbarrier.arrive $0xFFFF;
	(pc) =	sbr.rel @!p0 .LBB2_5-.Ltmp1, $4  }
0x1b: {  	[hbm:s14], [sflag:s9] =	dma.local [spmem:s16], $0x2800  }
0x1c: {  	_ =	swait.ge [sflag:s17], $0x2800  }
0x1d: {  	[sflag:s17] =	ssyncset.done $0x0  }
0x1e: {  	[sflag:s17] =	ssyncadd.s32 $0xFFFFD800  }
.LBB2_1:
0x1f: {  	s8 =	rddreg [dreg:$0x4]  }
0x20: {  	[spmem:s16], [sflag:s9] =	dma.local [hbm:s8], $0x2800  }
0x21: {  	_ =	swait.ge [sflag:s17], $0x2800  }
0x22: {  	[sflag:s17] =	ssyncset.done $0x0  }
0x23: {  	[sflag:s17] =	ssyncadd.s32 $0xFFFFD800  }
0x24: {  	[bflag:$0x0] =	sbarrier.arrive $0xFFFF  }
0x25: {  	s10 =	rddreg [dreg:$0x5]  }
0x26: {  	[tilespmem:s4], [sflag:$0x5] =	stream.linear.gather [hbm4b:s10+s4], $0x80, $0x38;
	[tilespmem:$0x1C400] =	vst v63  }
0x27: {  	s11 =	rddreg [dreg:$0x6]  }
0x28: {  	[tilespmem:s18], [sflag:$0x5] =	stream.linear.gather [hbm4b:s11+s4], $0x80, $0x38;
	[tilespmem:$0x1C400] =	vst v63  }
0x29: {  	s12 =	rddreg [dreg:$0x7]  }
0x2a: {  	[tilespmem:s19], [sflag:$0x6] =	stream.linear.gather [hbm4b:s12+s4], $0x80, $0x38;
	[tilespmem:$0x1C400] =	vst v63  }
0x2b: {  	_ = 	snop  }
0x2c: {  	[tilespmem:s20], [sflag:$0x6] =	stream.linear.gather [hbm4b:s13+s4], $0x80, $0x38;
	[tilespmem:$0x1C400] =	vst v63  }
0x2d: {  	_ =	swait.ge [sflag:s21], $0x80  }
0x2e: {  	[sflag:s21] =	ssyncset.done $0x0  }
0x2f: {  	[sflag:s21] =	ssyncadd.s32 $0xFFFFFF80  }
0x30: {  	_ =	swait.ge [sflag:s21], $0x80  }
0x31: {  	[sflag:s21] =	ssyncset.done $0x0  }
0x32: {  	s8 =	simm.s32 $0x380;
	[sflag:s21] =	ssyncadd.s32 $0xFFFFFF80  }
0x33: {  	[tilespmem:s22], [sflag:$0x1] =	stream.indirect.gather [hbm4b:s5+s19], $0x80, s4, s19, $0xb8;
	[tilespmem:$0x1C400] =	vst v63  }
.LBB2_2:
0x34: {  	_ =	swait.ge [sflag:s23], $0x4000;
	s10 =	sadd.s32 $0xFFFFFD80, s8;
	p0 =	seq.s32 s8, $0x380  }
0x35: {  	[sflag:s23] =	ssyncset.done $0x0;
	s11 =	sand.u32 $0x7C00, s10;
	s12 =	simm.s32 @!p0 $0x4  }
0x36: {  	s10 =	sand.u32 $0x300, s10;
	[sflag:s23] =	ssyncadd.s32 $0xFFFFC000;
	s11 =	sadd.s32 s7, s11  }
0x37: {  	[spmem:s3] =	stream.indirect.scatter.add.f32 [tilespmem:s22], [sflag:$0x3], $0x80, s18, s19, $0xb8;
	[tilespmem:$0x1C400] =	vst v63  }
0x38: {  	s10 =	sor.u32 s10, s11;
	_ =	swait.ge @!p0 [sflag:s12], $0x4000  }
0x39: {  	s10 =	sshrl.u32 s10, $0x3;
	[sflag:s12] =	ssyncset.done @!p0 $0x0  }
0x3a: {  	[sflag:s12] =	ssyncadd.s32 @!p0 $0xFFFFC000;
	s12 =	sadd.s32 s6, s10  }
0x3b: {  	[tilespmem:s24], [sflag:$0x7] =	stream.linear.gather [hbm4b:s12+s4], $0x80, $0x38;
	[tilespmem:$0x1C400] =	vst v63  }
0x3c: {  	s10 =	sadd.s32 s2, s10  }
0x3d: {  	[tilespmem:s25], [sflag:$0x7] =	stream.linear.gather [hbm4b:s10+s4], $0x80, $0x38;
	[tilespmem:$0x1C400] =	vst v63  }
0x3e: {  	_ =	swait.ge [sflag:s26], $0x80  }
0x3f: {  	[sflag:s26] =	ssyncset.done $0x0  }
0x40: {  	[sflag:s26] =	ssyncadd.s32 $0xFFFFFF80  }
0x41: {  	_ =	swait.ge [sflag:s26], $0x80  }
0x42: {  	[sflag:s26] =	ssyncset.done $0x0  }
0x43: {  	[sflag:s26] =	ssyncadd.s32 $0xFFFFFF80  }
0x44: {  	[tilespmem:s28], [sflag:$0x2] =	stream.indirect.gather [hbm4b:s5+s19], $0x80, s19, s19, $0xb8;
	[tilespmem:$0x1C400] =	vst v63  }
0x45: {  	s10 =	sadd.s32 $0xFFFFFE00, s8;
	_ =	swait.ge [sflag:s29], $0x4000  }
0x46: {  	s12 =	sand.u32 $0x7C00, s10;
	[sflag:s29] =	ssyncset.done $0x0  }
0x47: {  	s10 =	sand.u32 $0x380, s10;
	s11 =	sadd.s32 s7, s12;
	[sflag:s29] =	ssyncadd.s32 $0xFFFFC000  }
0x48: {  	[spmem:s3] =	stream.indirect.scatter.add.f32 [tilespmem:s28], [sflag:$0x4], $0x80, s20, s19, $0xb8;
	[tilespmem:$0x1C400] =	vst v63  }
0x49: {  	s10 =	sor.u32 s10, s11;
	_ =	swait.ge [sflag:s30], $0x4000  }
0x4a: {  	s10 =	sshrl.u32 s10, $0x3;
	[sflag:s30] =	ssyncset.done $0x0  }
0x4b: {  	s12 =	sadd.s32 s6, s10;
	[sflag:s30] =	ssyncadd.s32 $0xFFFFC000  }
0x4c: {  	[tilespmem:s4], [sflag:$0x5] =	stream.linear.gather [hbm4b:s12+s4], $0x80, $0x38;
	[tilespmem:$0x1C400] =	vst v63  }
0x4d: {  	s10 =	sadd.s32 s2, s10  }
0x4e: {  	[tilespmem:s18], [sflag:$0x5] =	stream.linear.gather [hbm4b:s10+s4], $0x80, $0x38;
	[tilespmem:$0x1C400] =	vst v63  }
0x4f: {  	_ =	swait.ge [sflag:s31], $0x80  }
0x50: {  	[sflag:s31] =	ssyncset.done $0x0  }
0x51: {  	[sflag:s31] =	ssyncadd.s32 $0xFFFFFF80  }
0x52: {  	_ =	swait.ge [sflag:s31], $0x80  }
0x53: {  	[sflag:s31] =	ssyncset.done $0x0  }
0x54: {  	[sflag:s31] =	ssyncadd.s32 $0xFFFFFF80  }
0x55: {  	[tilespmem:s22], [sflag:$0x1] =	stream.indirect.gather [hbm4b:s5+s19], $0x80, s24, s19, $0xb8;
	[tilespmem:$0x1C400] =	vst v63  }
0x56: {  	s10 =	sadd.s32 $0xFFFFFE80, s8;
	_ =	swait.ge [sflag:s23], $0x4000  }
0x57: {  	s12 =	sand.u32 $0x7C00, s10;
	[sflag:s23] =	ssyncset.done $0x0  }
0x58: {  	s10 =	sand.u32 $0x300, s10;
	s11 =	sadd.s32 s7, s12;
	[sflag:s23] =	ssyncadd.s32 $0xFFFFC000  }
0x59: {  	[spmem:s3] =	stream.indirect.scatter.add.f32 [tilespmem:s22], [sflag:$0x3], $0x80, s25, s19, $0xb8;
	[tilespmem:$0x1C400] =	vst v63  }
0x5a: {  	s10 =	sor.u32 s10, s11;
	_ =	swait.ge [sflag:s0], $0x4000  }
0x5b: {  	s10 =	sshrl.u32 s10, $0x3;
	[sflag:s0] =	ssyncset.done $0x0  }
0x5c: {  	s12 =	sadd.s32 s6, s10;
	[sflag:s0] =	ssyncadd.s32 $0xFFFFC000  }
0x5d: {  	[tilespmem:s19], [sflag:$0x6] =	stream.linear.gather [hbm4b:s12+s4], $0x80, $0x38;
	[tilespmem:$0x1C400] =	vst v63  }
0x5e: {  	s10 =	sadd.s32 s2, s10  }
0x5f: {  	[tilespmem:s20], [sflag:$0x6] =	stream.linear.gather [hbm4b:s10+s4], $0x80, $0x38;
	[tilespmem:$0x1C400] =	vst v63  }
0x60: {  	_ =	swait.ge [sflag:s21], $0x80  }
0x61: {  	[sflag:s21] =	ssyncset.done $0x0  }
0x62: {  	[sflag:s21] =	ssyncadd.s32 $0xFFFFFF80  }
0x63: {  	_ =	swait.ge [sflag:s21], $0x80  }
0x64: {  	[sflag:s21] =	ssyncset.done $0x0  }
0x65: {  	[sflag:s21] =	ssyncadd.s32 $0xFFFFFF80  }
0x66: {  	[tilespmem:s28], [sflag:$0x2] =	stream.indirect.gather [hbm4b:s5+s19], $0x80, s4, s19, $0xb8;
	[tilespmem:$0x1C400] =	vst v63  }
0x67: {  	s10 =	sadd.s32 $0xFFFFFF00, s8;
	_ =	swait.ge [sflag:s29], $0x4000  }
0x68: {  	s12 =	sand.u32 $0x7C00, s10;
	[sflag:s29] =	ssyncset.done $0x0  }
0x69: {  	s10 =	sand.u32 $0x380, s10;
	s11 =	sadd.s32 s7, s12;
	[sflag:s29] =	ssyncadd.s32 $0xFFFFC000  }
0x6a: {  	[spmem:s3] =	stream.indirect.scatter.add.f32 [tilespmem:s28], [sflag:$0x4], $0x80, s18, s19, $0xb8;
	[tilespmem:$0x1C400] =	vst v63  }
0x6b: {  	s10 =	sor.u32 s10, s11;
	_ =	swait.ge [sflag:s30], $0x4000  }
0x6c: {  	s10 =	sshrl.u32 s10, $0x3;
	[sflag:s30] =	ssyncset.done $0x0  }
0x6d: {  	s12 =	sadd.s32 s6, s10;
	[sflag:s30] =	ssyncadd.s32 $0xFFFFC000  }
0x6e: {  	[tilespmem:s24], [sflag:$0x7] =	stream.linear.gather [hbm4b:s12+s4], $0x80, $0x38;
	[tilespmem:$0x1C400] =	vst v63  }
0x6f: {  	s10 =	sadd.s32 s2, s10  }
0x70: {  	[tilespmem:s25], [sflag:$0x7] =	stream.linear.gather [hbm4b:s10+s4], $0x80, $0x38;
	[tilespmem:$0x1C400] =	vst v63  }
0x71: {  	_ =	swait.ge [sflag:s26], $0x80  }
0x72: {  	[sflag:s26] =	ssyncset.done $0x0  }
0x73: {  	[sflag:s26] =	ssyncadd.s32 $0xFFFFFF80  }
0x74: {  	_ =	swait.ge [sflag:s26], $0x80  }
0x75: {  	[sflag:s26] =	ssyncset.done $0x0  }
0x76: {  	p0 =	seq.s32 s8, $0x2A80;
	[sflag:s26] =	ssyncadd.s32 $0xFFFFFF80  }
0x77: {  	[tilespmem:s22], [sflag:$0x1] =	stream.indirect.gather [hbm4b:s5+s19], $0x80, s19, s19, $0xb8;
	[tilespmem:$0x1C400] =	vst v63  }
0x78: {  	s10 =	sadd.s32 @!p0 $0xFFFFFF80, s8;
	_ =	swait.ge [sflag:s23], $0x4000  }
0x79: {  	s11 =	sand.u32 @!p0 $0x7C00, s10;
	[sflag:s23] =	ssyncset.done $0x0  }
0x7a: {  	s10 =	sand.u32 @!p0 $0x300, s10;
	s11 =	sadd.s32 @!p0 s7, s11;
	[sflag:s23] =	ssyncadd.s32 $0xFFFFC000  }
0x7b: {  	[spmem:s3] =	stream.indirect.scatter.add.f32 [tilespmem:s22], [sflag:$0x3], $0x80, s20, s19, $0xb8;
	[tilespmem:$0x1C400] =	vst v63  }
0x7c: {  	s10 =	sor.u32 @!p0 s10, s11;
	_ =	swait.ge [sflag:s0], $0x4000  }
0x7d: {  	s10 =	sshrl.u32 @!p0 s10, $0x3;
	[sflag:s0] =	ssyncset.done $0x0  }
0x7e: {  	s12 =	simm.s32 @!p0 $0x0;
	s11 =	sadd.s32 @!p0 s6, s10;
	[sflag:s0] =	ssyncadd.s32 $0xFFFFC000  }
0x7f: {  	[tilespmem:s12], [sflag:$0x5] =	stream.linear.gather @!p0 [hbm4b:s11+s12], $0x80, $0x38;
	[tilespmem:$0x1C400] =	vst v63  }
0x80: {  	s10 =	sadd.s32 @!p0 s2, s10;
	s11 =	simm.s32 @!p0 $0x200  }
0x81: {  	[tilespmem:s11], [sflag:$0x5] =	stream.linear.gather @!p0 [hbm4b:s10+s12], $0x80, $0x38;
	[tilespmem:$0x1C400] =	vst v63  }
0x82: {  	_ =	swait.ge [sflag:s31], $0x80  }
0x83: {  	[sflag:s31] =	ssyncset.done $0x0  }
0x84: {  	[sflag:s31] =	ssyncadd.s32 $0xFFFFFF80  }
0x85: {  	_ =	swait.ge [sflag:s31], $0x80  }
0x86: {  	[sflag:s31] =	ssyncset.done $0x0  }
0x87: {  	[sflag:s31] =	ssyncadd.s32 $0xFFFFFF80  }
0x88: {  	[tilespmem:s28], [sflag:$0x2] =	stream.indirect.gather [hbm4b:s5+s19], $0x80, s24, s19, $0xb8;
	[tilespmem:$0x1C400] =	vst v63  }
0x89: {  	_ =	swait.ge [sflag:s29], $0x4000  }
0x8a: {  	[sflag:s29] =	ssyncset.done $0x0  }
.Ltmp2:
0x8b: {  	[sflag:s29] =	ssyncadd.s32 $0xFFFFC000;
	(pc) =	sbr.rel @p0 .LBB2_4-.Ltmp2, $4  }
0x8c: {  	[spmem:s3] =	stream.indirect.scatter.add.f32 [tilespmem:s28], [sflag:$0x4], $0x80, s25, s19, $0xb8;
	[tilespmem:$0x1C400] =	vst v63  }
0x8d: {  	_ =	swait.ge [sflag:s30], $0x4000  }
0x8e: {  	[sflag:s30] =	ssyncset.done $0x0  }
0x8f: {  	[sflag:s30] =	ssyncadd.s32 $0xFFFFC000  }
0x90: {  	s10 =	sand.u32 $0x7C00, s8  }
0x91: {  	s11 =	sand.u32 $0x380, s8;
	s10 =	sadd.s32 s7, s10  }
0x92: {  	s10 =	sor.u32 s11, s10  }
0x93: {  	s10 =	sshrl.u32 s10, $0x3  }
0x94: {  	s12 =	sadd.s32 s6, s10  }
0x95: {  	[tilespmem:s19], [sflag:$0x6] =	stream.linear.gather [hbm4b:s12+s4], $0x80, $0x38;
	[tilespmem:$0x1C400] =	vst v63  }
0x96: {  	s10 =	sadd.s32 s2, s10  }
0x97: {  	[tilespmem:s20], [sflag:$0x6] =	stream.linear.gather [hbm4b:s10+s4], $0x80, $0x38;
	[tilespmem:$0x1C400] =	vst v63  }
0x98: {  	_ =	swait.ge [sflag:s21], $0x80  }
0x99: {  	[sflag:s21] =	ssyncset.done $0x0  }
.Ltmp3:
0x9a: {  	[sflag:s21] =	ssyncadd.s32 $0xFFFFFF80;
	(pc) =	sbr.rel .LBB2_2-.Ltmp3, $4  }
0x9b: {  	_ =	swait.ge [sflag:s21], $0x80  }
0x9c: {  	[sflag:s21] =	ssyncset.done $0x0  }
0x9d: {  	s8 =	sadd.s32 $0x300, s8;
	[sflag:s21] =	ssyncadd.s32 $0xFFFFFF80  }
0x9e: {  	[tilespmem:s22], [sflag:$0x1] =	stream.indirect.gather [hbm4b:s5+s19], $0x80, s4, s19, $0xb8;
	[tilespmem:$0x1C400] =	vst v63  }
.LBB2_5:
0x9f: {  	_ =	sfence.sel $0x180000  }
0xa0: {  	[bflag:$0x0] =	sbarrier.arrive $0xFFFF  }
0xa1: {  	_ =	strace $0x9000004D  }
0xa2: {  	s0 =	stileid.u32;
	[bflag:$0x2] =	sbarrier.arrive $0xFFFF  }
0xa3: {  	p0 =	sne.s32 s0, $0x0;
	s0 =	rddreg [dreg:$0x3]  }
0xa4: {  	s0 =	sadd.s32 @!p0 $0x100000, s0  }
0xa5: {  	[sflag:s0] =	ssyncadd.tile.s32 @!p0 $0x1;
	_ =	shalt  }
.Lfunc_end2:
_tile_overlayer_lowered:
.L_overlay_start_2:
0xa6: {  	(tag) =	ssettag $0x2  }
0xa7: {  	s0 =	rddreg [dreg:$0x0];
	s2 =	stileid.u32  }
0xa8: {  	s1 =	rddreg [dreg:$0x1];
	p0 =	sne.s32 s2, $0x0  }
0xa9: {  	s3 =	rddreg [dreg:$0x2];
	[bflag:$0x3] =	sbarrier.arrive $0xFFFF;
	s2 =	simm.s32 @!p0 $0x1C08  }
0xaa: {  	[timem:s3], [sflag:s2] =	dma.local @!p0 [hbm:s0], s1  }
0xab: {  	s0 =	simm.s32 @!p0 $0x8  }
0xac: {  	_ =	swait.ge @!p0 [sflag:s0], s1  }
0xad: {  	s1 =	ssub.s32 @!p0 $0x0, s1;
	[sflag:s0] =	ssyncset.done @!p0 $0x0  }
0xae: {  	[sflag:s0] =	ssyncadd.s32 @!p0 s1  }
0xaf: {  	[bflag:$0x3] =	sbarrier.arrive $0xFFFF  }
0xb0: {  	_ =	shalt  }

// kernel: kernel.8.cloned.1.call-start
scs
__scs_entry_jumppad:
0x0: {  	(pc) =	sbr.rel $0x88, $3  }
0x1: {  	(tag) =	ssettag $0x0;
	lr =	simm.s32 $0x1  }
0x2: {  	[smem:$0x3F9B] =	sst lr;
	_ =	strace $0xD0000000  }
0x3: {  	_ = 	snop  }
0x4: {  	_ = 	snop  }
0x5: {  	_ = 	snop  }
0x6: {  	_ = 	snop  }
0x7: {  	_ = 	snop  }
__scs_overlays_trampoline_lowered:
0x8: {  	[smem:$0x3FAA] =	sst s0  }
0x9: {  	[smem:$0x3FAB] =	sst s1  }
0xa: {  	[smem:$0x3FAC] =	sst s2  }
0xb: {  	[smem:$0x3FAD] =	sst s3  }
0xc: {  	[smem:$0x3FAE] =	sst s4  }
0xd: {  	[smem:$0x3FAF] =	sst s5  }
0xe: {  	[smem:$0x3FB0] =	sst s6  }
0xf: {  	[smem:$0x3FB1] =	sst s7  }
0x10: {  	[smem:$0x3FB2] =	sst s8  }
0x11: {  	[smem:$0x3FB3] =	sst s9;
	s0 =	simm.s32 @!p0 $0x0  }
0x12: {  	s1 =	sld [smem:$0x3F99];
	s0 =	simm.s32 @p0 $0x1  }
0x13: {  	[smem:$0x3FB4] =	sst s0;
	s0 =	simm.s32 @!p1 $0x0  }
0x14: {  	s2 =	sld [smem:$0x3F98];
	s0 =	simm.s32 @p1 $0x1  }
0x15: {  	[smem:$0x3FB5] =	sst s0;
	s0 =	simm.s32 @!p2 $0x0  }
0x16: {  	s3 =	sld [smem:$0x3FDB];
	s0 =	simm.s32 @p2 $0x1  }
0x17: {  	s4 =	simm.s32 $0x1BF5;
	[smem:$0x3FB7] =	sst s0  }
0x18: {  	s0 =	sld [smem:$0x3F9A];
	_ =	swait.ge [sflag:s4], $0x0  }
0x19: {  	s7 =	sld [smem:$0x3F9B]  }
0x1a: {  	s8 =	sadd.s32 $0xFFFFE003, lr  }
0x1b: {  	s9 =	sadd.s32 $0xFFFFFEF7, lr;
	s5 =	simm.s32 $0xFFFFFFFF;
	p2 =	slt.u32 s8, $0xFFFFF086  }
0x1c: {  	p1 =	slt.u32 s9, $0xF7A;
	s5 =	simm.s32 @!p2 $0x0  }
0x1d: {  	s5 =	simm.s32 @p1 $0x1;
	p0 =	seq.s32 s7, s2  }
0x1e: {  	s7 =	smul.u32 @!p0 $0xF7A, s2;
	p2 =	seq.s32 @!p0 s5, $0x0  }
0x1f: {  	s9 =	smul.u32 $0xF7A, s1;
	s8 =	simm.s32 @!p0 $0x1BF5;
	p2 =	por !p2, p0  }
0x20: {  	[sflag:s8] =	ssyncset.s32 @!p0 $0xFFFFF086;
	s6 =	sadd.s32 @!p0 s3, s7;
	s7 =	simm.s32 @!p0 $0x108  }
0x21: {  	s3 =	sadd.s32 s3, s9;
	s6 =	sadd.s32 @!p0 $0x88, s6;
	s7 =	simm.s32 @p2 $0x1082  }
0x22: {  	[simem:s7], [sflag:s8] =	dma.local @!p0 [hbm:s6], $0xF7A  }
0x23: {  	s9 =	sor.u32 $0xD0000000, s2;
	s6 =	simm.s32 $0x108;
	_ =	swait.ge @!p0 [sflag:s8], $0x0  }
0x24: {  	s3 =	sadd.s32 $0x88, s3;
	s6 =	simm.s32 @!p1 $0x1082;
	[sflag:s4] =	ssyncset.s32 $0xFFFFF086  }
0x25: {  	[simem:s6], [sflag:s4] =	dma.local [hbm:s3], $0xF7A  }
0x26: {  	[smem:$0x3F9B] =	sst s1;
	(tag) =	ssettag s2;
	_ =	strace s9  }
0x27: {  	s1 =	sld [smem:$0x3FAB]  }
0x28: {  	s2 =	sld [smem:$0x3FAC]  }
0x29: {  	s4 =	sld [smem:$0x3FAE]  }
0x2a: {  	p0 =	seq.s32 s5, $0x0;
	s5 =	sld [smem:$0x3FAF]  }
0x2b: {  	s6 =	sld [smem:$0x3FB0]  }
0x2c: {  	s7 =	sld [smem:$0x3FB1]  }
0x2d: {  	s3 =	simm.s32 $0x108;
	s8 =	sld [smem:$0x3FB2]  }
0x2e: {  	s3 =	simm.s32 @!p0 $0x1082;
	s9 =	sld [smem:$0x3FB3]  }
0x2f: {  	lr =	sadd.s32 s0, s3;
	s0 =	sld [smem:$0x3FAA]  }
0x30: {  	s3 =	sld [smem:$0x3FAD]  }
0x31: {  	[smem:$0x3FB6] =	sst s10  }
0x32: {  	s10 =	sld [smem:$0x3FB4];
	_ =	sdelay $0x3  }
0x33: {  	p0 =	seq.s32 s10, $0x1;
	s10 =	sld [smem:$0x3FB6];
	_ =	sdelay $0x3  }
0x34: {  	[smem:$0x3FB6] =	sst s10  }
0x35: {  	s10 =	sld [smem:$0x3FB5];
	_ =	sdelay $0x3  }
0x36: {  	p1 =	seq.s32 s10, $0x1;
	s10 =	sld [smem:$0x3FB6];
	_ =	sdelay $0x3  }
0x37: {  	[smem:$0x3FB6] =	sst s10  }
0x38: {  	s10 =	sld [smem:$0x3FB7]  }
0x39: {  	_ = 	snop;
	(pc) =	sbr.ind lr, $3  }
0x3a: {  	_ = 	snop  }
0x3b: {  	_ = 	snop  }
0x3c: {  	p2 =	seq.s32 s10, $0x1;
	s10 =	sld [smem:$0x3FB6]  }
0x3d: {  	_ =	shalt  }
0x3e: {  	_ =	shalt  }
0x3f: {  	_ =	shalt  }
0x40: {  	_ =	shalt  }
0x41: {  	_ =	shalt  }
0x42: {  	_ =	shalt  }
0x43: {  	_ =	shalt  }
0x44: {  	_ =	shalt  }
0x45: {  	_ =	shalt  }
0x46: {  	_ =	shalt  }
0x47: {  	_ =	shalt  }
0x48: {  	_ =	shalt  }
0x49: {  	_ =	shalt  }
0x4a: {  	_ =	shalt  }
0x4b: {  	_ =	shalt  }
0x4c: {  	_ =	shalt  }
0x4d: {  	_ =	shalt  }
0x4e: {  	_ =	shalt  }
0x4f: {  	_ =	shalt  }
0x50: {  	_ =	shalt  }
0x51: {  	_ =	shalt  }
0x52: {  	_ =	shalt  }
0x53: {  	_ =	shalt  }
0x54: {  	_ =	shalt  }
0x55: {  	_ =	shalt  }
0x56: {  	_ =	shalt  }
0x57: {  	_ =	shalt  }
0x58: {  	_ =	shalt  }
0x59: {  	_ =	shalt  }
0x5a: {  	_ =	shalt  }
0x5b: {  	_ =	shalt  }
0x5c: {  	_ =	shalt  }
0x5d: {  	_ =	shalt  }
0x5e: {  	_ =	shalt  }
0x5f: {  	_ =	shalt  }
0x60: {  	_ =	shalt  }
0x61: {  	_ =	shalt  }
0x62: {  	_ =	shalt  }
0x63: {  	_ =	shalt  }
0x64: {  	_ =	shalt  }
0x65: {  	_ =	shalt  }
0x66: {  	_ =	shalt  }
0x67: {  	_ =	shalt  }
0x68: {  	_ =	shalt  }
0x69: {  	_ =	shalt  }
0x6a: {  	_ =	shalt  }
0x6b: {  	_ =	shalt  }
0x6c: {  	_ =	shalt  }
0x6d: {  	_ =	shalt  }
0x6e: {  	_ =	shalt  }
0x6f: {  	_ =	shalt  }
0x70: {  	_ =	shalt  }
0x71: {  	_ =	shalt  }
0x72: {  	_ =	shalt  }
0x73: {  	_ =	shalt  }
0x74: {  	_ =	shalt  }
0x75: {  	_ =	shalt  }
0x76: {  	_ =	shalt  }
0x77: {  	_ =	shalt  }
0x78: {  	_ =	shalt  }
0x79: {  	_ =	shalt  }
0x7a: {  	_ =	shalt  }
0x7b: {  	_ =	shalt  }
0x7c: {  	_ =	shalt  }
0x7d: {  	_ =	shalt  }
0x7e: {  	_ =	shalt  }
0x7f: {  	_ =	shalt  }
0x80: {  	_ =	shalt  }
0x81: {  	_ =	shalt  }
0x82: {  	_ =	shalt  }
0x83: {  	_ =	shalt  }
0x84: {  	_ =	shalt  }
0x85: {  	_ =	shalt  }
0x86: {  	_ =	shalt  }
0x87: {  	_ =	shalt  }
.Lfunc_end0:
.L_simem_size_0:
called_computation_lowered:
.L_overlay_start_0:
0x88: {  	s2 =	sld [smem:$0x3FD9]  }
0x89: {  	s3 =	sld [smem:$0x3FFE];
	_ =	sdelay $0x1  }
0x8a: {  	s1 =	srdreg.scid  }
0x8b: {  	s0 =	sand.u32 $0x1, s1  }
0x8c: {  	s17 =	sshll.u32 s0, $0xA;
	s2 =	sadd.s32 s3, s2  }
0x8d: {  	s2 =	sadd.s32 s2, s17  }
0x8e: {  	[smem:$0x3FC2] =	sst s2  }
0x8f: {  	_ = 	snop  }
0x90: {  	s2 =	sld [smem:$0x3FD0];
	(tm) =	ssettm $0x1  }
0x91: {  	s18 =	sld [smem:$0x3FFB];
	_ =	sdelay $0x3  }
0x92: {  	_ =	strace s18  }
0x93: {  	s3 =	sld [smem:$0x3FFC];
	_ =	sdelay $0x3  }
0x94: {  	_ =	strace s3  }
0x95: {  	s3 =	sld [smem:$0x3FFD];
	_ =	sdelay $0x3  }
0x96: {  	_ =	strace s3  }
0x97: {  	_ =	strace $0x8FFFFFFF  }
0x98: {  	s19 =	sld [smem:$0x3FDB];
	_ =	sdelay $0x1  }
0x99: {  	s4 =	simm.s32 $_scs_section_size  }
0x9a: {  	s5 =	simm.s32 $_size__tile_overlayer_lowered;
	s6 =	simm.s32 $_tile_overlayer_lowered  }
0x9b: {  	s22 =	simm.s32 $0x1BFF;
	s21 =	sshll.u32 s6, $0x1;
	s3 =	sadd.s32 s4, s19  }
0x9c: {  	s7 =	simm.s32 $0x0;
	s20 =	sshll.u32 s5, $0x1;
	s5 =	sadd.s32 s21, s3  }
0x9d: {  	[timem:s7], [sflag:s22] =	dma.local [hbm:s5], s20  }
0x9e: {  	_ =	swait.ge [sflag:s22], s20  }
0x9f: {  	s4 =	ssub.s32 $0x0, s20;
	[sflag:s22] =	ssyncset.done $0x0  }
0xa0: {  	[sflag:s22] =	ssyncadd.s32 s4;
	_ =	sdelay $0x1  }
0xa1: {  	s23 =	simm.s32 $0x1B8B  }
0xa2: {  	_ =	swait.ge [sflag:s23], $0x1  }
0xa3: {  	[sflag:s23] =	ssyncset.done $0x0  }
0xa4: {  	s25 =	simm.s32 $0x1B8E;
	s24 =	sld [smem:$0x3FFE];
	[sflag:s23] =	ssyncadd.s32 $0xFFFFFFFF  }
0xa5: {  	s26 =	simm.s32 $execute0_lowered;
	[smem:$0x3FD2] =	sst s25  }
0xa6: {  	s5 =	sshll.u32 s26, $0x1;
	_ =	strace $0x80000046;
	[dreg:$0x1] =	wrdreg $0xFFFFFFFF  }
0xa7: {  	s28 =	simm.s32 $_size_execute0_lowered;
	s3 =	sadd.s32 s3, s5;
	[dreg:$0x0] =	wrdreg $0x0  }
0xa8: {  	s5 =	sshll.u32 s28, $0x1;
	[dreg:$0x2] =	wrdreg s3  }
0xa9: {  	[dreg:$0x3] =	wrdreg s5  }
0xaa: {  	[dreg:$0x4] =	wrdreg $0xC0  }
0xab: {  	_ =	task [dreg:s7], $0x5FFFF  }
0xac: {  	[dreg:$0x1] =	wrdreg $0xFFFFFFFF  }
0xad: {  	[dreg:$0x0] =	wrdreg $0x60  }
0xae: {  	[dreg:$0x2] =	wrdreg s2  }
0xaf: {  	[dreg:$0x3] =	wrdreg s24  }
0xb0: {  	[dreg:$0x4] =	wrdreg $0x2F000  }
0xb1: {  	[dreg:$0x5] =	wrdreg $0x9  }
0xb2: {  	_ =	task.clear_ibuf [dreg:s7], $0x6FFFF;
	_ =	strace $0x90000046  }
0xb3: {  	s29 =	simm.s32 $0x9;
	_ =	strace $0x80000048  }
0xb4: {  	_ =	swait.ge [sflag:s29], $0x1  }
0xb5: {  	[sflag:s29] =	ssyncadd.s32 $0xFFFFFFFF  }
0xb6: {  	_ =	strace $0x90000048  }
0xb7: {  	_ =	sfence  }
0xb8: {  	s30 =	sld [smem:$0x0];
	_ =	sdelay $0x2  }
0xb9: {  	s31 =	sshll.u32 s1, $0xD;
	s1 =	sshrl.u32 s1, $0x2  }
0xba: {  	s3 =	sand.u32 $0x4000, s31;
	s1 =	sadd.s32 s1, s30  }
0xbb: {  	s0 =	sor.u32 s3, s0;
	s1 =	sshll.u32 s1, $0x11  }
0xbc: {  	s0 =	sor.u32 s1, s0  }
0xbd: {  	s0 =	sadd.s32 $0x8F2B, s0  }
0xbe: {  	[sflag:s0] =	ssyncadd.remote.s32 $0x1  }
0xbf: {  	_ =	sfence.sel $0xFFFF  }
0xc0: {  	[dreg:$0x0] =	wrdreg $0xFFFFFFFF;
	(pc) =	sbr.abs _section_cstart, $3  }
0xc1: {  	[dreg:$0x1] =	wrdreg $0xFFFFFFFF  }
0xc2: {  	_ =	task.clear_ibuf [dreg:s7], $0x2FFFF;
	_ =	strace $0x9FFFFFFF  }
0xc3: {  	(tm) =	ssettm $0x7FFFFFFF  }
tec
execute0_lowered:
.L_overlay_start_1:
0x0: {  	(tag) =	ssettag $0x1  }
0x1: {  	s4 =	rddreg [dreg:$0x0]  }
0x2: {  	s5 =	rddreg [dreg:$0x1];
	s0 =	srdreg.scid  }
0x3: {  	s2 =	rddreg [dreg:$0x2];
	s1 =	stileid.u32;
	s3 =	simm.s32 $0x0  }
0x4: {  	s11 =	simm.s32 $0x2C00;
	s12 =	simm.s32 $0x1;
	s13 =	simm.s32 $0x2  }
0x5: {  	s16 =	simm.s32 $0x20;
	s17 =	simm.s32 $0x10;
	s18 =	simm.s32 $0x0  }
0x6: {  	s6 =	sand.u32 $0x1, s0;
	s0 =	rddreg [dreg:$0x3];
	s7 =	smul.u32 $0x500, s1  }
0x7: {  	[smem:$0x7FF] =	sst s3;
	s29 =	smul.u32 $0xA00, s1;
	s14 =	sshll.u32 s1, $0x6  }
0x8: {  	s8 =	sshll.u32 s6, $0x4;
	s9 =	sshll.u32 s6, $0x7;
	s6 =	ssub.s32 $0x2, s6  }
0x9: {  	_ =	strace $0x80000047;
	s14 =	sor.u32 $0x1C03, s14;
	s8 =	sor.u32 s1, s8  }
0xa: {  	s7 =	sor.u32 s9, s7;
	s30 =	sshrl.u32 s6, $0x1;
	s31 =	sshrl.u32 s29, $0x2  }
0xb: {  	s9 =	simm.s32 $0x2C80;
	s8 =	smul.u32 $0x580, s8;
	s7 =	sshrl.u32 s7, $0x3  }
0xc: {  	s10 =	ssub.s32 s6, s30;
	s7 =	sadd.s32 s7, s5;
	s5 =	sadd.s32 s31, s2  }
0xd: {  	s4 =	sadd.s32 s4, s8;
	s6 =	sadd.s32 $0x2000, s7;
	s7 =	smax.u32 s10, $0x1  }
0xe: {  	v0 =	vimm.f32 $1.000000000e+00;
	v1 =	vimm.f32 $0.0e+00;
	s8 =	simm.s32 $0x3;
	s10 =	simm.s32 $0x80;
	s15 =	sshrl.u32 s5, $0x3  }
.LBB2_1:
0xf: {  	[tilespmem:$0x2C00] =	vst v0  }
0x10: {  	[tilespmem:$0x2C10] =	vst v0  }
0x11: {  	[tilespmem:$0x2C20] =	vst v0  }
0x12: {  	[tilespmem:$0x2C30] =	vst v0  }
0x13: {  	[tilespmem:$0x2C40] =	vst v0  }
0x14: {  	[tilespmem:$0x2C50] =	vst v0  }
0x15: {  	[tilespmem:$0x2C60] =	vst v0  }
0x16: {  	[tilespmem:$0x2C70] =	vst v0  }
0x17: {  	[tilespmem:$0x2C80] =	vst v1  }
0x18: {  	[tilespmem:$0x2C90] =	vst v1  }
0x19: {  	[tilespmem:$0x2CA0] =	vst v1  }
0x1a: {  	[tilespmem:$0x2CB0] =	vst v1  }
0x1b: {  	[tilespmem:$0x2CC0] =	vst v1  }
0x1c: {  	[tilespmem:$0x2CD0] =	vst v1  }
0x1d: {  	[tilespmem:$0x2CE0] =	vst v1  }
0x1e: {  	[tilespmem:$0x2CF0] =	vst v1  }
0x1f: {  	[tilespmem:$0x2D00] =	vst v1  }
0x20: {  	[tilespmem:$0x2D10] =	vst v1  }
0x21: {  	[tilespmem:$0x2D20] =	vst v1  }
0x22: {  	[tilespmem:$0x2D30] =	vst v1  }
0x23: {  	[tilespmem:$0x2D40] =	vst v1  }
0x24: {  	[tilespmem:$0x2D50] =	vst v1  }
0x25: {  	[tilespmem:$0x2D60] =	vst v1  }
0x26: {  	[tilespmem:$0x2D70] =	vst v1  }
0x27: {  	[tilespmem:$0x2D80] =	vst v1  }
0x28: {  	[tilespmem:$0x2D90] =	vst v1  }
0x29: {  	[tilespmem:$0x2DA0] =	vst v1  }
0x2a: {  	[tilespmem:$0x2DB0] =	vst v1  }
0x2b: {  	[tilespmem:$0x2DC0] =	vst v1  }
0x2c: {  	[tilespmem:$0x2DD0] =	vst v1  }
0x2d: {  	[tilespmem:$0x2DE0] =	vst v1  }
0x2e: {  	[tilespmem:$0x2DF0] =	vst v1  }
0x2f: {  	[tilespmem:$0x2E00] =	vst v1  }
0x30: {  	[tilespmem:$0x2E10] =	vst v1  }
0x31: {  	[tilespmem:$0x2E20] =	vst v1  }
0x32: {  	[tilespmem:$0x2E30] =	vst v1  }
0x33: {  	[tilespmem:$0x2E40] =	vst v1  }
0x34: {  	[tilespmem:$0x2E50] =	vst v1  }
0x35: {  	[tilespmem:$0x2E60] =	vst v1  }
0x36: {  	[tilespmem:$0x2E70] =	vst v1  }
0x37: {  	[tilespmem:$0x2E80] =	vst v1  }
0x38: {  	[tilespmem:$0x2E90] =	vst v1  }
0x39: {  	[tilespmem:$0x2EA0] =	vst v1  }
0x3a: {  	[tilespmem:$0x2EB0] =	vst v1  }
0x3b: {  	[tilespmem:$0x2EC0] =	vst v1  }
0x3c: {  	[tilespmem:$0x2ED0] =	vst v1  }
0x3d: {  	[tilespmem:$0x2EE0] =	vst v1  }
0x3e: {  	[tilespmem:$0x2EF0] =	vst v1  }
0x3f: {  	[tilespmem:s3], [sflag:$0x3] =	stream.linear.gather [hbm4b:s4+s3], $0x2A00, $0x38;
	[tilespmem:$0x3180] =	vst v63  }
0x40: {  	_ =	swait.ge [sflag:s8], $0x2A00  }
0x41: {  	[sflag:s8] =	ssyncset.done $0x0  }
0x42: {  	[sflag:s8] =	ssyncadd.s32 $0xFFFFD600  }
0x43: {  	[spmem:s5] =	stream.linear.scatter [tilespmem:s9], [sflag:$0x3], $0x280, $0x38;
	[tilespmem:$0x3180] =	vst v63  }
0x44: {  	_ =	swait.ge [sflag:s8], $0x280  }
0x45: {  	[sflag:s8] =	ssyncset.done $0x0  }
0x46: {  	[sflag:s8] =	ssyncadd.s32 $0xFFFFFD80  }
0x47: {  	[bflag:$0x0] =	sbarrier.arrive $0xFFFF  }
0x48: {  	[spmem:s2] =	stream.indirect.scatter.add.f32 [tilespmem:s11], [sflag:$0x1], $0x1, s3, s10, $0xb8;
	[tilespmem:$0x3180] =	vst v63  }
0x49: {  	_ = 	snop  }
0x4a: {  	[spmem:s2] =	stream.indirect.scatter.add.f32 [tilespmem:s11], [sflag:$0x2], $0x1, s10, s10, $0xb8;
	[tilespmem:$0x3180] =	vst v63  }
0x4b: {  	_ =	swait.ge [sflag:s12], $0x80  }
0x4c: {  	[sflag:s12] =	ssyncset.done $0x0  }
0x4d: {  	s19 =	simm.s32 $0x100;
	[sflag:s12] =	ssyncadd.s32 $0xFFFFFF80  }
0x4e: {  	[spmem:s2] =	stream.indirect.scatter.add.f32 [tilespmem:s11], [sflag:$0x1], $0x1, s19, s10, $0xb8;
	[tilespmem:$0x3180] =	vst v63  }
0x4f: {  	_ =	swait.ge [sflag:s13], $0x80  }
0x50: {  	[sflag:s13] =	ssyncset.done $0x0  }
0x51: {  	s20 =	simm.s32 $0x180;
	s19 =	simm.s32 $0xFFFF6000;
	[sflag:s13] =	ssyncadd.s32 $0xFFFFFF80  }
.LBB2_2:
0x52: {  	[spmem:s2] =	stream.indirect.scatter.add.f32 [tilespmem:s11], [sflag:$0x2], $0x1, s20, s10, $0xb8;
	[tilespmem:$0x3180] =	vst v63  }
0x53: {  	s20 =	smov.u32 s19  }
0x54: {  	p0 =	sne.s32 s19, $0xFFFFFC00;
	s19 =	sadd.s32 $0x400, s19;
	_ =	swait.ge [sflag:s12], $0x80  }
0x55: {  	s20 =	sshra.s32 s20, $0x2;
	[sflag:s12] =	ssyncset.done $0x0  }
.Ltmp0:
0x56: {  	s21 =	sadd.s32 $0x2A00, s20;
	[sflag:s12] =	ssyncadd.s32 $0xFFFFFF80;
	(pc) =	sbr.rel @p0 .LBB2_2-.Ltmp0, $4  }
0x57: {  	[spmem:s2] =	stream.indirect.scatter.add.f32 [tilespmem:s11], [sflag:$0x1], $0x1, s21, s10, $0xb8;
	[tilespmem:$0x3180] =	vst v63  }
0x58: {  	_ =	swait.ge [sflag:s13], $0x80  }
0x59: {  	[sflag:s13] =	ssyncset.done $0x0  }
0x5a: {  	s20 =	sadd.s32 $0x2A80, s20;
	[sflag:s13] =	ssyncadd.s32 $0xFFFFFF80  }
0x5b: {  	[spmem:s2] =	stream.indirect.scatter.add.f32 [tilespmem:s11], [sflag:$0x2], $0x1, s20, s10, $0xb8;
	[tilespmem:$0x3180] =	vst v63  }
0x5c: {  	_ =	swait.ge [sflag:s12], $0x80  }
0x5d: {  	[sflag:s12] =	ssyncset.done $0x0  }
0x5e: {  	[sflag:s12] =	ssyncadd.s32 $0xFFFFFF80  }
0x5f: {  	_ =	swait.ge [sflag:s13], $0x80  }
0x60: {  	s18 =	sadd.s32 $0x1, s18;
	[sflag:s13] =	ssyncset.done $0x0  }
0x61: {  	p0 =	sne.s32 s18, s7;
	[sflag:s13] =	ssyncadd.s32 $0xFFFFFF80  }
.Ltmp1:
0x62: {  	[bflag:$0x0] =	sbarrier.arrive $0xFFFF;
	(pc) =	sbr.rel @p0 .LBB2_1-.Ltmp1, $4  }
0x63: {  	[hbm:s6@s16], [sflag:s14] =	dma.strided [spmem:s15@s17], $0x50, s12, $0x10   }
0x64: {  	_ =	swait.ge [sflag:s8], $0x50  }
0x65: {  	[sflag:s8] =	ssyncset.done $0x0  }
0x66: {  	[sflag:s8] =	ssyncadd.s32 $0xFFFFFFB0  }
0x67: {  	_ =	sfence.sel $0x180000  }
0x68: {  	[bflag:$0x0] =	sbarrier.arrive $0xFFFF  }
0x69: {  	p0 =	sne.s32 s1, $0x0;
	_ =	strace $0x90000047  }
0x6a: {  	s0 =	sadd.s32 @!p0 $0x100000, s0;
	[bflag:$0x2] =	sbarrier.arrive $0xFFFF  }
0x6b: {  	[sflag:s0] =	ssyncadd.tile.s32 @!p0 $0x1;
	_ =	shalt  }
.Lfunc_end2:
_tile_overlayer_lowered:
.L_overlay_start_2:
0x6c: {  	(tag) =	ssettag $0x2  }
0x6d: {  	s0 =	rddreg [dreg:$0x0];
	s2 =	stileid.u32  }
0x6e: {  	s1 =	rddreg [dreg:$0x1];
	p0 =	sne.s32 s2, $0x0  }
0x6f: {  	s3 =	rddreg [dreg:$0x2];
	[bflag:$0x3] =	sbarrier.arrive $0xFFFF;
	s2 =	simm.s32 @!p0 $0x1C03  }
0x70: {  	[timem:s3], [sflag:s2] =	dma.local @!p0 [hbm:s0], s1  }
0x71: {  	s0 =	simm.s32 @!p0 $0x3  }
0x72: {  	_ =	swait.ge @!p0 [sflag:s0], s1  }
0x73: {  	s1 =	ssub.s32 @!p0 $0x0, s1;
	[sflag:s0] =	ssyncset.done @!p0 $0x0  }
0x74: {  	[sflag:s0] =	ssyncadd.s32 @!p0 s1  }
0x75: {  	[bflag:$0x3] =	sbarrier.arrive $0xFFFF  }
0x76: {  	_ =	shalt  }

</sc_bundles>
